<compile_context>
chip_gen: v7x
topology: tpu7x:2x2x1
jax: 0.10.2.dev20260603
libtpu: 0.0.44.dev20260713+nightly
codegen_flags: <defaults>
</compile_context>

<pallas_src>
import functools

import jax
import jax.numpy as jnp
from jax import lax
from jax.experimental import pallas as pl
from jax.experimental.pallas import tpu as pltpu
from jax.experimental.pallas import tpu_sc as plsc




def _dinv_from_partials(degp):
    deg = degp[0, :, 0:1] + degp[1, :, 0:1] + 1.0
    return lax.rsqrt(deg)


def _mm_scale_body(x_ref, w_ref, degp_ref, o_ref):
    h = jnp.dot(x_ref[...], w_ref[...], preferred_element_type=jnp.float32)
    h = h * _dinv_from_partials(degp_ref[...])
    d = h.shape[1] // 2
    o_ref[0] = h[:, :d]
    o_ref[1] = h[:, d:]


def _mm_scale(x, w, degp, block_rows=400):
    n, k = x.shape
    m = w.shape[1]
    return pl.pallas_call(
        _mm_scale_body,
        grid=(n // block_rows,),
        in_specs=[
            pl.BlockSpec((block_rows, k), lambda i: (i, 0)),
            pl.BlockSpec((k, m), lambda i: (0, 0)),
            pl.BlockSpec((2, block_rows, 16), lambda i: (0, i, 0)),
        ],
        out_specs=pl.BlockSpec((2, block_rows, m // 2), lambda i: (0, i, 0)),
        out_shape=jax.ShapeDtypeStruct((2, n, m // 2), jnp.float32),
    )(x, w, degp)


def _layer2_body(acc_ref, degp_ref, b1_ref, w2_ref, o_ref):
    dinv = _dinv_from_partials(degp_ref[...])
    acc = jnp.concatenate([acc_ref[0], acc_ref[1]], axis=1)
    g = jnp.maximum(acc * dinv + b1_ref[...], 0.0)
    h2 = jnp.dot(g, w2_ref[...], preferred_element_type=jnp.float32)
    h2 = h2 * dinv
    d = h2.shape[1] // 2
    o_ref[0] = h2[:, :d]
    o_ref[1] = h2[:, d:]


def _layer2(acc, degp, b1, w2, block_rows=400):
    _, n, dh = acc.shape
    d = 2 * dh
    m = w2.shape[1]
    return pl.pallas_call(
        _layer2_body,
        grid=(n // block_rows,),
        in_specs=[
            pl.BlockSpec((2, block_rows, dh), lambda i: (0, i, 0)),
            pl.BlockSpec((2, block_rows, 16), lambda i: (0, i, 0)),
            pl.BlockSpec((1, d), lambda i: (0, 0)),
            pl.BlockSpec((d, m), lambda i: (0, 0)),
        ],
        out_specs=pl.BlockSpec((2, block_rows, m // 2), lambda i: (0, i, 0)),
        out_shape=jax.ShapeDtypeStruct((2, n, m // 2), jnp.float32),
    )(acc, degp, b1, w2)


def _out_body(acc_ref, degp_ref, b2_ref, o_ref):
    dinv = _dinv_from_partials(degp_ref[...])
    acc = jnp.concatenate([acc_ref[0], acc_ref[1]], axis=1)
    o = acc * dinv + b2_ref[...]
    m = jnp.max(o, axis=1, keepdims=True)
    e = jnp.exp(o - m)
    lse = jnp.log(jnp.sum(e, axis=1, keepdims=True)) + m
    o_ref[...] = o - lse


def _out_layer(acc, degp, b2, block_rows=400):
    _, n, dh = acc.shape
    d = 2 * dh
    return pl.pallas_call(
        _out_body,
        grid=(n // block_rows,),
        in_specs=[
            pl.BlockSpec((2, block_rows, dh), lambda i: (0, i, 0)),
            pl.BlockSpec((2, block_rows, 16), lambda i: (0, i, 0)),
            pl.BlockSpec((1, d), lambda i: (0, 0)),
        ],
        out_specs=pl.BlockSpec((block_rows, d), lambda i: (i, 0)),
        out_shape=jax.ShapeDtypeStruct((n, d), jnp.float32),
    )(acc, degp, b2)




_DCHUNK = 128


@functools.lru_cache(maxsize=None)
def _make_deg_kernel(n_nodes, n_chunks_per_w):
    info = plsc.get_sparse_core_info()
    nc, ns = info.num_cores, info.num_subcores
    n_acc = n_nodes + 8
    rch = 80
    n_rch = n_nodes // rch
    k_max = -(-n_rch // ns)
    nbuf = _NBUF
    assert n_chunks_per_w % nbuf == 0
    n_rounds = n_chunks_per_w // nbuf
    mesh = plsc.VectorSubcoreMesh(core_axis_name="c", subcore_axis_name="s")

    @functools.partial(
        pl.kernel,
        out_type=jax.ShapeDtypeStruct((nc, n_nodes, 16), jnp.float32),
        mesh=mesh,
        scratch_types=[
            [pltpu.VMEM((nbuf, _DCHUNK), jnp.int32) for _ in range(2)],
            pltpu.VMEM((_DCHUNK, 16), jnp.float32),
            pltpu.VMEM_SHARED((n_acc, 16), jnp.float32),
            pltpu.SemaphoreType.DMA,
            [pltpu.SemaphoreType.DMA for _ in range(2)],
        ],
        compiler_params=pltpu.CompilerParams(use_tc_tiling_on_sc=False),
    )
    def deg_kernel(dst_hbm, zeros_hbm, ones_hbm, out_hbm,
                   dst_blk, ones_v, acc_sh, ssem, isem):
        c = lax.axis_index("c")
        s = lax.axis_index("s")
        wid = s * nc + c
        cbase = wid * n_chunks_per_w
        for k in range(k_max):
            cid = s + k * ns
            if n_rch % ns == 0 or k < k_max - 1:
                pltpu.sync_copy(zeros_hbm, acc_sh.at[pl.ds(cid * rch, rch)])
            else:
                @pl.when(cid < n_rch)
                def _():
                    pltpu.sync_copy(zeros_hbm, acc_sh.at[pl.ds(cid * rch, rch)])
        pltpu.sync_copy(ones_hbm, ones_v)
        plsc.subcore_barrier()

        pltpu.sync_copy(dst_hbm.at[pl.ds(cbase, nbuf)], dst_blk[0])

        def round_body(g, carry):
            i = lax.rem(g, 2)

            @pl.when(g + 1 < n_rounds)
            def _():
                nxt = cbase + (g + 1) * nbuf
                for t in range(2):
                    @pl.when(i == 1 - t)
                    def _(t=t):
                        pltpu.async_copy(dst_hbm.at[pl.ds(nxt, nbuf)],
                                         dst_blk[t], isem[t])

            for t in range(2):
                @pl.when(i == t)
                def _(t=t):
                    for b in range(nbuf):
                        pltpu.async_copy(ones_v, acc_sh.at[dst_blk[t].at[b]],
                                         ssem, add=True)
                    for b in range(nbuf):
                        pltpu.make_async_copy(ones_v,
                                              acc_sh.at[dst_blk[t].at[b]],
                                              ssem).wait()

                    @pl.when(g + 1 < n_rounds)
                    def _(t=t):
                        pltpu.make_async_copy(dst_hbm.at[pl.ds(cbase, nbuf)],
                                              dst_blk[1 - t], isem[1 - t]).wait()
            return carry

        lax.fori_loop(0, n_rounds, round_body, 0)
        plsc.subcore_barrier()
        for k in range(k_max):
            cid = s + k * ns

            def _drain(cid=cid):
                pltpu.sync_copy(acc_sh.at[pl.ds(cid * rch, rch)],
                                out_hbm.at[c, pl.ds(cid * rch, rch)])

            if n_rch % ns == 0 or k < k_max - 1:
                _drain()
            else:
                pl.when(cid < n_rch)(_drain)

    return deg_kernel


_CHUNK = 128
_NBUF = 2


@functools.lru_cache(maxsize=None)
def _make_agg_kernel(n_nodes, n_chunks_per_tile, dhalf):
    info = plsc.get_sparse_core_info()
    nc, ns = info.num_cores, info.num_subcores
    n_acc = n_nodes + 8
    rch = 80
    n_rch = n_nodes // rch
    k_max = -(-n_rch // ns)
    nbuf = _NBUF
    assert n_chunks_per_tile % nbuf == 0
    n_rounds = n_chunks_per_tile // nbuf
    mesh = plsc.VectorSubcoreMesh(core_axis_name="c", subcore_axis_name="s")

    @functools.partial(
        pl.kernel,
        out_type=jax.ShapeDtypeStruct((nc, n_nodes, dhalf), jnp.float32),
        mesh=mesh,
        scratch_types=[
            [pltpu.VMEM((nbuf, _CHUNK), jnp.int32) for _ in range(2)],
            [pltpu.VMEM((nbuf, _CHUNK), jnp.int32) for _ in range(2)],
            [pltpu.VMEM((_CHUNK, dhalf), jnp.float32) for _ in range(nbuf)],
            pltpu.VMEM_SHARED((n_acc, dhalf), jnp.float32),
            [pltpu.SemaphoreType.DMA for _ in range(nbuf)],
            [pltpu.SemaphoreType.DMA for _ in range(nbuf)],
            [pltpu.SemaphoreType.DMA for _ in range(2)],
            [pltpu.SemaphoreType.DMA for _ in range(2)],
        ],
        compiler_params=pltpu.CompilerParams(use_tc_tiling_on_sc=False),
    )
    def agg_kernel(hsplit_hbm, src_hbm, dst_hbm, out_hbm,
                   src_blk, dst_blk, rows_v, acc_sh, gsem, ssem, isem, jsem):
        c = lax.axis_index("c")
        s = lax.axis_index("s")
        table = hsplit_hbm.at[c]
        cbase = s * n_chunks_per_tile
        bounce = rows_v[0]

        for k in range(k_max):
            cid = s + k * ns

            def _init(cid=cid):
                pltpu.sync_copy(hsplit_hbm.at[c, pl.ds(cid * rch, rch)],
                                acc_sh.at[pl.ds(cid * rch, rch)])

            if n_rch % ns == 0 or k < k_max - 1:
                _init()
            else:
                pl.when(cid < n_rch)(_init)
        plsc.subcore_barrier()

        pltpu.sync_copy(src_hbm.at[pl.ds(cbase, nbuf)], src_blk[0])
        pltpu.sync_copy(dst_hbm.at[pl.ds(cbase, nbuf)], dst_blk[0])
        for b in range(nbuf):
            pltpu.async_copy(table.at[src_blk[0].at[b]], rows_v[b], gsem[b])

        def round_body(g, carry):
            i = lax.rem(g, 2)

            @pl.when(g + 1 < n_rounds)
            def _():
                nxt = cbase + (g + 1) * nbuf
                for t in range(2):
                    @pl.when(i == 1 - t)
                    def _(t=t):
                        pltpu.async_copy(src_hbm.at[pl.ds(nxt, nbuf)],
                                         src_blk[t], isem[t])
                        pltpu.async_copy(dst_hbm.at[pl.ds(nxt, nbuf)],
                                         dst_blk[t], jsem[t])

            for t in range(2):
                @pl.when(i == t)
                def _(t=t):
                    for b in range(nbuf):
                        pltpu.make_async_copy(table.at[src_blk[t].at[b]],
                                              rows_v[b], gsem[b]).wait()
                        pltpu.async_copy(rows_v[b],
                                         acc_sh.at[dst_blk[t].at[b]],
                                         ssem[b], add=True)
                    for b in range(nbuf):
                        pltpu.make_async_copy(rows_v[b],
                                              acc_sh.at[dst_blk[t].at[b]],
                                              ssem[b]).wait()

                        @pl.when(g + 1 < n_rounds)
                        def _(b=b, t=t):
                            if b == 0:
                                pltpu.make_async_copy(
                                    src_hbm.at[pl.ds(cbase, nbuf)],
                                    src_blk[1 - t], isem[1 - t]).wait()
                                pltpu.make_async_copy(
                                    dst_hbm.at[pl.ds(cbase, nbuf)],
                                    dst_blk[1 - t], jsem[1 - t]).wait()
                            pltpu.async_copy(table.at[src_blk[1 - t].at[b]],
                                             rows_v[b], gsem[b])
            return carry

        lax.fori_loop(0, n_rounds, round_body, 0)
        plsc.subcore_barrier()

        for k in range(k_max):
            cid = s + k * ns

            def _drain(cid=cid):
                pltpu.sync_copy(acc_sh.at[pl.ds(cid * rch, rch)],
                                out_hbm.at[c, pl.ds(cid * rch, rch)])

            if n_rch % ns == 0 or k < k_max - 1:
                _drain()
            else:
                pl.when(cid < n_rch)(_drain)

    return agg_kernel




def kernel(x, edge_index, W1, b1, W2, b2):
    n, d_in = x.shape
    d_hid = W1.shape[1]
    d_out = W2.shape[1]
    e = edge_index.shape[1]
    src = edge_index[0].astype(jnp.int32)
    dst = edge_index[1].astype(jnp.int32)

    info = plsc.get_sparse_core_info()
    ns = info.num_subcores
    nw = 2 * ns
    zeros_aux = jnp.zeros((80, 16), jnp.float32)
    ones_aux = jnp.ones((_DCHUNK, 16), jnp.float32)

    per_tile = e // ns
    n_chunks = -(-per_tile // _CHUNK)
    n_chunks += (-n_chunks) % _NBUF
    pad = n_chunks * _CHUNK - per_tile
    src2 = jnp.concatenate(
        [src.reshape(ns, per_tile), jnp.zeros((ns, pad), jnp.int32)], axis=1)
    src2 = src2.reshape(ns * n_chunks, _CHUNK)
    dst2 = jnp.concatenate(
        [dst.reshape(ns, per_tile), jnp.full((ns, pad), n, jnp.int32)], axis=1)
    dst2 = dst2.reshape(ns * n_chunks, _CHUNK)

    per_w = e // nw
    n_chunks_w = -(-per_w // _DCHUNK)
    n_chunks_w += (-n_chunks_w) % _NBUF
    fill_w = jnp.full((nw, n_chunks_w * _DCHUNK - per_w), n, dtype=jnp.int32)
    dst3 = jnp.concatenate([dst.reshape(nw, per_w), fill_w], axis=1)
    dst3 = dst3.reshape(nw * n_chunks_w, _DCHUNK)

    degp = _make_deg_kernel(n, n_chunks_w)(dst3, zeros_aux, ones_aux)
    hsplit = _mm_scale(x, W1, degp)
    acc1 = _make_agg_kernel(n, n_chunks, d_hid // 2)(hsplit, src2, dst2)
    h2split = _layer2(acc1, degp, b1.reshape(1, -1), W2)
    acc2 = _make_agg_kernel(n, n_chunks, d_out // 2)(h2split, src2, dst2)
    return _out_layer(acc2, degp, b2.reshape(1, -1))

# --- scband reference (transcript-rebuilt; emitter-appended) ---
"""Pipeline reference for scband-gcn-30459908063691 (READ-ONLY COPY).

The authoritative reference and input builder live on the scoring server;
editing this copy changes nothing except your own understanding.
"""

import jax, jax.numpy as jnp
import numpy as np

N = 10000
E = 160000
D_IN = 256
D_HID = 256
D_OUT = 64


def setup_inputs(seed: int = 0) -> dict:
    key = jax.random.key(seed)
    k1, k2, k3, k4, k5, k6 = jax.random.split(key, 6)
    x = jax.random.normal(k1, (N, D_IN), dtype=jnp.float32)
    edge_index = jax.random.randint(k2, (2, E), 0, N)
    # GCNConv layer 1 (CRD): weight [D_IN, D_HID], bias [D_HID]
    W1 = jax.random.normal(k3, (D_IN, D_HID), dtype=jnp.float32) * (1.0 / np.sqrt(D_IN))
    b1 = jnp.zeros((D_HID,), dtype=jnp.float32)
    # GCNConv layer 2 (CLS): weight [D_HID, D_OUT], bias [D_OUT]
    W2 = jax.random.normal(k4, (D_HID, D_OUT), dtype=jnp.float32) * (1.0 / np.sqrt(D_HID))
    b2 = jnp.zeros((D_OUT,), dtype=jnp.float32)
    return {"x": x, "edge_index": edge_index, "W1": W1, "b1": b1, "W2": W2, "b2": b2}


def gcn_conv(x, src, dst, W, b, n_nodes):
    # x @ W first (as in PyG GCNConv), then normalized aggregation with self-loops.
    h = x @ W
    deg = jnp.zeros((n_nodes,), dtype=jnp.float32).at[dst].add(1.0)
    dinv = jnp.where(deg > 0, 1.0 / jnp.sqrt(deg), 0.0)
    norm = dinv[src] * dinv[dst]
    msg = jnp.take(h, src, axis=0) * norm[:, None]
    out = jax.ops.segment_sum(msg, dst, num_segments=n_nodes)
    return out + b


def reference(x, edge_index, W1, b1, W2, b2):
    n_nodes = x.shape[0]
    loop = jnp.arange(n_nodes, dtype=edge_index.dtype)
    src = jnp.concatenate([edge_index[0], loop])
    dst = jnp.concatenate([edge_index[1], loop])
    # CRD: GCNConv -> ReLU -> dropout (eval mode: identity)
    h = gcn_conv(x, src, dst, W1, b1, n_nodes)
    h = jax.nn.relu(h)
    # CLS: GCNConv -> log_softmax
    out = gcn_conv(h, src, dst, W2, b2, n_nodes)
    out = jax.nn.log_softmax(out, axis=1)
    return out

if __name__ == "__main__":
    import jax
    _d = setup_inputs()
    print(jax.jit(kernel)(*tuple(_d.values())))

</pallas_src>

<mosaic_0001>
#map = affine_map<(d0, d1) -> (0, 0, 0)>
#map1 = affine_map<(d0, d1) -> (0, 0)>
module attributes {stable_mosaic.version = 14 : i64} {
  func.func @agg_kernel(%arg0: i32, %arg1: i32, %arg2: memref<2x10000x128xf32, #tpu.memory_space<hbm>>, %arg3: memref<1280x128xi32, #tpu.memory_space<hbm>>, %arg4: memref<1280x128xi32, #tpu.memory_space<hbm>>, %arg5: memref<2x10000x128xf32, #tpu.memory_space<hbm>>, %arg6: memref<2x128xi32, #tpu.memory_space<vmem>>, %arg7: memref<2x128xi32, #tpu.memory_space<vmem>>, %arg8: memref<2x128xi32, #tpu.memory_space<vmem>>, %arg9: memref<2x128xi32, #tpu.memory_space<vmem>>, %arg10: memref<128x128xf32, #tpu.memory_space<vmem>>, %arg11: memref<128x128xf32, #tpu.memory_space<vmem>>, %arg12: memref<10008x128xf32, #tpu.memory_space<vmem_shared>>, %arg13: memref<!tpu.dma_semaphore, #tpu.memory_space<semaphore_mem>>, %arg14: memref<!tpu.dma_semaphore, #tpu.memory_space<semaphore_mem>>, %arg15: memref<!tpu.dma_semaphore, #tpu.memory_space<semaphore_mem>>, %arg16: memref<!tpu.dma_semaphore, #tpu.memory_space<semaphore_mem>>, %arg17: memref<!tpu.dma_semaphore, #tpu.memory_space<semaphore_mem>>, %arg18: memref<!tpu.dma_semaphore, #tpu.memory_space<semaphore_mem>>, %arg19: memref<!tpu.dma_semaphore, #tpu.memory_space<semaphore_mem>>, %arg20: memref<!tpu.dma_semaphore, #tpu.memory_space<semaphore_mem>>) attributes {dimension_semantics = [#tpu.dimension_semantics<core_parallel>, #tpu.dimension_semantics<subcore_parallel>], iteration_bounds = array<i64: 2, 16>, scalar_prefetch = 0 : i64, scratch_operands = 15 : i64, tpu.core_type = #tpu.core_type<sc_vector_subcore>, window_params = [{transform_indices = #map}, {transform_indices = #map1}, {transform_indices = #map1}, {transform_indices = #map}]} {
    %mul3A = arith.constant 80 : i32
    %mul3A_0 = arith.muli %arg1, %mul3A : i32
    %add3A = arith.constant 0 : i32
    %add3A_1 = arith.addi %arg1, %add3A : i32
    %mul3A_2 = arith.constant 80 : i32
    %mul3A_3 = arith.muli %add3A_1, %mul3A_2 : i32
    %mul3A_4 = arith.constant 80 : i32
    %mul3A_5 = arith.muli %add3A_1, %mul3A_4 : i32
    "tpu.region"() ({
      %run_scoped3A = tpu.sem_alloc : memref<!tpu.dma_semaphore, #tpu.memory_space<semaphore_mem>>
      %dma_start3A_122 = arith.constant 0 : i32
      %dma_start3A_123 = tpu.memref_slice %arg12[%mul3A_5, %dma_start3A_122] : memref<10008x128xf32, #tpu.memory_space<vmem_shared>> -> memref<80x128xf32, #tpu.memory_space<vmem_shared>>
      %dma_start3A_124 = arith.constant 0 : i32
      %dma_start3A_125 = tpu.memref_slice %arg2[%arg0, %mul3A_3, %dma_start3A_124] : memref<2x10000x128xf32, #tpu.memory_space<hbm>> -> memref<1x80x128xf32, #tpu.memory_space<hbm>>
      %dma_start3A_126 = tpu.memref_squeeze %dma_start3A_125 : memref<1x80x128xf32, #tpu.memory_space<hbm>> -> memref<80x128xf32, #tpu.memory_space<hbm>>
      tpu.enqueue_dma source(%dma_start3A_126 : memref<80x128xf32, #tpu.memory_space<hbm>>) target(%dma_start3A_123 : memref<80x128xf32, #tpu.memory_space<vmem_shared>>) target_semaphore(%run_scoped3A : memref<!tpu.dma_semaphore, #tpu.memory_space<semaphore_mem>>)
      %dma_wait3A = arith.constant 0 : i32
      %dma_wait3A_127 = tpu.memref_slice %arg12[%mul3A_5, %dma_wait3A] : memref<10008x128xf32, #tpu.memory_space<vmem_shared>> -> memref<80x128xf32, #tpu.memory_space<vmem_shared>>
      %dma_wait3A_128 = arith.constant 0 : i32
      %dma_wait3A_129 = tpu.memref_slice %arg2[%arg0, %mul3A_3, %dma_wait3A_128] : memref<2x10000x128xf32, #tpu.memory_space<hbm>> -> memref<1x80x128xf32, #tpu.memory_space<hbm>>
      %dma_wait3A_130 = tpu.memref_squeeze %dma_wait3A_129 : memref<1x80x128xf32, #tpu.memory_space<hbm>> -> memref<80x128xf32, #tpu.memory_space<hbm>>
      tpu.wait_dma2 semaphore(%run_scoped3A : memref<!tpu.dma_semaphore, #tpu.memory_space<semaphore_mem>>) src(%dma_wait3A_130 : memref<80x128xf32, #tpu.memory_space<hbm>>) dst(%dma_wait3A_127 : memref<80x128xf32, #tpu.memory_space<vmem_shared>>)
      tpu.yield
    }) : () -> ()
    %add3A_6 = arith.constant 16 : i32
    %add3A_7 = arith.addi %arg1, %add3A_6 : i32
    %mul3A_8 = arith.constant 80 : i32
    %mul3A_9 = arith.muli %add3A_7, %mul3A_8 : i32
    %mul3A_10 = arith.constant 80 : i32
    %mul3A_11 = arith.muli %add3A_7, %mul3A_10 : i32
    "tpu.region"() ({
      %run_scoped3A = tpu.sem_alloc : memref<!tpu.dma_semaphore, #tpu.memory_space<semaphore_mem>>
      %dma_start3A_122 = arith.constant 0 : i32
      %dma_start3A_123 = tpu.memref_slice %arg12[%mul3A_11, %dma_start3A_122] : memref<10008x128xf32, #tpu.memory_space<vmem_shared>> -> memref<80x128xf32, #tpu.memory_space<vmem_shared>>
      %dma_start3A_124 = arith.constant 0 : i32
      %dma_start3A_125 = tpu.memref_slice %arg2[%arg0, %mul3A_9, %dma_start3A_124] : memref<2x10000x128xf32, #tpu.memory_space<hbm>> -> memref<1x80x128xf32, #tpu.memory_space<hbm>>
      %dma_start3A_126 = tpu.memref_squeeze %dma_start3A_125 : memref<1x80x128xf32, #tpu.memory_space<hbm>> -> memref<80x128xf32, #tpu.memory_space<hbm>>
      tpu.enqueue_dma source(%dma_start3A_126 : memref<80x128xf32, #tpu.memory_space<hbm>>) target(%dma_start3A_123 : memref<80x128xf32, #tpu.memory_space<vmem_shared>>) target_semaphore(%run_scoped3A : memref<!tpu.dma_semaphore, #tpu.memory_space<semaphore_mem>>)
      %dma_wait3A = arith.constant 0 : i32
      %dma_wait3A_127 = tpu.memref_slice %arg12[%mul3A_11, %dma_wait3A] : memref<10008x128xf32, #tpu.memory_space<vmem_shared>> -> memref<80x128xf32, #tpu.memory_space<vmem_shared>>
      %dma_wait3A_128 = arith.constant 0 : i32
      %dma_wait3A_129 = tpu.memref_slice %arg2[%arg0, %mul3A_9, %dma_wait3A_128] : memref<2x10000x128xf32, #tpu.memory_space<hbm>> -> memref<1x80x128xf32, #tpu.memory_space<hbm>>
      %dma_wait3A_130 = tpu.memref_squeeze %dma_wait3A_129 : memref<1x80x128xf32, #tpu.memory_space<hbm>> -> memref<80x128xf32, #tpu.memory_space<hbm>>
      tpu.wait_dma2 semaphore(%run_scoped3A : memref<!tpu.dma_semaphore, #tpu.memory_space<semaphore_mem>>) src(%dma_wait3A_130 : memref<80x128xf32, #tpu.memory_space<hbm>>) dst(%dma_wait3A_127 : memref<80x128xf32, #tpu.memory_space<vmem_shared>>)
      tpu.yield
    }) : () -> ()
    %add3A_12 = arith.constant 32 : i32
    %add3A_13 = arith.addi %arg1, %add3A_12 : i32
    %mul3A_14 = arith.constant 80 : i32
    %mul3A_15 = arith.muli %add3A_13, %mul3A_14 : i32
    %mul3A_16 = arith.constant 80 : i32
    %mul3A_17 = arith.muli %add3A_13, %mul3A_16 : i32
    "tpu.region"() ({
      %run_scoped3A = tpu.sem_alloc : memref<!tpu.dma_semaphore, #tpu.memory_space<semaphore_mem>>
      %dma_start3A_122 = arith.constant 0 : i32
      %dma_start3A_123 = tpu.memref_slice %arg12[%mul3A_17, %dma_start3A_122] : memref<10008x128xf32, #tpu.memory_space<vmem_shared>> -> memref<80x128xf32, #tpu.memory_space<vmem_shared>>
      %dma_start3A_124 = arith.constant 0 : i32
      %dma_start3A_125 = tpu.memref_slice %arg2[%arg0, %mul3A_15, %dma_start3A_124] : memref<2x10000x128xf32, #tpu.memory_space<hbm>> -> memref<1x80x128xf32, #tpu.memory_space<hbm>>
      %dma_start3A_126 = tpu.memref_squeeze %dma_start3A_125 : memref<1x80x128xf32, #tpu.memory_space<hbm>> -> memref<80x128xf32, #tpu.memory_space<hbm>>
      tpu.enqueue_dma source(%dma_start3A_126 : memref<80x128xf32, #tpu.memory_space<hbm>>) target(%dma_start3A_123 : memref<80x128xf32, #tpu.memory_space<vmem_shared>>) target_semaphore(%run_scoped3A : memref<!tpu.dma_semaphore, #tpu.memory_space<semaphore_mem>>)
      %dma_wait3A = arith.constant 0 : i32
      %dma_wait3A_127 = tpu.memref_slice %arg12[%mul3A_17, %dma_wait3A] : memref<10008x128xf32, #tpu.memory_space<vmem_shared>> -> memref<80x128xf32, #tpu.memory_space<vmem_shared>>
      %dma_wait3A_128 = arith.constant 0 : i32
      %dma_wait3A_129 = tpu.memref_slice %arg2[%arg0, %mul3A_15, %dma_wait3A_128] : memref<2x10000x128xf32, #tpu.memory_space<hbm>> -> memref<1x80x128xf32, #tpu.memory_space<hbm>>
      %dma_wait3A_130 = tpu.memref_squeeze %dma_wait3A_129 : memref<1x80x128xf32, #tpu.memory_space<hbm>> -> memref<80x128xf32, #tpu.memory_space<hbm>>
      tpu.wait_dma2 semaphore(%run_scoped3A : memref<!tpu.dma_semaphore, #tpu.memory_space<semaphore_mem>>) src(%dma_wait3A_130 : memref<80x128xf32, #tpu.memory_space<hbm>>) dst(%dma_wait3A_127 : memref<80x128xf32, #tpu.memory_space<vmem_shared>>)
      tpu.yield
    }) : () -> ()
    %add3A_18 = arith.constant 48 : i32
    %add3A_19 = arith.addi %arg1, %add3A_18 : i32
    %mul3A_20 = arith.constant 80 : i32
    %mul3A_21 = arith.muli %add3A_19, %mul3A_20 : i32
    %mul3A_22 = arith.constant 80 : i32
    %mul3A_23 = arith.muli %add3A_19, %mul3A_22 : i32
    "tpu.region"() ({
      %run_scoped3A = tpu.sem_alloc : memref<!tpu.dma_semaphore, #tpu.memory_space<semaphore_mem>>
      %dma_start3A_122 = arith.constant 0 : i32
      %dma_start3A_123 = tpu.memref_slice %arg12[%mul3A_23, %dma_start3A_122] : memref<10008x128xf32, #tpu.memory_space<vmem_shared>> -> memref<80x128xf32, #tpu.memory_space<vmem_shared>>
      %dma_start3A_124 = arith.constant 0 : i32
      %dma_start3A_125 = tpu.memref_slice %arg2[%arg0, %mul3A_21, %dma_start3A_124] : memref<2x10000x128xf32, #tpu.memory_space<hbm>> -> memref<1x80x128xf32, #tpu.memory_space<hbm>>
      %dma_start3A_126 = tpu.memref_squeeze %dma_start3A_125 : memref<1x80x128xf32, #tpu.memory_space<hbm>> -> memref<80x128xf32, #tpu.memory_space<hbm>>
      tpu.enqueue_dma source(%dma_start3A_126 : memref<80x128xf32, #tpu.memory_space<hbm>>) target(%dma_start3A_123 : memref<80x128xf32, #tpu.memory_space<vmem_shared>>) target_semaphore(%run_scoped3A : memref<!tpu.dma_semaphore, #tpu.memory_space<semaphore_mem>>)
      %dma_wait3A = arith.constant 0 : i32
      %dma_wait3A_127 = tpu.memref_slice %arg12[%mul3A_23, %dma_wait3A] : memref<10008x128xf32, #tpu.memory_space<vmem_shared>> -> memref<80x128xf32, #tpu.memory_space<vmem_shared>>
      %dma_wait3A_128 = arith.constant 0 : i32
      %dma_wait3A_129 = tpu.memref_slice %arg2[%arg0, %mul3A_21, %dma_wait3A_128] : memref<2x10000x128xf32, #tpu.memory_space<hbm>> -> memref<1x80x128xf32, #tpu.memory_space<hbm>>
      %dma_wait3A_130 = tpu.memref_squeeze %dma_wait3A_129 : memref<1x80x128xf32, #tpu.memory_space<hbm>> -> memref<80x128xf32, #tpu.memory_space<hbm>>
      tpu.wait_dma2 semaphore(%run_scoped3A : memref<!tpu.dma_semaphore, #tpu.memory_space<semaphore_mem>>) src(%dma_wait3A_130 : memref<80x128xf32, #tpu.memory_space<hbm>>) dst(%dma_wait3A_127 : memref<80x128xf32, #tpu.memory_space<vmem_shared>>)
      tpu.yield
    }) : () -> ()
    %add3A_24 = arith.constant 64 : i32
    %add3A_25 = arith.addi %arg1, %add3A_24 : i32
    %mul3A_26 = arith.constant 80 : i32
    %mul3A_27 = arith.muli %add3A_25, %mul3A_26 : i32
    %mul3A_28 = arith.constant 80 : i32
    %mul3A_29 = arith.muli %add3A_25, %mul3A_28 : i32
    "tpu.region"() ({
      %run_scoped3A = tpu.sem_alloc : memref<!tpu.dma_semaphore, #tpu.memory_space<semaphore_mem>>
      %dma_start3A_122 = arith.constant 0 : i32
      %dma_start3A_123 = tpu.memref_slice %arg12[%mul3A_29, %dma_start3A_122] : memref<10008x128xf32, #tpu.memory_space<vmem_shared>> -> memref<80x128xf32, #tpu.memory_space<vmem_shared>>
      %dma_start3A_124 = arith.constant 0 : i32
      %dma_start3A_125 = tpu.memref_slice %arg2[%arg0, %mul3A_27, %dma_start3A_124] : memref<2x10000x128xf32, #tpu.memory_space<hbm>> -> memref<1x80x128xf32, #tpu.memory_space<hbm>>
      %dma_start3A_126 = tpu.memref_squeeze %dma_start3A_125 : memref<1x80x128xf32, #tpu.memory_space<hbm>> -> memref<80x128xf32, #tpu.memory_space<hbm>>
      tpu.enqueue_dma source(%dma_start3A_126 : memref<80x128xf32, #tpu.memory_space<hbm>>) target(%dma_start3A_123 : memref<80x128xf32, #tpu.memory_space<vmem_shared>>) target_semaphore(%run_scoped3A : memref<!tpu.dma_semaphore, #tpu.memory_space<semaphore_mem>>)
      %dma_wait3A = arith.constant 0 : i32
      %dma_wait3A_127 = tpu.memref_slice %arg12[%mul3A_29, %dma_wait3A] : memref<10008x128xf32, #tpu.memory_space<vmem_shared>> -> memref<80x128xf32, #tpu.memory_space<vmem_shared>>
      %dma_wait3A_128 = arith.constant 0 : i32
      %dma_wait3A_129 = tpu.memref_slice %arg2[%arg0, %mul3A_27, %dma_wait3A_128] : memref<2x10000x128xf32, #tpu.memory_space<hbm>> -> memref<1x80x128xf32, #tpu.memory_space<hbm>>
      %dma_wait3A_130 = tpu.memref_squeeze %dma_wait3A_129 : memref<1x80x128xf32, #tpu.memory_space<hbm>> -> memref<80x128xf32, #tpu.memory_space<hbm>>
      tpu.wait_dma2 semaphore(%run_scoped3A : memref<!tpu.dma_semaphore, #tpu.memory_space<semaphore_mem>>) src(%dma_wait3A_130 : memref<80x128xf32, #tpu.memory_space<hbm>>) dst(%dma_wait3A_127 : memref<80x128xf32, #tpu.memory_space<vmem_shared>>)
      tpu.yield
    }) : () -> ()
    %add3A_30 = arith.constant 80 : i32
    %add3A_31 = arith.addi %arg1, %add3A_30 : i32
    %mul3A_32 = arith.constant 80 : i32
    %mul3A_33 = arith.muli %add3A_31, %mul3A_32 : i32
    %mul3A_34 = arith.constant 80 : i32
    %mul3A_35 = arith.muli %add3A_31, %mul3A_34 : i32
    "tpu.region"() ({
      %run_scoped3A = tpu.sem_alloc : memref<!tpu.dma_semaphore, #tpu.memory_space<semaphore_mem>>
      %dma_start3A_122 = arith.constant 0 : i32
      %dma_start3A_123 = tpu.memref_slice %arg12[%mul3A_35, %dma_start3A_122] : memref<10008x128xf32, #tpu.memory_space<vmem_shared>> -> memref<80x128xf32, #tpu.memory_space<vmem_shared>>
      %dma_start3A_124 = arith.constant 0 : i32
      %dma_start3A_125 = tpu.memref_slice %arg2[%arg0, %mul3A_33, %dma_start3A_124] : memref<2x10000x128xf32, #tpu.memory_space<hbm>> -> memref<1x80x128xf32, #tpu.memory_space<hbm>>
      %dma_start3A_126 = tpu.memref_squeeze %dma_start3A_125 : memref<1x80x128xf32, #tpu.memory_space<hbm>> -> memref<80x128xf32, #tpu.memory_space<hbm>>
      tpu.enqueue_dma source(%dma_start3A_126 : memref<80x128xf32, #tpu.memory_space<hbm>>) target(%dma_start3A_123 : memref<80x128xf32, #tpu.memory_space<vmem_shared>>) target_semaphore(%run_scoped3A : memref<!tpu.dma_semaphore, #tpu.memory_space<semaphore_mem>>)
      %dma_wait3A = arith.constant 0 : i32
      %dma_wait3A_127 = tpu.memref_slice %arg12[%mul3A_35, %dma_wait3A] : memref<10008x128xf32, #tpu.memory_space<vmem_shared>> -> memref<80x128xf32, #tpu.memory_space<vmem_shared>>
      %dma_wait3A_128 = arith.constant 0 : i32
      %dma_wait3A_129 = tpu.memref_slice %arg2[%arg0, %mul3A_33, %dma_wait3A_128] : memref<2x10000x128xf32, #tpu.memory_space<hbm>> -> memref<1x80x128xf32, #tpu.memory_space<hbm>>
      %dma_wait3A_130 = tpu.memref_squeeze %dma_wait3A_129 : memref<1x80x128xf32, #tpu.memory_space<hbm>> -> memref<80x128xf32, #tpu.memory_space<hbm>>
      tpu.wait_dma2 semaphore(%run_scoped3A : memref<!tpu.dma_semaphore, #tpu.memory_space<semaphore_mem>>) src(%dma_wait3A_130 : memref<80x128xf32, #tpu.memory_space<hbm>>) dst(%dma_wait3A_127 : memref<80x128xf32, #tpu.memory_space<vmem_shared>>)
      tpu.yield
    }) : () -> ()
    %add3A_36 = arith.constant 96 : i32
    %add3A_37 = arith.addi %arg1, %add3A_36 : i32
    %mul3A_38 = arith.constant 80 : i32
    %mul3A_39 = arith.muli %add3A_37, %mul3A_38 : i32
    %mul3A_40 = arith.constant 80 : i32
    %mul3A_41 = arith.muli %add3A_37, %mul3A_40 : i32
    "tpu.region"() ({
      %run_scoped3A = tpu.sem_alloc : memref<!tpu.dma_semaphore, #tpu.memory_space<semaphore_mem>>
      %dma_start3A_122 = arith.constant 0 : i32
      %dma_start3A_123 = tpu.memref_slice %arg12[%mul3A_41, %dma_start3A_122] : memref<10008x128xf32, #tpu.memory_space<vmem_shared>> -> memref<80x128xf32, #tpu.memory_space<vmem_shared>>
      %dma_start3A_124 = arith.constant 0 : i32
      %dma_start3A_125 = tpu.memref_slice %arg2[%arg0, %mul3A_39, %dma_start3A_124] : memref<2x10000x128xf32, #tpu.memory_space<hbm>> -> memref<1x80x128xf32, #tpu.memory_space<hbm>>
      %dma_start3A_126 = tpu.memref_squeeze %dma_start3A_125 : memref<1x80x128xf32, #tpu.memory_space<hbm>> -> memref<80x128xf32, #tpu.memory_space<hbm>>
      tpu.enqueue_dma source(%dma_start3A_126 : memref<80x128xf32, #tpu.memory_space<hbm>>) target(%dma_start3A_123 : memref<80x128xf32, #tpu.memory_space<vmem_shared>>) target_semaphore(%run_scoped3A : memref<!tpu.dma_semaphore, #tpu.memory_space<semaphore_mem>>)
      %dma_wait3A = arith.constant 0 : i32
      %dma_wait3A_127 = tpu.memref_slice %arg12[%mul3A_41, %dma_wait3A] : memref<10008x128xf32, #tpu.memory_space<vmem_shared>> -> memref<80x128xf32, #tpu.memory_space<vmem_shared>>
      %dma_wait3A_128 = arith.constant 0 : i32
      %dma_wait3A_129 = tpu.memref_slice %arg2[%arg0, %mul3A_39, %dma_wait3A_128] : memref<2x10000x128xf32, #tpu.memory_space<hbm>> -> memref<1x80x128xf32, #tpu.memory_space<hbm>>
      %dma_wait3A_130 = tpu.memref_squeeze %dma_wait3A_129 : memref<1x80x128xf32, #tpu.memory_space<hbm>> -> memref<80x128xf32, #tpu.memory_space<hbm>>
      tpu.wait_dma2 semaphore(%run_scoped3A : memref<!tpu.dma_semaphore, #tpu.memory_space<semaphore_mem>>) src(%dma_wait3A_130 : memref<80x128xf32, #tpu.memory_space<hbm>>) dst(%dma_wait3A_127 : memref<80x128xf32, #tpu.memory_space<vmem_shared>>)
      tpu.yield
    }) : () -> ()
    %add3A_42 = arith.constant 112 : i32
    %add3A_43 = arith.addi %arg1, %add3A_42 : i32
    %lt3A = arith.constant 125 : i32
    %lt3A_44 = arith.cmpi slt, %add3A_43, %lt3A : i32
    %convert_element_type3A = arith.extui %lt3A_44 : i1 to i32
    %cond3A = arith.constant 0 : i32
    %cond3A_45 = arith.cmpi ne, %convert_element_type3A, %cond3A : i32
    scf.if %cond3A_45 {
      %mul3A_122 = arith.constant 80 : i32
      %mul3A_123 = arith.muli %add3A_43, %mul3A_122 : i32
      %mul3A_124 = arith.constant 80 : i32
      %mul3A_125 = arith.muli %add3A_43, %mul3A_124 : i32
      "tpu.region"() ({
        %run_scoped3A = tpu.sem_alloc : memref<!tpu.dma_semaphore, #tpu.memory_space<semaphore_mem>>
        %dma_start3A_126 = arith.constant 0 : i32
        %dma_start3A_127 = tpu.memref_slice %arg12[%mul3A_125, %dma_start3A_126] : memref<10008x128xf32, #tpu.memory_space<vmem_shared>> -> memref<80x128xf32, #tpu.memory_space<vmem_shared>>
        %dma_start3A_128 = arith.constant 0 : i32
        %dma_start3A_129 = tpu.memref_slice %arg2[%arg0, %mul3A_123, %dma_start3A_128] : memref<2x10000x128xf32, #tpu.memory_space<hbm>> -> memref<1x80x128xf32, #tpu.memory_space<hbm>>
        %dma_start3A_130 = tpu.memref_squeeze %dma_start3A_129 : memref<1x80x128xf32, #tpu.memory_space<hbm>> -> memref<80x128xf32, #tpu.memory_space<hbm>>
        tpu.enqueue_dma source(%dma_start3A_130 : memref<80x128xf32, #tpu.memory_space<hbm>>) target(%dma_start3A_127 : memref<80x128xf32, #tpu.memory_space<vmem_shared>>) target_semaphore(%run_scoped3A : memref<!tpu.dma_semaphore, #tpu.memory_space<semaphore_mem>>)
        %dma_wait3A = arith.constant 0 : i32
        %dma_wait3A_131 = tpu.memref_slice %arg12[%mul3A_125, %dma_wait3A] : memref<10008x128xf32, #tpu.memory_space<vmem_shared>> -> memref<80x128xf32, #tpu.memory_space<vmem_shared>>
        %dma_wait3A_132 = arith.constant 0 : i32
        %dma_wait3A_133 = tpu.memref_slice %arg2[%arg0, %mul3A_123, %dma_wait3A_132] : memref<2x10000x128xf32, #tpu.memory_space<hbm>> -> memref<1x80x128xf32, #tpu.memory_space<hbm>>
        %dma_wait3A_134 = tpu.memref_squeeze %dma_wait3A_133 : memref<1x80x128xf32, #tpu.memory_space<hbm>> -> memref<80x128xf32, #tpu.memory_space<hbm>>
        tpu.wait_dma2 semaphore(%run_scoped3A : memref<!tpu.dma_semaphore, #tpu.memory_space<semaphore_mem>>) src(%dma_wait3A_134 : memref<80x128xf32, #tpu.memory_space<hbm>>) dst(%dma_wait3A_131 : memref<80x128xf32, #tpu.memory_space<vmem_shared>>)
        tpu.yield
      }) : () -> ()
    } else {
    }
    %barrier3A = arith.constant 0 : index
    tpu.barrier barrier_id(%barrier3A)
    "tpu.region"() ({
      %run_scoped3A = tpu.sem_alloc : memref<!tpu.dma_semaphore, #tpu.memory_space<semaphore_mem>>
      %dma_start3A_122 = arith.constant 0 : i32
      %dma_start3A_123 = tpu.memref_slice %arg3[%mul3A_0, %dma_start3A_122] : memref<1280x128xi32, #tpu.memory_space<hbm>> -> memref<2x128xi32, #tpu.memory_space<hbm>>
      %dma_start3A_124 = arith.constant 0 : i32
      %dma_start3A_125 = tpu.memref_slice %arg3[%mul3A_0, %dma_start3A_124] : memref<1280x128xi32, #tpu.memory_space<hbm>> -> memref<2x128xi32, #tpu.memory_space<hbm>>
      tpu.enqueue_dma source(%dma_start3A_125 : memref<2x128xi32, #tpu.memory_space<hbm>>) target(%arg6 : memref<2x128xi32, #tpu.memory_space<vmem>>) target_semaphore(%run_scoped3A : memref<!tpu.dma_semaphore, #tpu.memory_space<semaphore_mem>>)
      %dma_wait3A = arith.constant 0 : i32
      %dma_wait3A_126 = tpu.memref_slice %arg3[%mul3A_0, %dma_wait3A] : memref<1280x128xi32, #tpu.memory_space<hbm>> -> memref<2x128xi32, #tpu.memory_space<hbm>>
      %dma_wait3A_127 = arith.constant 0 : i32
      %dma_wait3A_128 = tpu.memref_slice %arg3[%mul3A_0, %dma_wait3A_127] : memref<1280x128xi32, #tpu.memory_space<hbm>> -> memref<2x128xi32, #tpu.memory_space<hbm>>
      tpu.wait_dma2 semaphore(%run_scoped3A : memref<!tpu.dma_semaphore, #tpu.memory_space<semaphore_mem>>) src(%dma_wait3A_128 : memref<2x128xi32, #tpu.memory_space<hbm>>) dst(%arg6 : memref<2x128xi32, #tpu.memory_space<vmem>>)
      tpu.yield
    }) : () -> ()
    "tpu.region"() ({
      %run_scoped3A = tpu.sem_alloc : memref<!tpu.dma_semaphore, #tpu.memory_space<semaphore_mem>>
      %dma_start3A_122 = arith.constant 0 : i32
      %dma_start3A_123 = tpu.memref_slice %arg4[%mul3A_0, %dma_start3A_122] : memref<1280x128xi32, #tpu.memory_space<hbm>> -> memref<2x128xi32, #tpu.memory_space<hbm>>
      %dma_start3A_124 = arith.constant 0 : i32
      %dma_start3A_125 = tpu.memref_slice %arg4[%mul3A_0, %dma_start3A_124] : memref<1280x128xi32, #tpu.memory_space<hbm>> -> memref<2x128xi32, #tpu.memory_space<hbm>>
      tpu.enqueue_dma source(%dma_start3A_125 : memref<2x128xi32, #tpu.memory_space<hbm>>) target(%arg8 : memref<2x128xi32, #tpu.memory_space<vmem>>) target_semaphore(%run_scoped3A : memref<!tpu.dma_semaphore, #tpu.memory_space<semaphore_mem>>)
      %dma_wait3A = arith.constant 0 : i32
      %dma_wait3A_126 = tpu.memref_slice %arg4[%mul3A_0, %dma_wait3A] : memref<1280x128xi32, #tpu.memory_space<hbm>> -> memref<2x128xi32, #tpu.memory_space<hbm>>
      %dma_wait3A_127 = arith.constant 0 : i32
      %dma_wait3A_128 = tpu.memref_slice %arg4[%mul3A_0, %dma_wait3A_127] : memref<1280x128xi32, #tpu.memory_space<hbm>> -> memref<2x128xi32, #tpu.memory_space<hbm>>
      tpu.wait_dma2 semaphore(%run_scoped3A : memref<!tpu.dma_semaphore, #tpu.memory_space<semaphore_mem>>) src(%dma_wait3A_128 : memref<2x128xi32, #tpu.memory_space<hbm>>) dst(%arg8 : memref<2x128xi32, #tpu.memory_space<vmem>>)
      tpu.yield
    }) : () -> ()
    %dma_start3A = arith.constant 0 : i32
    %dma_start3A_46 = arith.constant 0 : i32
    %dma_start3A_47 = tpu.memref_slice %arg6[%dma_start3A, %dma_start3A_46] : memref<2x128xi32, #tpu.memory_space<vmem>> -> memref<1x128xi32, #tpu.memory_space<vmem>>
    %dma_start3A_48 = tpu.memref_squeeze %dma_start3A_47 : memref<1x128xi32, #tpu.memory_space<vmem>> -> memref<128xi32, #tpu.memory_space<vmem>>
    %dma_start3A_49 = arith.constant 0 : i32
    %dma_start3A_50 = arith.constant 0 : i32
    %dma_start3A_51 = tpu.memref_slice %arg2[%arg0, %dma_start3A_49, %dma_start3A_50] : memref<2x10000x128xf32, #tpu.memory_space<hbm>> -> memref<1x10000x128xf32, #tpu.memory_space<hbm>>
    %dma_start3A_52 = tpu.memref_squeeze %dma_start3A_51 : memref<1x10000x128xf32, #tpu.memory_space<hbm>> -> memref<10000x128xf32, #tpu.memory_space<hbm>>
    %dma_start3A_53 = arith.constant 0 : i32
    %dma_start3A_54 = arith.constant 0 : i32
    %dma_start3A_55 = tpu.memref_slice %dma_start3A_52[%dma_start3A_53, %dma_start3A_54] : memref<10000x128xf32, #tpu.memory_space<hbm>> -> memref<10000x128xf32, #tpu.memory_space<hbm>>
    tpu.enqueue_indirect_dma source(%dma_start3A_55 : memref<10000x128xf32, #tpu.memory_space<hbm>>) target(%arg10 : memref<128x128xf32, #tpu.memory_space<vmem>>) offsets(%dma_start3A_48 : memref<128xi32, #tpu.memory_space<vmem>>) semaphore(%arg13 : memref<!tpu.dma_semaphore, #tpu.memory_space<semaphore_mem>>)
    %dma_start3A_56 = arith.constant 1 : i32
    %dma_start3A_57 = arith.constant 0 : i32
    %dma_start3A_58 = tpu.memref_slice %arg6[%dma_start3A_56, %dma_start3A_57] : memref<2x128xi32, #tpu.memory_space<vmem>> -> memref<1x128xi32, #tpu.memory_space<vmem>>
    %dma_start3A_59 = tpu.memref_squeeze %dma_start3A_58 : memref<1x128xi32, #tpu.memory_space<vmem>> -> memref<128xi32, #tpu.memory_space<vmem>>
    %dma_start3A_60 = arith.constant 0 : i32
    %dma_start3A_61 = arith.constant 0 : i32
    %dma_start3A_62 = tpu.memref_slice %arg2[%arg0, %dma_start3A_60, %dma_start3A_61] : memref<2x10000x128xf32, #tpu.memory_space<hbm>> -> memref<1x10000x128xf32, #tpu.memory_space<hbm>>
    %dma_start3A_63 = tpu.memref_squeeze %dma_start3A_62 : memref<1x10000x128xf32, #tpu.memory_space<hbm>> -> memref<10000x128xf32, #tpu.memory_space<hbm>>
    %dma_start3A_64 = arith.constant 0 : i32
    %dma_start3A_65 = arith.constant 0 : i32
    %dma_start3A_66 = tpu.memref_slice %dma_start3A_63[%dma_start3A_64, %dma_start3A_65] : memref<10000x128xf32, #tpu.memory_space<hbm>> -> memref<10000x128xf32, #tpu.memory_space<hbm>>
    tpu.enqueue_indirect_dma source(%dma_start3A_66 : memref<10000x128xf32, #tpu.memory_space<hbm>>) target(%arg11 : memref<128x128xf32, #tpu.memory_space<vmem>>) offsets(%dma_start3A_59 : memref<128xi32, #tpu.memory_space<vmem>>) semaphore(%arg14 : memref<!tpu.dma_semaphore, #tpu.memory_space<semaphore_mem>>)
    %scan3A = arith.constant 0 : i32
    %scan3A_67 = arith.constant 0 : i32
    %scan3A_68 = arith.constant 40 : i32
    %scan3A_69 = arith.addi %scan3A_67, %scan3A_68 : i32
    %scan3A_70 = arith.constant 1 : i32
    scf.for %scan3A_122 = %scan3A_67 to %scan3A_69 step %scan3A_70  : i32 {
      %rem3A = arith.constant 2 : i32
      %rem3A_123 = arith.remsi %scan3A_122, %rem3A : i32
      %add3A_124 = arith.constant 1 : i32
      %add3A_125 = arith.addi %scan3A_122, %add3A_124 : i32
      %lt3A_126 = arith.constant 40 : i32
      %lt3A_127 = arith.cmpi slt, %add3A_125, %lt3A_126 : i32
      %convert_element_type3A_128 = arith.extui %lt3A_127 : i1 to i32
      %cond3A_129 = arith.constant 0 : i32
      %cond3A_130 = arith.cmpi ne, %convert_element_type3A_128, %cond3A_129 : i32
      scf.if %cond3A_130 {
        %add3A_140 = arith.constant 1 : i32
        %add3A_141 = arith.addi %scan3A_122, %add3A_140 : i32
        %mul3A_142 = arith.constant 2 : i32
        %mul3A_143 = arith.muli %add3A_141, %mul3A_142 : i32
        %add3A_144 = arith.addi %mul3A_0, %mul3A_143 : i32
        %eq3A_145 = arith.constant 1 : i32
        %eq3A_146 = arith.cmpi eq, %rem3A_123, %eq3A_145 : i32
        %convert_element_type3A_147 = arith.extui %eq3A_146 : i1 to i32
        %cond3A_148 = arith.constant 0 : i32
        %cond3A_149 = arith.cmpi ne, %convert_element_type3A_147, %cond3A_148 : i32
        scf.if %cond3A_149 {
          %dma_start3A_155 = arith.constant 0 : i32
          %dma_start3A_156 = tpu.memref_slice %arg3[%add3A_144, %dma_start3A_155] : memref<1280x128xi32, #tpu.memory_space<hbm>> -> memref<2x128xi32, #tpu.memory_space<hbm>>
          %dma_start3A_157 = arith.constant 0 : i32
          %dma_start3A_158 = tpu.memref_slice %arg3[%add3A_144, %dma_start3A_157] : memref<1280x128xi32, #tpu.memory_space<hbm>> -> memref<2x128xi32, #tpu.memory_space<hbm>>
          tpu.enqueue_dma source(%dma_start3A_158 : memref<2x128xi32, #tpu.memory_space<hbm>>) target(%arg6 : memref<2x128xi32, #tpu.memory_space<vmem>>) target_semaphore(%arg17 : memref<!tpu.dma_semaphore, #tpu.memory_space<semaphore_mem>>)
          %dma_start3A_159 = arith.constant 0 : i32
          %dma_start3A_160 = tpu.memref_slice %arg4[%add3A_144, %dma_start3A_159] : memref<1280x128xi32, #tpu.memory_space<hbm>> -> memref<2x128xi32, #tpu.memory_space<hbm>>
          %dma_start3A_161 = arith.constant 0 : i32
          %dma_start3A_162 = tpu.memref_slice %arg4[%add3A_144, %dma_start3A_161] : memref<1280x128xi32, #tpu.memory_space<hbm>> -> memref<2x128xi32, #tpu.memory_space<hbm>>
          tpu.enqueue_dma source(%dma_start3A_162 : memref<2x128xi32, #tpu.memory_space<hbm>>) target(%arg8 : memref<2x128xi32, #tpu.memory_space<vmem>>) target_semaphore(%arg19 : memref<!tpu.dma_semaphore, #tpu.memory_space<semaphore_mem>>)
        } else {
        }
        %eq3A_150 = arith.constant 0 : i32
        %eq3A_151 = arith.cmpi eq, %rem3A_123, %eq3A_150 : i32
        %convert_element_type3A_152 = arith.extui %eq3A_151 : i1 to i32
        %cond3A_153 = arith.constant 0 : i32
        %cond3A_154 = arith.cmpi ne, %convert_element_type3A_152, %cond3A_153 : i32
        scf.if %cond3A_154 {
          %dma_start3A_155 = arith.constant 0 : i32
          %dma_start3A_156 = tpu.memref_slice %arg3[%add3A_144, %dma_start3A_155] : memref<1280x128xi32, #tpu.memory_space<hbm>> -> memref<2x128xi32, #tpu.memory_space<hbm>>
          %dma_start3A_157 = arith.constant 0 : i32
          %dma_start3A_158 = tpu.memref_slice %arg3[%add3A_144, %dma_start3A_157] : memref<1280x128xi32, #tpu.memory_space<hbm>> -> memref<2x128xi32, #tpu.memory_space<hbm>>
          tpu.enqueue_dma source(%dma_start3A_158 : memref<2x128xi32, #tpu.memory_space<hbm>>) target(%arg7 : memref<2x128xi32, #tpu.memory_space<vmem>>) target_semaphore(%arg18 : memref<!tpu.dma_semaphore, #tpu.memory_space<semaphore_mem>>)
          %dma_start3A_159 = arith.constant 0 : i32
          %dma_start3A_160 = tpu.memref_slice %arg4[%add3A_144, %dma_start3A_159] : memref<1280x128xi32, #tpu.memory_space<hbm>> -> memref<2x128xi32, #tpu.memory_space<hbm>>
          %dma_start3A_161 = arith.constant 0 : i32
          %dma_start3A_162 = tpu.memref_slice %arg4[%add3A_144, %dma_start3A_161] : memref<1280x128xi32, #tpu.memory_space<hbm>> -> memref<2x128xi32, #tpu.memory_space<hbm>>
          tpu.enqueue_dma source(%dma_start3A_162 : memref<2x128xi32, #tpu.memory_space<hbm>>) target(%arg9 : memref<2x128xi32, #tpu.memory_space<vmem>>) target_semaphore(%arg20 : memref<!tpu.dma_semaphore, #tpu.memory_space<semaphore_mem>>)
        } else {
        }
      } else {
      }
      %eq3A = arith.constant 0 : i32
      %eq3A_131 = arith.cmpi eq, %rem3A_123, %eq3A : i32
      %convert_element_type3A_132 = arith.extui %eq3A_131 : i1 to i32
      %cond3A_133 = arith.constant 0 : i32
      %cond3A_134 = arith.cmpi ne, %convert_element_type3A_132, %cond3A_133 : i32
      scf.if %cond3A_134 {
        %dma_wait3A = arith.constant 0 : i32
        %dma_wait3A_140 = arith.constant 0 : i32
        %dma_wait3A_141 = tpu.memref_slice %arg6[%dma_wait3A, %dma_wait3A_140] : memref<2x128xi32, #tpu.memory_space<vmem>> -> memref<1x128xi32, #tpu.memory_space<vmem>>
        %dma_wait3A_142 = tpu.memref_squeeze %dma_wait3A_141 : memref<1x128xi32, #tpu.memory_space<vmem>> -> memref<128xi32, #tpu.memory_space<vmem>>
        %dma_wait3A_143 = arith.constant 0 : i32
        %dma_wait3A_144 = arith.constant 0 : i32
        %dma_wait3A_145 = tpu.memref_slice %arg2[%arg0, %dma_wait3A_143, %dma_wait3A_144] : memref<2x10000x128xf32, #tpu.memory_space<hbm>> -> memref<1x10000x128xf32, #tpu.memory_space<hbm>>
        %dma_wait3A_146 = tpu.memref_squeeze %dma_wait3A_145 : memref<1x10000x128xf32, #tpu.memory_space<hbm>> -> memref<10000x128xf32, #tpu.memory_space<hbm>>
        %dma_wait3A_147 = arith.constant 0 : i32
        %dma_wait3A_148 = arith.constant 0 : i32
        %dma_wait3A_149 = tpu.memref_slice %dma_wait3A_146[%dma_wait3A_147, %dma_wait3A_148] : memref<10000x128xf32, #tpu.memory_space<hbm>> -> memref<10000x128xf32, #tpu.memory_space<hbm>>
        tpu.wait_indirect_dma semaphore(%arg13 : memref<!tpu.dma_semaphore, #tpu.memory_space<semaphore_mem>>) src(%dma_wait3A_149 : memref<10000x128xf32, #tpu.memory_space<hbm>>) dst(%arg10 : memref<128x128xf32, #tpu.memory_space<vmem>>)
        %dma_start3A_150 = arith.constant 0 : i32
        %dma_start3A_151 = arith.constant 0 : i32
        %dma_start3A_152 = tpu.memref_slice %arg8[%dma_start3A_150, %dma_start3A_151] : memref<2x128xi32, #tpu.memory_space<vmem>> -> memref<1x128xi32, #tpu.memory_space<vmem>>
        %dma_start3A_153 = tpu.memref_squeeze %dma_start3A_152 : memref<1x128xi32, #tpu.memory_space<vmem>> -> memref<128xi32, #tpu.memory_space<vmem>>
        %dma_start3A_154 = arith.constant 0 : i32
        %dma_start3A_155 = arith.constant 0 : i32
        %dma_start3A_156 = tpu.memref_slice %arg12[%dma_start3A_154, %dma_start3A_155] : memref<10008x128xf32, #tpu.memory_space<vmem_shared>> -> memref<10008x128xf32, #tpu.memory_space<vmem_shared>>
        tpu.enqueue_indirect_dma source(%arg10 : memref<128x128xf32, #tpu.memory_space<vmem>>) target(%dma_start3A_156 : memref<10008x128xf32, #tpu.memory_space<vmem_shared>>) offsets(%dma_start3A_153 : memref<128xi32, #tpu.memory_space<vmem>>) semaphore(%arg15 : memref<!tpu.dma_semaphore, #tpu.memory_space<semaphore_mem>>) {add = true}
        %dma_wait3A_157 = arith.constant 1 : i32
        %dma_wait3A_158 = arith.constant 0 : i32
        %dma_wait3A_159 = tpu.memref_slice %arg6[%dma_wait3A_157, %dma_wait3A_158] : memref<2x128xi32, #tpu.memory_space<vmem>> -> memref<1x128xi32, #tpu.memory_space<vmem>>
        %dma_wait3A_160 = tpu.memref_squeeze %dma_wait3A_159 : memref<1x128xi32, #tpu.memory_space<vmem>> -> memref<128xi32, #tpu.memory_space<vmem>>
        %dma_wait3A_161 = arith.constant 0 : i32
        %dma_wait3A_162 = arith.constant 0 : i32
        %dma_wait3A_163 = tpu.memref_slice %arg2[%arg0, %dma_wait3A_161, %dma_wait3A_162] : memref<2x10000x128xf32, #tpu.memory_space<hbm>> -> memref<1x10000x128xf32, #tpu.memory_space<hbm>>
        %dma_wait3A_164 = tpu.memref_squeeze %dma_wait3A_163 : memref<1x10000x128xf32, #tpu.memory_space<hbm>> -> memref<10000x128xf32, #tpu.memory_space<hbm>>
        %dma_wait3A_165 = arith.constant 0 : i32
        %dma_wait3A_166 = arith.constant 0 : i32
        %dma_wait3A_167 = tpu.memref_slice %dma_wait3A_164[%dma_wait3A_165, %dma_wait3A_166] : memref<10000x128xf32, #tpu.memory_space<hbm>> -> memref<10000x128xf32, #tpu.memory_space<hbm>>
        tpu.wait_indirect_dma semaphore(%arg14 : memref<!tpu.dma_semaphore, #tpu.memory_space<semaphore_mem>>) src(%dma_wait3A_167 : memref<10000x128xf32, #tpu.memory_space<hbm>>) dst(%arg11 : memref<128x128xf32, #tpu.memory_space<vmem>>)
        %dma_start3A_168 = arith.constant 1 : i32
        %dma_start3A_169 = arith.constant 0 : i32
        %dma_start3A_170 = tpu.memref_slice %arg8[%dma_start3A_168, %dma_start3A_169] : memref<2x128xi32, #tpu.memory_space<vmem>> -> memref<1x128xi32, #tpu.memory_space<vmem>>
        %dma_start3A_171 = tpu.memref_squeeze %dma_start3A_170 : memref<1x128xi32, #tpu.memory_space<vmem>> -> memref<128xi32, #tpu.memory_space<vmem>>
        %dma_start3A_172 = arith.constant 0 : i32
        %dma_start3A_173 = arith.constant 0 : i32
        %dma_start3A_174 = tpu.memref_slice %arg12[%dma_start3A_172, %dma_start3A_173] : memref<10008x128xf32, #tpu.memory_space<vmem_shared>> -> memref<10008x128xf32, #tpu.memory_space<vmem_shared>>
        tpu.enqueue_indirect_dma source(%arg11 : memref<128x128xf32, #tpu.memory_space<vmem>>) target(%dma_start3A_174 : memref<10008x128xf32, #tpu.memory_space<vmem_shared>>) offsets(%dma_start3A_171 : memref<128xi32, #tpu.memory_space<vmem>>) semaphore(%arg16 : memref<!tpu.dma_semaphore, #tpu.memory_space<semaphore_mem>>) {add = true}
        %dma_wait3A_175 = arith.constant 0 : i32
        %dma_wait3A_176 = arith.constant 0 : i32
        %dma_wait3A_177 = tpu.memref_slice %arg8[%dma_wait3A_175, %dma_wait3A_176] : memref<2x128xi32, #tpu.memory_space<vmem>> -> memref<1x128xi32, #tpu.memory_space<vmem>>
        %dma_wait3A_178 = tpu.memref_squeeze %dma_wait3A_177 : memref<1x128xi32, #tpu.memory_space<vmem>> -> memref<128xi32, #tpu.memory_space<vmem>>
        %dma_wait3A_179 = arith.constant 0 : i32
        %dma_wait3A_180 = arith.constant 0 : i32
        %dma_wait3A_181 = tpu.memref_slice %arg12[%dma_wait3A_179, %dma_wait3A_180] : memref<10008x128xf32, #tpu.memory_space<vmem_shared>> -> memref<10008x128xf32, #tpu.memory_space<vmem_shared>>
        tpu.wait_indirect_dma semaphore(%arg15 : memref<!tpu.dma_semaphore, #tpu.memory_space<semaphore_mem>>) src(%arg10 : memref<128x128xf32, #tpu.memory_space<vmem>>) dst(%dma_wait3A_181 : memref<10008x128xf32, #tpu.memory_space<vmem_shared>>)
        %add3A_182 = arith.constant 1 : i32
        %add3A_183 = arith.addi %scan3A_122, %add3A_182 : i32
        %lt3A_184 = arith.constant 40 : i32
        %lt3A_185 = arith.cmpi slt, %add3A_183, %lt3A_184 : i32
        %convert_element_type3A_186 = arith.extui %lt3A_185 : i1 to i32
        %cond3A_187 = arith.constant 0 : i32
        %cond3A_188 = arith.cmpi ne, %convert_element_type3A_186, %cond3A_187 : i32
        scf.if %cond3A_188 {
          %dma_wait3A_203 = arith.constant 0 : i32
          %dma_wait3A_204 = tpu.memref_slice %arg3[%mul3A_0, %dma_wait3A_203] : memref<1280x128xi32, #tpu.memory_space<hbm>> -> memref<2x128xi32, #tpu.memory_space<hbm>>
          %dma_wait3A_205 = arith.constant 0 : i32
          %dma_wait3A_206 = tpu.memref_slice %arg3[%mul3A_0, %dma_wait3A_205] : memref<1280x128xi32, #tpu.memory_space<hbm>> -> memref<2x128xi32, #tpu.memory_space<hbm>>
          tpu.wait_dma2 semaphore(%arg18 : memref<!tpu.dma_semaphore, #tpu.memory_space<semaphore_mem>>) src(%dma_wait3A_206 : memref<2x128xi32, #tpu.memory_space<hbm>>) dst(%arg7 : memref<2x128xi32, #tpu.memory_space<vmem>>)
          %dma_wait3A_207 = arith.constant 0 : i32
          %dma_wait3A_208 = tpu.memref_slice %arg4[%mul3A_0, %dma_wait3A_207] : memref<1280x128xi32, #tpu.memory_space<hbm>> -> memref<2x128xi32, #tpu.memory_space<hbm>>
          %dma_wait3A_209 = arith.constant 0 : i32
          %dma_wait3A_210 = tpu.memref_slice %arg4[%mul3A_0, %dma_wait3A_209] : memref<1280x128xi32, #tpu.memory_space<hbm>> -> memref<2x128xi32, #tpu.memory_space<hbm>>
          tpu.wait_dma2 semaphore(%arg20 : memref<!tpu.dma_semaphore, #tpu.memory_space<semaphore_mem>>) src(%dma_wait3A_210 : memref<2x128xi32, #tpu.memory_space<hbm>>) dst(%arg9 : memref<2x128xi32, #tpu.memory_space<vmem>>)
          %dma_start3A_211 = arith.constant 0 : i32
          %dma_start3A_212 = arith.constant 0 : i32
          %dma_start3A_213 = tpu.memref_slice %arg7[%dma_start3A_211, %dma_start3A_212] : memref<2x128xi32, #tpu.memory_space<vmem>> -> memref<1x128xi32, #tpu.memory_space<vmem>>
          %dma_start3A_214 = tpu.memref_squeeze %dma_start3A_213 : memref<1x128xi32, #tpu.memory_space<vmem>> -> memref<128xi32, #tpu.memory_space<vmem>>
          %dma_start3A_215 = arith.constant 0 : i32
          %dma_start3A_216 = arith.constant 0 : i32
          %dma_start3A_217 = tpu.memref_slice %arg2[%arg0, %dma_start3A_215, %dma_start3A_216] : memref<2x10000x128xf32, #tpu.memory_space<hbm>> -> memref<1x10000x128xf32, #tpu.memory_space<hbm>>
          %dma_start3A_218 = tpu.memref_squeeze %dma_start3A_217 : memref<1x10000x128xf32, #tpu.memory_space<hbm>> -> memref<10000x128xf32, #tpu.memory_space<hbm>>
          %dma_start3A_219 = arith.constant 0 : i32
          %dma_start3A_220 = arith.constant 0 : i32
          %dma_start3A_221 = tpu.memref_slice %dma_start3A_218[%dma_start3A_219, %dma_start3A_220] : memref<10000x128xf32, #tpu.memory_space<hbm>> -> memref<10000x128xf32, #tpu.memory_space<hbm>>
          tpu.enqueue_indirect_dma source(%dma_start3A_221 : memref<10000x128xf32, #tpu.memory_space<hbm>>) target(%arg10 : memref<128x128xf32, #tpu.memory_space<vmem>>) offsets(%dma_start3A_214 : memref<128xi32, #tpu.memory_space<vmem>>) semaphore(%arg13 : memref<!tpu.dma_semaphore, #tpu.memory_space<semaphore_mem>>)
        } else {
        }
        %dma_wait3A_189 = arith.constant 1 : i32
        %dma_wait3A_190 = arith.constant 0 : i32
        %dma_wait3A_191 = tpu.memref_slice %arg8[%dma_wait3A_189, %dma_wait3A_190] : memref<2x128xi32, #tpu.memory_space<vmem>> -> memref<1x128xi32, #tpu.memory_space<vmem>>
        %dma_wait3A_192 = tpu.memref_squeeze %dma_wait3A_191 : memref<1x128xi32, #tpu.memory_space<vmem>> -> memref<128xi32, #tpu.memory_space<vmem>>
        %dma_wait3A_193 = arith.constant 0 : i32
        %dma_wait3A_194 = arith.constant 0 : i32
        %dma_wait3A_195 = tpu.memref_slice %arg12[%dma_wait3A_193, %dma_wait3A_194] : memref<10008x128xf32, #tpu.memory_space<vmem_shared>> -> memref<10008x128xf32, #tpu.memory_space<vmem_shared>>
        tpu.wait_indirect_dma semaphore(%arg16 : memref<!tpu.dma_semaphore, #tpu.memory_space<semaphore_mem>>) src(%arg11 : memref<128x128xf32, #tpu.memory_space<vmem>>) dst(%dma_wait3A_195 : memref<10008x128xf32, #tpu.memory_space<vmem_shared>>)
        %add3A_196 = arith.constant 1 : i32
        %add3A_197 = arith.addi %scan3A_122, %add3A_196 : i32
        %lt3A_198 = arith.constant 40 : i32
        %lt3A_199 = arith.cmpi slt, %add3A_197, %lt3A_198 : i32
        %convert_element_type3A_200 = arith.extui %lt3A_199 : i1 to i32
        %cond3A_201 = arith.constant 0 : i32
        %cond3A_202 = arith.cmpi ne, %convert_element_type3A_200, %cond3A_201 : i32
        scf.if %cond3A_202 {
          %dma_start3A_203 = arith.constant 1 : i32
          %dma_start3A_204 = arith.constant 0 : i32
          %dma_start3A_205 = tpu.memref_slice %arg7[%dma_start3A_203, %dma_start3A_204] : memref<2x128xi32, #tpu.memory_space<vmem>> -> memref<1x128xi32, #tpu.memory_space<vmem>>
          %dma_start3A_206 = tpu.memref_squeeze %dma_start3A_205 : memref<1x128xi32, #tpu.memory_space<vmem>> -> memref<128xi32, #tpu.memory_space<vmem>>
          %dma_start3A_207 = arith.constant 0 : i32
          %dma_start3A_208 = arith.constant 0 : i32
          %dma_start3A_209 = tpu.memref_slice %arg2[%arg0, %dma_start3A_207, %dma_start3A_208] : memref<2x10000x128xf32, #tpu.memory_space<hbm>> -> memref<1x10000x128xf32, #tpu.memory_space<hbm>>
          %dma_start3A_210 = tpu.memref_squeeze %dma_start3A_209 : memref<1x10000x128xf32, #tpu.memory_space<hbm>> -> memref<10000x128xf32, #tpu.memory_space<hbm>>
          %dma_start3A_211 = arith.constant 0 : i32
          %dma_start3A_212 = arith.constant 0 : i32
          %dma_start3A_213 = tpu.memref_slice %dma_start3A_210[%dma_start3A_211, %dma_start3A_212] : memref<10000x128xf32, #tpu.memory_space<hbm>> -> memref<10000x128xf32, #tpu.memory_space<hbm>>
          tpu.enqueue_indirect_dma source(%dma_start3A_213 : memref<10000x128xf32, #tpu.memory_space<hbm>>) target(%arg11 : memref<128x128xf32, #tpu.memory_space<vmem>>) offsets(%dma_start3A_206 : memref<128xi32, #tpu.memory_space<vmem>>) semaphore(%arg14 : memref<!tpu.dma_semaphore, #tpu.memory_space<semaphore_mem>>)
        } else {
        }
      } else {
      }
      %eq3A_135 = arith.constant 1 : i32
      %eq3A_136 = arith.cmpi eq, %rem3A_123, %eq3A_135 : i32
      %convert_element_type3A_137 = arith.extui %eq3A_136 : i1 to i32
      %cond3A_138 = arith.constant 0 : i32
      %cond3A_139 = arith.cmpi ne, %convert_element_type3A_137, %cond3A_138 : i32
      scf.if %cond3A_139 {
        %dma_wait3A = arith.constant 0 : i32
        %dma_wait3A_140 = arith.constant 0 : i32
        %dma_wait3A_141 = tpu.memref_slice %arg7[%dma_wait3A, %dma_wait3A_140] : memref<2x128xi32, #tpu.memory_space<vmem>> -> memref<1x128xi32, #tpu.memory_space<vmem>>
        %dma_wait3A_142 = tpu.memref_squeeze %dma_wait3A_141 : memref<1x128xi32, #tpu.memory_space<vmem>> -> memref<128xi32, #tpu.memory_space<vmem>>
        %dma_wait3A_143 = arith.constant 0 : i32
        %dma_wait3A_144 = arith.constant 0 : i32
        %dma_wait3A_145 = tpu.memref_slice %arg2[%arg0, %dma_wait3A_143, %dma_wait3A_144] : memref<2x10000x128xf32, #tpu.memory_space<hbm>> -> memref<1x10000x128xf32, #tpu.memory_space<hbm>>
        %dma_wait3A_146 = tpu.memref_squeeze %dma_wait3A_145 : memref<1x10000x128xf32, #tpu.memory_space<hbm>> -> memref<10000x128xf32, #tpu.memory_space<hbm>>
        %dma_wait3A_147 = arith.constant 0 : i32
        %dma_wait3A_148 = arith.constant 0 : i32
        %dma_wait3A_149 = tpu.memref_slice %dma_wait3A_146[%dma_wait3A_147, %dma_wait3A_148] : memref<10000x128xf32, #tpu.memory_space<hbm>> -> memref<10000x128xf32, #tpu.memory_space<hbm>>
        tpu.wait_indirect_dma semaphore(%arg13 : memref<!tpu.dma_semaphore, #tpu.memory_space<semaphore_mem>>) src(%dma_wait3A_149 : memref<10000x128xf32, #tpu.memory_space<hbm>>) dst(%arg10 : memref<128x128xf32, #tpu.memory_space<vmem>>)
        %dma_start3A_150 = arith.constant 0 : i32
        %dma_start3A_151 = arith.constant 0 : i32
        %dma_start3A_152 = tpu.memref_slice %arg9[%dma_start3A_150, %dma_start3A_151] : memref<2x128xi32, #tpu.memory_space<vmem>> -> memref<1x128xi32, #tpu.memory_space<vmem>>
        %dma_start3A_153 = tpu.memref_squeeze %dma_start3A_152 : memref<1x128xi32, #tpu.memory_space<vmem>> -> memref<128xi32, #tpu.memory_space<vmem>>
        %dma_start3A_154 = arith.constant 0 : i32
        %dma_start3A_155 = arith.constant 0 : i32
        %dma_start3A_156 = tpu.memref_slice %arg12[%dma_start3A_154, %dma_start3A_155] : memref<10008x128xf32, #tpu.memory_space<vmem_shared>> -> memref<10008x128xf32, #tpu.memory_space<vmem_shared>>
        tpu.enqueue_indirect_dma source(%arg10 : memref<128x128xf32, #tpu.memory_space<vmem>>) target(%dma_start3A_156 : memref<10008x128xf32, #tpu.memory_space<vmem_shared>>) offsets(%dma_start3A_153 : memref<128xi32, #tpu.memory_space<vmem>>) semaphore(%arg15 : memref<!tpu.dma_semaphore, #tpu.memory_space<semaphore_mem>>) {add = true}
        %dma_wait3A_157 = arith.constant 1 : i32
        %dma_wait3A_158 = arith.constant 0 : i32
        %dma_wait3A_159 = tpu.memref_slice %arg7[%dma_wait3A_157, %dma_wait3A_158] : memref<2x128xi32, #tpu.memory_space<vmem>> -> memref<1x128xi32, #tpu.memory_space<vmem>>
        %dma_wait3A_160 = tpu.memref_squeeze %dma_wait3A_159 : memref<1x128xi32, #tpu.memory_space<vmem>> -> memref<128xi32, #tpu.memory_space<vmem>>
        %dma_wait3A_161 = arith.constant 0 : i32
        %dma_wait3A_162 = arith.constant 0 : i32
        %dma_wait3A_163 = tpu.memref_slice %arg2[%arg0, %dma_wait3A_161, %dma_wait3A_162] : memref<2x10000x128xf32, #tpu.memory_space<hbm>> -> memref<1x10000x128xf32, #tpu.memory_space<hbm>>
        %dma_wait3A_164 = tpu.memref_squeeze %dma_wait3A_163 : memref<1x10000x128xf32, #tpu.memory_space<hbm>> -> memref<10000x128xf32, #tpu.memory_space<hbm>>
        %dma_wait3A_165 = arith.constant 0 : i32
        %dma_wait3A_166 = arith.constant 0 : i32
        %dma_wait3A_167 = tpu.memref_slice %dma_wait3A_164[%dma_wait3A_165, %dma_wait3A_166] : memref<10000x128xf32, #tpu.memory_space<hbm>> -> memref<10000x128xf32, #tpu.memory_space<hbm>>
        tpu.wait_indirect_dma semaphore(%arg14 : memref<!tpu.dma_semaphore, #tpu.memory_space<semaphore_mem>>) src(%dma_wait3A_167 : memref<10000x128xf32, #tpu.memory_space<hbm>>) dst(%arg11 : memref<128x128xf32, #tpu.memory_space<vmem>>)
        %dma_start3A_168 = arith.constant 1 : i32
        %dma_start3A_169 = arith.constant 0 : i32
        %dma_start3A_170 = tpu.memref_slice %arg9[%dma_start3A_168, %dma_start3A_169] : memref<2x128xi32, #tpu.memory_space<vmem>> -> memref<1x128xi32, #tpu.memory_space<vmem>>
        %dma_start3A_171 = tpu.memref_squeeze %dma_start3A_170 : memref<1x128xi32, #tpu.memory_space<vmem>> -> memref<128xi32, #tpu.memory_space<vmem>>
        %dma_start3A_172 = arith.constant 0 : i32
        %dma_start3A_173 = arith.constant 0 : i32
        %dma_start3A_174 = tpu.memref_slice %arg12[%dma_start3A_172, %dma_start3A_173] : memref<10008x128xf32, #tpu.memory_space<vmem_shared>> -> memref<10008x128xf32, #tpu.memory_space<vmem_shared>>
        tpu.enqueue_indirect_dma source(%arg11 : memref<128x128xf32, #tpu.memory_space<vmem>>) target(%dma_start3A_174 : memref<10008x128xf32, #tpu.memory_space<vmem_shared>>) offsets(%dma_start3A_171 : memref<128xi32, #tpu.memory_space<vmem>>) semaphore(%arg16 : memref<!tpu.dma_semaphore, #tpu.memory_space<semaphore_mem>>) {add = true}
        %dma_wait3A_175 = arith.constant 0 : i32
        %dma_wait3A_176 = arith.constant 0 : i32
        %dma_wait3A_177 = tpu.memref_slice %arg9[%dma_wait3A_175, %dma_wait3A_176] : memref<2x128xi32, #tpu.memory_space<vmem>> -> memref<1x128xi32, #tpu.memory_space<vmem>>
        %dma_wait3A_178 = tpu.memref_squeeze %dma_wait3A_177 : memref<1x128xi32, #tpu.memory_space<vmem>> -> memref<128xi32, #tpu.memory_space<vmem>>
        %dma_wait3A_179 = arith.constant 0 : i32
        %dma_wait3A_180 = arith.constant 0 : i32
        %dma_wait3A_181 = tpu.memref_slice %arg12[%dma_wait3A_179, %dma_wait3A_180] : memref<10008x128xf32, #tpu.memory_space<vmem_shared>> -> memref<10008x128xf32, #tpu.memory_space<vmem_shared>>
        tpu.wait_indirect_dma semaphore(%arg15 : memref<!tpu.dma_semaphore, #tpu.memory_space<semaphore_mem>>) src(%arg10 : memref<128x128xf32, #tpu.memory_space<vmem>>) dst(%dma_wait3A_181 : memref<10008x128xf32, #tpu.memory_space<vmem_shared>>)
        %add3A_182 = arith.constant 1 : i32
        %add3A_183 = arith.addi %scan3A_122, %add3A_182 : i32
        %lt3A_184 = arith.constant 40 : i32
        %lt3A_185 = arith.cmpi slt, %add3A_183, %lt3A_184 : i32
        %convert_element_type3A_186 = arith.extui %lt3A_185 : i1 to i32
        %cond3A_187 = arith.constant 0 : i32
        %cond3A_188 = arith.cmpi ne, %convert_element_type3A_186, %cond3A_187 : i32
        scf.if %cond3A_188 {
          %dma_wait3A_203 = arith.constant 0 : i32
          %dma_wait3A_204 = tpu.memref_slice %arg3[%mul3A_0, %dma_wait3A_203] : memref<1280x128xi32, #tpu.memory_space<hbm>> -> memref<2x128xi32, #tpu.memory_space<hbm>>
          %dma_wait3A_205 = arith.constant 0 : i32
          %dma_wait3A_206 = tpu.memref_slice %arg3[%mul3A_0, %dma_wait3A_205] : memref<1280x128xi32, #tpu.memory_space<hbm>> -> memref<2x128xi32, #tpu.memory_space<hbm>>
          tpu.wait_dma2 semaphore(%arg17 : memref<!tpu.dma_semaphore, #tpu.memory_space<semaphore_mem>>) src(%dma_wait3A_206 : memref<2x128xi32, #tpu.memory_space<hbm>>) dst(%arg6 : memref<2x128xi32, #tpu.memory_space<vmem>>)
          %dma_wait3A_207 = arith.constant 0 : i32
          %dma_wait3A_208 = tpu.memref_slice %arg4[%mul3A_0, %dma_wait3A_207] : memref<1280x128xi32, #tpu.memory_space<hbm>> -> memref<2x128xi32, #tpu.memory_space<hbm>>
          %dma_wait3A_209 = arith.constant 0 : i32
          %dma_wait3A_210 = tpu.memref_slice %arg4[%mul3A_0, %dma_wait3A_209] : memref<1280x128xi32, #tpu.memory_space<hbm>> -> memref<2x128xi32, #tpu.memory_space<hbm>>
          tpu.wait_dma2 semaphore(%arg19 : memref<!tpu.dma_semaphore, #tpu.memory_space<semaphore_mem>>) src(%dma_wait3A_210 : memref<2x128xi32, #tpu.memory_space<hbm>>) dst(%arg8 : memref<2x128xi32, #tpu.memory_space<vmem>>)
          %dma_start3A_211 = arith.constant 0 : i32
          %dma_start3A_212 = arith.constant 0 : i32
          %dma_start3A_213 = tpu.memref_slice %arg6[%dma_start3A_211, %dma_start3A_212] : memref<2x128xi32, #tpu.memory_space<vmem>> -> memref<1x128xi32, #tpu.memory_space<vmem>>
          %dma_start3A_214 = tpu.memref_squeeze %dma_start3A_213 : memref<1x128xi32, #tpu.memory_space<vmem>> -> memref<128xi32, #tpu.memory_space<vmem>>
          %dma_start3A_215 = arith.constant 0 : i32
          %dma_start3A_216 = arith.constant 0 : i32
          %dma_start3A_217 = tpu.memref_slice %arg2[%arg0, %dma_start3A_215, %dma_start3A_216] : memref<2x10000x128xf32, #tpu.memory_space<hbm>> -> memref<1x10000x128xf32, #tpu.memory_space<hbm>>
          %dma_start3A_218 = tpu.memref_squeeze %dma_start3A_217 : memref<1x10000x128xf32, #tpu.memory_space<hbm>> -> memref<10000x128xf32, #tpu.memory_space<hbm>>
          %dma_start3A_219 = arith.constant 0 : i32
          %dma_start3A_220 = arith.constant 0 : i32
          %dma_start3A_221 = tpu.memref_slice %dma_start3A_218[%dma_start3A_219, %dma_start3A_220] : memref<10000x128xf32, #tpu.memory_space<hbm>> -> memref<10000x128xf32, #tpu.memory_space<hbm>>
          tpu.enqueue_indirect_dma source(%dma_start3A_221 : memref<10000x128xf32, #tpu.memory_space<hbm>>) target(%arg10 : memref<128x128xf32, #tpu.memory_space<vmem>>) offsets(%dma_start3A_214 : memref<128xi32, #tpu.memory_space<vmem>>) semaphore(%arg13 : memref<!tpu.dma_semaphore, #tpu.memory_space<semaphore_mem>>)
        } else {
        }
        %dma_wait3A_189 = arith.constant 1 : i32
        %dma_wait3A_190 = arith.constant 0 : i32
        %dma_wait3A_191 = tpu.memref_slice %arg9[%dma_wait3A_189, %dma_wait3A_190] : memref<2x128xi32, #tpu.memory_space<vmem>> -> memref<1x128xi32, #tpu.memory_space<vmem>>
        %dma_wait3A_192 = tpu.memref_squeeze %dma_wait3A_191 : memref<1x128xi32, #tpu.memory_space<vmem>> -> memref<128xi32, #tpu.memory_space<vmem>>
        %dma_wait3A_193 = arith.constant 0 : i32
        %dma_wait3A_194 = arith.constant 0 : i32
        %dma_wait3A_195 = tpu.memref_slice %arg12[%dma_wait3A_193, %dma_wait3A_194] : memref<10008x128xf32, #tpu.memory_space<vmem_shared>> -> memref<10008x128xf32, #tpu.memory_space<vmem_shared>>
        tpu.wait_indirect_dma semaphore(%arg16 : memref<!tpu.dma_semaphore, #tpu.memory_space<semaphore_mem>>) src(%arg11 : memref<128x128xf32, #tpu.memory_space<vmem>>) dst(%dma_wait3A_195 : memref<10008x128xf32, #tpu.memory_space<vmem_shared>>)
        %add3A_196 = arith.constant 1 : i32
        %add3A_197 = arith.addi %scan3A_122, %add3A_196 : i32
        %lt3A_198 = arith.constant 40 : i32
        %lt3A_199 = arith.cmpi slt, %add3A_197, %lt3A_198 : i32
        %convert_element_type3A_200 = arith.extui %lt3A_199 : i1 to i32
        %cond3A_201 = arith.constant 0 : i32
        %cond3A_202 = arith.cmpi ne, %convert_element_type3A_200, %cond3A_201 : i32
        scf.if %cond3A_202 {
          %dma_start3A_203 = arith.constant 1 : i32
          %dma_start3A_204 = arith.constant 0 : i32
          %dma_start3A_205 = tpu.memref_slice %arg6[%dma_start3A_203, %dma_start3A_204] : memref<2x128xi32, #tpu.memory_space<vmem>> -> memref<1x128xi32, #tpu.memory_space<vmem>>
          %dma_start3A_206 = tpu.memref_squeeze %dma_start3A_205 : memref<1x128xi32, #tpu.memory_space<vmem>> -> memref<128xi32, #tpu.memory_space<vmem>>
          %dma_start3A_207 = arith.constant 0 : i32
          %dma_start3A_208 = arith.constant 0 : i32
          %dma_start3A_209 = tpu.memref_slice %arg2[%arg0, %dma_start3A_207, %dma_start3A_208] : memref<2x10000x128xf32, #tpu.memory_space<hbm>> -> memref<1x10000x128xf32, #tpu.memory_space<hbm>>
          %dma_start3A_210 = tpu.memref_squeeze %dma_start3A_209 : memref<1x10000x128xf32, #tpu.memory_space<hbm>> -> memref<10000x128xf32, #tpu.memory_space<hbm>>
          %dma_start3A_211 = arith.constant 0 : i32
          %dma_start3A_212 = arith.constant 0 : i32
          %dma_start3A_213 = tpu.memref_slice %dma_start3A_210[%dma_start3A_211, %dma_start3A_212] : memref<10000x128xf32, #tpu.memory_space<hbm>> -> memref<10000x128xf32, #tpu.memory_space<hbm>>
          tpu.enqueue_indirect_dma source(%dma_start3A_213 : memref<10000x128xf32, #tpu.memory_space<hbm>>) target(%arg11 : memref<128x128xf32, #tpu.memory_space<vmem>>) offsets(%dma_start3A_206 : memref<128xi32, #tpu.memory_space<vmem>>) semaphore(%arg14 : memref<!tpu.dma_semaphore, #tpu.memory_space<semaphore_mem>>)
        } else {
        }
      } else {
      }
    }
    %scan3A_71 = arith.constant 40 : i32
    %barrier3A_72 = arith.constant 0 : index
    tpu.barrier barrier_id(%barrier3A_72)
    %add3A_73 = arith.constant 0 : i32
    %add3A_74 = arith.addi %arg1, %add3A_73 : i32
    %mul3A_75 = arith.constant 80 : i32
    %mul3A_76 = arith.muli %add3A_74, %mul3A_75 : i32
    %mul3A_77 = arith.constant 80 : i32
    %mul3A_78 = arith.muli %add3A_74, %mul3A_77 : i32
    "tpu.region"() ({
      %run_scoped3A = tpu.sem_alloc : memref<!tpu.dma_semaphore, #tpu.memory_space<semaphore_mem>>
      %dma_start3A_122 = arith.constant 0 : i32
      %dma_start3A_123 = tpu.memref_slice %arg5[%arg0, %mul3A_78, %dma_start3A_122] : memref<2x10000x128xf32, #tpu.memory_space<hbm>> -> memref<1x80x128xf32, #tpu.memory_space<hbm>>
      %dma_start3A_124 = tpu.memref_squeeze %dma_start3A_123 : memref<1x80x128xf32, #tpu.memory_space<hbm>> -> memref<80x128xf32, #tpu.memory_space<hbm>>
      %dma_start3A_125 = arith.constant 0 : i32
      %dma_start3A_126 = tpu.memref_slice %arg12[%mul3A_76, %dma_start3A_125] : memref<10008x128xf32, #tpu.memory_space<vmem_shared>> -> memref<80x128xf32, #tpu.memory_space<vmem_shared>>
      tpu.enqueue_dma source(%dma_start3A_126 : memref<80x128xf32, #tpu.memory_space<vmem_shared>>) target(%dma_start3A_124 : memref<80x128xf32, #tpu.memory_space<hbm>>) target_semaphore(%run_scoped3A : memref<!tpu.dma_semaphore, #tpu.memory_space<semaphore_mem>>)
      %dma_wait3A = arith.constant 0 : i32
      %dma_wait3A_127 = tpu.memref_slice %arg5[%arg0, %mul3A_78, %dma_wait3A] : memref<2x10000x128xf32, #tpu.memory_space<hbm>> -> memref<1x80x128xf32, #tpu.memory_space<hbm>>
      %dma_wait3A_128 = tpu.memref_squeeze %dma_wait3A_127 : memref<1x80x128xf32, #tpu.memory_space<hbm>> -> memref<80x128xf32, #tpu.memory_space<hbm>>
      %dma_wait3A_129 = arith.constant 0 : i32
      %dma_wait3A_130 = tpu.memref_slice %arg12[%mul3A_76, %dma_wait3A_129] : memref<10008x128xf32, #tpu.memory_space<vmem_shared>> -> memref<80x128xf32, #tpu.memory_space<vmem_shared>>
      tpu.wait_dma2 semaphore(%run_scoped3A : memref<!tpu.dma_semaphore, #tpu.memory_space<semaphore_mem>>) src(%dma_wait3A_130 : memref<80x128xf32, #tpu.memory_space<vmem_shared>>) dst(%dma_wait3A_128 : memref<80x128xf32, #tpu.memory_space<hbm>>)
      tpu.yield
    }) : () -> ()
    %add3A_79 = arith.constant 16 : i32
    %add3A_80 = arith.addi %arg1, %add3A_79 : i32
    %mul3A_81 = arith.constant 80 : i32
    %mul3A_82 = arith.muli %add3A_80, %mul3A_81 : i32
    %mul3A_83 = arith.constant 80 : i32
    %mul3A_84 = arith.muli %add3A_80, %mul3A_83 : i32
    "tpu.region"() ({
      %run_scoped3A = tpu.sem_alloc : memref<!tpu.dma_semaphore, #tpu.memory_space<semaphore_mem>>
      %dma_start3A_122 = arith.constant 0 : i32
      %dma_start3A_123 = tpu.memref_slice %arg5[%arg0, %mul3A_84, %dma_start3A_122] : memref<2x10000x128xf32, #tpu.memory_space<hbm>> -> memref<1x80x128xf32, #tpu.memory_space<hbm>>
      %dma_start3A_124 = tpu.memref_squeeze %dma_start3A_123 : memref<1x80x128xf32, #tpu.memory_space<hbm>> -> memref<80x128xf32, #tpu.memory_space<hbm>>
      %dma_start3A_125 = arith.constant 0 : i32
      %dma_start3A_126 = tpu.memref_slice %arg12[%mul3A_82, %dma_start3A_125] : memref<10008x128xf32, #tpu.memory_space<vmem_shared>> -> memref<80x128xf32, #tpu.memory_space<vmem_shared>>
      tpu.enqueue_dma source(%dma_start3A_126 : memref<80x128xf32, #tpu.memory_space<vmem_shared>>) target(%dma_start3A_124 : memref<80x128xf32, #tpu.memory_space<hbm>>) target_semaphore(%run_scoped3A : memref<!tpu.dma_semaphore, #tpu.memory_space<semaphore_mem>>)
      %dma_wait3A = arith.constant 0 : i32
      %dma_wait3A_127 = tpu.memref_slice %arg5[%arg0, %mul3A_84, %dma_wait3A] : memref<2x10000x128xf32, #tpu.memory_space<hbm>> -> memref<1x80x128xf32, #tpu.memory_space<hbm>>
      %dma_wait3A_128 = tpu.memref_squeeze %dma_wait3A_127 : memref<1x80x128xf32, #tpu.memory_space<hbm>> -> memref<80x128xf32, #tpu.memory_space<hbm>>
      %dma_wait3A_129 = arith.constant 0 : i32
      %dma_wait3A_130 = tpu.memref_slice %arg12[%mul3A_82, %dma_wait3A_129] : memref<10008x128xf32, #tpu.memory_space<vmem_shared>> -> memref<80x128xf32, #tpu.memory_space<vmem_shared>>
      tpu.wait_dma2 semaphore(%run_scoped3A : memref<!tpu.dma_semaphore, #tpu.memory_space<semaphore_mem>>) src(%dma_wait3A_130 : memref<80x128xf32, #tpu.memory_space<vmem_shared>>) dst(%dma_wait3A_128 : memref<80x128xf32, #tpu.memory_space<hbm>>)
      tpu.yield
    }) : () -> ()
    %add3A_85 = arith.constant 32 : i32
    %add3A_86 = arith.addi %arg1, %add3A_85 : i32
    %mul3A_87 = arith.constant 80 : i32
    %mul3A_88 = arith.muli %add3A_86, %mul3A_87 : i32
    %mul3A_89 = arith.constant 80 : i32
    %mul3A_90 = arith.muli %add3A_86, %mul3A_89 : i32
    "tpu.region"() ({
      %run_scoped3A = tpu.sem_alloc : memref<!tpu.dma_semaphore, #tpu.memory_space<semaphore_mem>>
      %dma_start3A_122 = arith.constant 0 : i32
      %dma_start3A_123 = tpu.memref_slice %arg5[%arg0, %mul3A_90, %dma_start3A_122] : memref<2x10000x128xf32, #tpu.memory_space<hbm>> -> memref<1x80x128xf32, #tpu.memory_space<hbm>>
      %dma_start3A_124 = tpu.memref_squeeze %dma_start3A_123 : memref<1x80x128xf32, #tpu.memory_space<hbm>> -> memref<80x128xf32, #tpu.memory_space<hbm>>
      %dma_start3A_125 = arith.constant 0 : i32
      %dma_start3A_126 = tpu.memref_slice %arg12[%mul3A_88, %dma_start3A_125] : memref<10008x128xf32, #tpu.memory_space<vmem_shared>> -> memref<80x128xf32, #tpu.memory_space<vmem_shared>>
      tpu.enqueue_dma source(%dma_start3A_126 : memref<80x128xf32, #tpu.memory_space<vmem_shared>>) target(%dma_start3A_124 : memref<80x128xf32, #tpu.memory_space<hbm>>) target_semaphore(%run_scoped3A : memref<!tpu.dma_semaphore, #tpu.memory_space<semaphore_mem>>)
      %dma_wait3A = arith.constant 0 : i32
      %dma_wait3A_127 = tpu.memref_slice %arg5[%arg0, %mul3A_90, %dma_wait3A] : memref<2x10000x128xf32, #tpu.memory_space<hbm>> -> memref<1x80x128xf32, #tpu.memory_space<hbm>>
      %dma_wait3A_128 = tpu.memref_squeeze %dma_wait3A_127 : memref<1x80x128xf32, #tpu.memory_space<hbm>> -> memref<80x128xf32, #tpu.memory_space<hbm>>
      %dma_wait3A_129 = arith.constant 0 : i32
      %dma_wait3A_130 = tpu.memref_slice %arg12[%mul3A_88, %dma_wait3A_129] : memref<10008x128xf32, #tpu.memory_space<vmem_shared>> -> memref<80x128xf32, #tpu.memory_space<vmem_shared>>
      tpu.wait_dma2 semaphore(%run_scoped3A : memref<!tpu.dma_semaphore, #tpu.memory_space<semaphore_mem>>) src(%dma_wait3A_130 : memref<80x128xf32, #tpu.memory_space<vmem_shared>>) dst(%dma_wait3A_128 : memref<80x128xf32, #tpu.memory_space<hbm>>)
      tpu.yield
    }) : () -> ()
    %add3A_91 = arith.constant 48 : i32
    %add3A_92 = arith.addi %arg1, %add3A_91 : i32
    %mul3A_93 = arith.constant 80 : i32
    %mul3A_94 = arith.muli %add3A_92, %mul3A_93 : i32
    %mul3A_95 = arith.constant 80 : i32
    %mul3A_96 = arith.muli %add3A_92, %mul3A_95 : i32
    "tpu.region"() ({
      %run_scoped3A = tpu.sem_alloc : memref<!tpu.dma_semaphore, #tpu.memory_space<semaphore_mem>>
      %dma_start3A_122 = arith.constant 0 : i32
      %dma_start3A_123 = tpu.memref_slice %arg5[%arg0, %mul3A_96, %dma_start3A_122] : memref<2x10000x128xf32, #tpu.memory_space<hbm>> -> memref<1x80x128xf32, #tpu.memory_space<hbm>>
      %dma_start3A_124 = tpu.memref_squeeze %dma_start3A_123 : memref<1x80x128xf32, #tpu.memory_space<hbm>> -> memref<80x128xf32, #tpu.memory_space<hbm>>
      %dma_start3A_125 = arith.constant 0 : i32
      %dma_start3A_126 = tpu.memref_slice %arg12[%mul3A_94, %dma_start3A_125] : memref<10008x128xf32, #tpu.memory_space<vmem_shared>> -> memref<80x128xf32, #tpu.memory_space<vmem_shared>>
      tpu.enqueue_dma source(%dma_start3A_126 : memref<80x128xf32, #tpu.memory_space<vmem_shared>>) target(%dma_start3A_124 : memref<80x128xf32, #tpu.memory_space<hbm>>) target_semaphore(%run_scoped3A : memref<!tpu.dma_semaphore, #tpu.memory_space<semaphore_mem>>)
      %dma_wait3A = arith.constant 0 : i32
      %dma_wait3A_127 = tpu.memref_slice %arg5[%arg0, %mul3A_96, %dma_wait3A] : memref<2x10000x128xf32, #tpu.memory_space<hbm>> -> memref<1x80x128xf32, #tpu.memory_space<hbm>>
      %dma_wait3A_128 = tpu.memref_squeeze %dma_wait3A_127 : memref<1x80x128xf32, #tpu.memory_space<hbm>> -> memref<80x128xf32, #tpu.memory_space<hbm>>
      %dma_wait3A_129 = arith.constant 0 : i32
      %dma_wait3A_130 = tpu.memref_slice %arg12[%mul3A_94, %dma_wait3A_129] : memref<10008x128xf32, #tpu.memory_space<vmem_shared>> -> memref<80x128xf32, #tpu.memory_space<vmem_shared>>
      tpu.wait_dma2 semaphore(%run_scoped3A : memref<!tpu.dma_semaphore, #tpu.memory_space<semaphore_mem>>) src(%dma_wait3A_130 : memref<80x128xf32, #tpu.memory_space<vmem_shared>>) dst(%dma_wait3A_128 : memref<80x128xf32, #tpu.memory_space<hbm>>)
      tpu.yield
    }) : () -> ()
    %add3A_97 = arith.constant 64 : i32
    %add3A_98 = arith.addi %arg1, %add3A_97 : i32
    %mul3A_99 = arith.constant 80 : i32
    %mul3A_100 = arith.muli %add3A_98, %mul3A_99 : i32
    %mul3A_101 = arith.constant 80 : i32
    %mul3A_102 = arith.muli %add3A_98, %mul3A_101 : i32
    "tpu.region"() ({
      %run_scoped3A = tpu.sem_alloc : memref<!tpu.dma_semaphore, #tpu.memory_space<semaphore_mem>>
      %dma_start3A_122 = arith.constant 0 : i32
      %dma_start3A_123 = tpu.memref_slice %arg5[%arg0, %mul3A_102, %dma_start3A_122] : memref<2x10000x128xf32, #tpu.memory_space<hbm>> -> memref<1x80x128xf32, #tpu.memory_space<hbm>>
      %dma_start3A_124 = tpu.memref_squeeze %dma_start3A_123 : memref<1x80x128xf32, #tpu.memory_space<hbm>> -> memref<80x128xf32, #tpu.memory_space<hbm>>
      %dma_start3A_125 = arith.constant 0 : i32
      %dma_start3A_126 = tpu.memref_slice %arg12[%mul3A_100, %dma_start3A_125] : memref<10008x128xf32, #tpu.memory_space<vmem_shared>> -> memref<80x128xf32, #tpu.memory_space<vmem_shared>>
      tpu.enqueue_dma source(%dma_start3A_126 : memref<80x128xf32, #tpu.memory_space<vmem_shared>>) target(%dma_start3A_124 : memref<80x128xf32, #tpu.memory_space<hbm>>) target_semaphore(%run_scoped3A : memref<!tpu.dma_semaphore, #tpu.memory_space<semaphore_mem>>)
      %dma_wait3A = arith.constant 0 : i32
      %dma_wait3A_127 = tpu.memref_slice %arg5[%arg0, %mul3A_102, %dma_wait3A] : memref<2x10000x128xf32, #tpu.memory_space<hbm>> -> memref<1x80x128xf32, #tpu.memory_space<hbm>>
      %dma_wait3A_128 = tpu.memref_squeeze %dma_wait3A_127 : memref<1x80x128xf32, #tpu.memory_space<hbm>> -> memref<80x128xf32, #tpu.memory_space<hbm>>
      %dma_wait3A_129 = arith.constant 0 : i32
      %dma_wait3A_130 = tpu.memref_slice %arg12[%mul3A_100, %dma_wait3A_129] : memref<10008x128xf32, #tpu.memory_space<vmem_shared>> -> memref<80x128xf32, #tpu.memory_space<vmem_shared>>
      tpu.wait_dma2 semaphore(%run_scoped3A : memref<!tpu.dma_semaphore, #tpu.memory_space<semaphore_mem>>) src(%dma_wait3A_130 : memref<80x128xf32, #tpu.memory_space<vmem_shared>>) dst(%dma_wait3A_128 : memref<80x128xf32, #tpu.memory_space<hbm>>)
      tpu.yield
    }) : () -> ()
    %add3A_103 = arith.constant 80 : i32
    %add3A_104 = arith.addi %arg1, %add3A_103 : i32
    %mul3A_105 = arith.constant 80 : i32
    %mul3A_106 = arith.muli %add3A_104, %mul3A_105 : i32
    %mul3A_107 = arith.constant 80 : i32
    %mul3A_108 = arith.muli %add3A_104, %mul3A_107 : i32
    "tpu.region"() ({
      %run_scoped3A = tpu.sem_alloc : memref<!tpu.dma_semaphore, #tpu.memory_space<semaphore_mem>>
      %dma_start3A_122 = arith.constant 0 : i32
      %dma_start3A_123 = tpu.memref_slice %arg5[%arg0, %mul3A_108, %dma_start3A_122] : memref<2x10000x128xf32, #tpu.memory_space<hbm>> -> memref<1x80x128xf32, #tpu.memory_space<hbm>>
      %dma_start3A_124 = tpu.memref_squeeze %dma_start3A_123 : memref<1x80x128xf32, #tpu.memory_space<hbm>> -> memref<80x128xf32, #tpu.memory_space<hbm>>
      %dma_start3A_125 = arith.constant 0 : i32
      %dma_start3A_126 = tpu.memref_slice %arg12[%mul3A_106, %dma_start3A_125] : memref<10008x128xf32, #tpu.memory_space<vmem_shared>> -> memref<80x128xf32, #tpu.memory_space<vmem_shared>>
      tpu.enqueue_dma source(%dma_start3A_126 : memref<80x128xf32, #tpu.memory_space<vmem_shared>>) target(%dma_start3A_124 : memref<80x128xf32, #tpu.memory_space<hbm>>) target_semaphore(%run_scoped3A : memref<!tpu.dma_semaphore, #tpu.memory_space<semaphore_mem>>)
      %dma_wait3A = arith.constant 0 : i32
      %dma_wait3A_127 = tpu.memref_slice %arg5[%arg0, %mul3A_108, %dma_wait3A] : memref<2x10000x128xf32, #tpu.memory_space<hbm>> -> memref<1x80x128xf32, #tpu.memory_space<hbm>>
      %dma_wait3A_128 = tpu.memref_squeeze %dma_wait3A_127 : memref<1x80x128xf32, #tpu.memory_space<hbm>> -> memref<80x128xf32, #tpu.memory_space<hbm>>
      %dma_wait3A_129 = arith.constant 0 : i32
      %dma_wait3A_130 = tpu.memref_slice %arg12[%mul3A_106, %dma_wait3A_129] : memref<10008x128xf32, #tpu.memory_space<vmem_shared>> -> memref<80x128xf32, #tpu.memory_space<vmem_shared>>
      tpu.wait_dma2 semaphore(%run_scoped3A : memref<!tpu.dma_semaphore, #tpu.memory_space<semaphore_mem>>) src(%dma_wait3A_130 : memref<80x128xf32, #tpu.memory_space<vmem_shared>>) dst(%dma_wait3A_128 : memref<80x128xf32, #tpu.memory_space<hbm>>)
      tpu.yield
    }) : () -> ()
    %add3A_109 = arith.constant 96 : i32
    %add3A_110 = arith.addi %arg1, %add3A_109 : i32
    %mul3A_111 = arith.constant 80 : i32
    %mul3A_112 = arith.muli %add3A_110, %mul3A_111 : i32
    %mul3A_113 = arith.constant 80 : i32
    %mul3A_114 = arith.muli %add3A_110, %mul3A_113 : i32
    "tpu.region"() ({
      %run_scoped3A = tpu.sem_alloc : memref<!tpu.dma_semaphore, #tpu.memory_space<semaphore_mem>>
      %dma_start3A_122 = arith.constant 0 : i32
      %dma_start3A_123 = tpu.memref_slice %arg5[%arg0, %mul3A_114, %dma_start3A_122] : memref<2x10000x128xf32, #tpu.memory_space<hbm>> -> memref<1x80x128xf32, #tpu.memory_space<hbm>>
      %dma_start3A_124 = tpu.memref_squeeze %dma_start3A_123 : memref<1x80x128xf32, #tpu.memory_space<hbm>> -> memref<80x128xf32, #tpu.memory_space<hbm>>
      %dma_start3A_125 = arith.constant 0 : i32
      %dma_start3A_126 = tpu.memref_slice %arg12[%mul3A_112, %dma_start3A_125] : memref<10008x128xf32, #tpu.memory_space<vmem_shared>> -> memref<80x128xf32, #tpu.memory_space<vmem_shared>>
      tpu.enqueue_dma source(%dma_start3A_126 : memref<80x128xf32, #tpu.memory_space<vmem_shared>>) target(%dma_start3A_124 : memref<80x128xf32, #tpu.memory_space<hbm>>) target_semaphore(%run_scoped3A : memref<!tpu.dma_semaphore, #tpu.memory_space<semaphore_mem>>)
      %dma_wait3A = arith.constant 0 : i32
      %dma_wait3A_127 = tpu.memref_slice %arg5[%arg0, %mul3A_114, %dma_wait3A] : memref<2x10000x128xf32, #tpu.memory_space<hbm>> -> memref<1x80x128xf32, #tpu.memory_space<hbm>>
      %dma_wait3A_128 = tpu.memref_squeeze %dma_wait3A_127 : memref<1x80x128xf32, #tpu.memory_space<hbm>> -> memref<80x128xf32, #tpu.memory_space<hbm>>
      %dma_wait3A_129 = arith.constant 0 : i32
      %dma_wait3A_130 = tpu.memref_slice %arg12[%mul3A_112, %dma_wait3A_129] : memref<10008x128xf32, #tpu.memory_space<vmem_shared>> -> memref<80x128xf32, #tpu.memory_space<vmem_shared>>
      tpu.wait_dma2 semaphore(%run_scoped3A : memref<!tpu.dma_semaphore, #tpu.memory_space<semaphore_mem>>) src(%dma_wait3A_130 : memref<80x128xf32, #tpu.memory_space<vmem_shared>>) dst(%dma_wait3A_128 : memref<80x128xf32, #tpu.memory_space<hbm>>)
      tpu.yield
    }) : () -> ()
    %add3A_115 = arith.constant 112 : i32
    %add3A_116 = arith.addi %arg1, %add3A_115 : i32
    %lt3A_117 = arith.constant 125 : i32
    %lt3A_118 = arith.cmpi slt, %add3A_116, %lt3A_117 : i32
    %convert_element_type3A_119 = arith.extui %lt3A_118 : i1 to i32
    %cond3A_120 = arith.constant 0 : i32
    %cond3A_121 = arith.cmpi ne, %convert_element_type3A_119, %cond3A_120 : i32
    scf.if %cond3A_121 {
      %mul3A_122 = arith.constant 80 : i32
      %mul3A_123 = arith.muli %add3A_116, %mul3A_122 : i32
      %mul3A_124 = arith.constant 80 : i32
      %mul3A_125 = arith.muli %add3A_116, %mul3A_124 : i32
      "tpu.region"() ({
        %run_scoped3A = tpu.sem_alloc : memref<!tpu.dma_semaphore, #tpu.memory_space<semaphore_mem>>
        %dma_start3A_126 = arith.constant 0 : i32
        %dma_start3A_127 = tpu.memref_slice %arg5[%arg0, %mul3A_125, %dma_start3A_126] : memref<2x10000x128xf32, #tpu.memory_space<hbm>> -> memref<1x80x128xf32, #tpu.memory_space<hbm>>
        %dma_start3A_128 = tpu.memref_squeeze %dma_start3A_127 : memref<1x80x128xf32, #tpu.memory_space<hbm>> -> memref<80x128xf32, #tpu.memory_space<hbm>>
        %dma_start3A_129 = arith.constant 0 : i32
        %dma_start3A_130 = tpu.memref_slice %arg12[%mul3A_123, %dma_start3A_129] : memref<10008x128xf32, #tpu.memory_space<vmem_shared>> -> memref<80x128xf32, #tpu.memory_space<vmem_shared>>
        tpu.enqueue_dma source(%dma_start3A_130 : memref<80x128xf32, #tpu.memory_space<vmem_shared>>) target(%dma_start3A_128 : memref<80x128xf32, #tpu.memory_space<hbm>>) target_semaphore(%run_scoped3A : memref<!tpu.dma_semaphore, #tpu.memory_space<semaphore_mem>>)
        %dma_wait3A = arith.constant 0 : i32
        %dma_wait3A_131 = tpu.memref_slice %arg5[%arg0, %mul3A_125, %dma_wait3A] : memref<2x10000x128xf32, #tpu.memory_space<hbm>> -> memref<1x80x128xf32, #tpu.memory_space<hbm>>
        %dma_wait3A_132 = tpu.memref_squeeze %dma_wait3A_131 : memref<1x80x128xf32, #tpu.memory_space<hbm>> -> memref<80x128xf32, #tpu.memory_space<hbm>>
        %dma_wait3A_133 = arith.constant 0 : i32
        %dma_wait3A_134 = tpu.memref_slice %arg12[%mul3A_123, %dma_wait3A_133] : memref<10008x128xf32, #tpu.memory_space<vmem_shared>> -> memref<80x128xf32, #tpu.memory_space<vmem_shared>>
        tpu.wait_dma2 semaphore(%run_scoped3A : memref<!tpu.dma_semaphore, #tpu.memory_space<semaphore_mem>>) src(%dma_wait3A_134 : memref<80x128xf32, #tpu.memory_space<vmem_shared>>) dst(%dma_wait3A_132 : memref<80x128xf32, #tpu.memory_space<hbm>>)
        tpu.yield
      }) : () -> ()
    } else {
    }
    return
  }
}

#map = affine_map<(d0, d1) -> (0, 0)>
#map1 = affine_map<(d0, d1) -> (0, 0, 0)>
module attributes {stable_mosaic.version = 14 : i64} {
  func.func @deg_kernel(%arg0: i32, %arg1: i32, %arg2: memref<1280x128xi32, #tpu.memory_space<hbm>>, %arg3: memref<80x16xf32, #tpu.memory_space<hbm>>, %arg4: memref<128x16xf32, #tpu.memory_space<hbm>>, %arg5: memref<2x10000x16xf32, #tpu.memory_space<hbm>>, %arg6: memref<2x128xi32, #tpu.memory_space<vmem>>, %arg7: memref<2x128xi32, #tpu.memory_space<vmem>>, %arg8: memref<128x16xf32, #tpu.memory_space<vmem>>, %arg9: memref<10008x16xf32, #tpu.memory_space<vmem_shared>>, %arg10: memref<!tpu.dma_semaphore, #tpu.memory_space<semaphore_mem>>, %arg11: memref<!tpu.dma_semaphore, #tpu.memory_space<semaphore_mem>>, %arg12: memref<!tpu.dma_semaphore, #tpu.memory_space<semaphore_mem>>) attributes {dimension_semantics = [#tpu.dimension_semantics<core_parallel>, #tpu.dimension_semantics<subcore_parallel>], iteration_bounds = array<i64: 2, 16>, scalar_prefetch = 0 : i64, scratch_operands = 7 : i64, tpu.core_type = #tpu.core_type<sc_vector_subcore>, window_params = [{transform_indices = #map}, {transform_indices = #map}, {transform_indices = #map}, {transform_indices = #map1}]} {
    %mul3A = arith.constant 2 : i32
    %mul3A_0 = arith.muli %arg1, %mul3A : i32
    %add3A = arith.addi %mul3A_0, %arg0 : i32
    %mul3A_1 = arith.constant 40 : i32
    %mul3A_2 = arith.muli %add3A, %mul3A_1 : i32
    %add3A_3 = arith.constant 0 : i32
    %add3A_4 = arith.addi %arg1, %add3A_3 : i32
    %mul3A_5 = arith.constant 80 : i32
    %mul3A_6 = arith.muli %add3A_4, %mul3A_5 : i32
    "tpu.region"() ({
      %run_scoped3A = tpu.sem_alloc : memref<!tpu.dma_semaphore, #tpu.memory_space<semaphore_mem>>
      %dma_start3A = arith.constant 0 : i32
      %dma_start3A_90 = tpu.memref_slice %arg9[%mul3A_6, %dma_start3A] : memref<10008x16xf32, #tpu.memory_space<vmem_shared>> -> memref<80x16xf32, #tpu.memory_space<vmem_shared>>
      tpu.enqueue_dma source(%arg3 : memref<80x16xf32, #tpu.memory_space<hbm>>) target(%dma_start3A_90 : memref<80x16xf32, #tpu.memory_space<vmem_shared>>) target_semaphore(%run_scoped3A : memref<!tpu.dma_semaphore, #tpu.memory_space<semaphore_mem>>)
      %dma_wait3A = arith.constant 0 : i32
      %dma_wait3A_91 = tpu.memref_slice %arg9[%mul3A_6, %dma_wait3A] : memref<10008x16xf32, #tpu.memory_space<vmem_shared>> -> memref<80x16xf32, #tpu.memory_space<vmem_shared>>
      tpu.wait_dma2 semaphore(%run_scoped3A : memref<!tpu.dma_semaphore, #tpu.memory_space<semaphore_mem>>) src(%arg3 : memref<80x16xf32, #tpu.memory_space<hbm>>) dst(%dma_wait3A_91 : memref<80x16xf32, #tpu.memory_space<vmem_shared>>)
      tpu.yield
    }) : () -> ()
    %add3A_7 = arith.constant 16 : i32
    %add3A_8 = arith.addi %arg1, %add3A_7 : i32
    %mul3A_9 = arith.constant 80 : i32
    %mul3A_10 = arith.muli %add3A_8, %mul3A_9 : i32
    "tpu.region"() ({
      %run_scoped3A = tpu.sem_alloc : memref<!tpu.dma_semaphore, #tpu.memory_space<semaphore_mem>>
      %dma_start3A = arith.constant 0 : i32
      %dma_start3A_90 = tpu.memref_slice %arg9[%mul3A_10, %dma_start3A] : memref<10008x16xf32, #tpu.memory_space<vmem_shared>> -> memref<80x16xf32, #tpu.memory_space<vmem_shared>>
      tpu.enqueue_dma source(%arg3 : memref<80x16xf32, #tpu.memory_space<hbm>>) target(%dma_start3A_90 : memref<80x16xf32, #tpu.memory_space<vmem_shared>>) target_semaphore(%run_scoped3A : memref<!tpu.dma_semaphore, #tpu.memory_space<semaphore_mem>>)
      %dma_wait3A = arith.constant 0 : i32
      %dma_wait3A_91 = tpu.memref_slice %arg9[%mul3A_10, %dma_wait3A] : memref<10008x16xf32, #tpu.memory_space<vmem_shared>> -> memref<80x16xf32, #tpu.memory_space<vmem_shared>>
      tpu.wait_dma2 semaphore(%run_scoped3A : memref<!tpu.dma_semaphore, #tpu.memory_space<semaphore_mem>>) src(%arg3 : memref<80x16xf32, #tpu.memory_space<hbm>>) dst(%dma_wait3A_91 : memref<80x16xf32, #tpu.memory_space<vmem_shared>>)
      tpu.yield
    }) : () -> ()
    %add3A_11 = arith.constant 32 : i32
    %add3A_12 = arith.addi %arg1, %add3A_11 : i32
    %mul3A_13 = arith.constant 80 : i32
    %mul3A_14 = arith.muli %add3A_12, %mul3A_13 : i32
    "tpu.region"() ({
      %run_scoped3A = tpu.sem_alloc : memref<!tpu.dma_semaphore, #tpu.memory_space<semaphore_mem>>
      %dma_start3A = arith.constant 0 : i32
      %dma_start3A_90 = tpu.memref_slice %arg9[%mul3A_14, %dma_start3A] : memref<10008x16xf32, #tpu.memory_space<vmem_shared>> -> memref<80x16xf32, #tpu.memory_space<vmem_shared>>
      tpu.enqueue_dma source(%arg3 : memref<80x16xf32, #tpu.memory_space<hbm>>) target(%dma_start3A_90 : memref<80x16xf32, #tpu.memory_space<vmem_shared>>) target_semaphore(%run_scoped3A : memref<!tpu.dma_semaphore, #tpu.memory_space<semaphore_mem>>)
      %dma_wait3A = arith.constant 0 : i32
      %dma_wait3A_91 = tpu.memref_slice %arg9[%mul3A_14, %dma_wait3A] : memref<10008x16xf32, #tpu.memory_space<vmem_shared>> -> memref<80x16xf32, #tpu.memory_space<vmem_shared>>
      tpu.wait_dma2 semaphore(%run_scoped3A : memref<!tpu.dma_semaphore, #tpu.memory_space<semaphore_mem>>) src(%arg3 : memref<80x16xf32, #tpu.memory_space<hbm>>) dst(%dma_wait3A_91 : memref<80x16xf32, #tpu.memory_space<vmem_shared>>)
      tpu.yield
    }) : () -> ()
    %add3A_15 = arith.constant 48 : i32
    %add3A_16 = arith.addi %arg1, %add3A_15 : i32
    %mul3A_17 = arith.constant 80 : i32
    %mul3A_18 = arith.muli %add3A_16, %mul3A_17 : i32
    "tpu.region"() ({
      %run_scoped3A = tpu.sem_alloc : memref<!tpu.dma_semaphore, #tpu.memory_space<semaphore_mem>>
      %dma_start3A = arith.constant 0 : i32
      %dma_start3A_90 = tpu.memref_slice %arg9[%mul3A_18, %dma_start3A] : memref<10008x16xf32, #tpu.memory_space<vmem_shared>> -> memref<80x16xf32, #tpu.memory_space<vmem_shared>>
      tpu.enqueue_dma source(%arg3 : memref<80x16xf32, #tpu.memory_space<hbm>>) target(%dma_start3A_90 : memref<80x16xf32, #tpu.memory_space<vmem_shared>>) target_semaphore(%run_scoped3A : memref<!tpu.dma_semaphore, #tpu.memory_space<semaphore_mem>>)
      %dma_wait3A = arith.constant 0 : i32
      %dma_wait3A_91 = tpu.memref_slice %arg9[%mul3A_18, %dma_wait3A] : memref<10008x16xf32, #tpu.memory_space<vmem_shared>> -> memref<80x16xf32, #tpu.memory_space<vmem_shared>>
      tpu.wait_dma2 semaphore(%run_scoped3A : memref<!tpu.dma_semaphore, #tpu.memory_space<semaphore_mem>>) src(%arg3 : memref<80x16xf32, #tpu.memory_space<hbm>>) dst(%dma_wait3A_91 : memref<80x16xf32, #tpu.memory_space<vmem_shared>>)
      tpu.yield
    }) : () -> ()
    %add3A_19 = arith.constant 64 : i32
    %add3A_20 = arith.addi %arg1, %add3A_19 : i32
    %mul3A_21 = arith.constant 80 : i32
    %mul3A_22 = arith.muli %add3A_20, %mul3A_21 : i32
    "tpu.region"() ({
      %run_scoped3A = tpu.sem_alloc : memref<!tpu.dma_semaphore, #tpu.memory_space<semaphore_mem>>
      %dma_start3A = arith.constant 0 : i32
      %dma_start3A_90 = tpu.memref_slice %arg9[%mul3A_22, %dma_start3A] : memref<10008x16xf32, #tpu.memory_space<vmem_shared>> -> memref<80x16xf32, #tpu.memory_space<vmem_shared>>
      tpu.enqueue_dma source(%arg3 : memref<80x16xf32, #tpu.memory_space<hbm>>) target(%dma_start3A_90 : memref<80x16xf32, #tpu.memory_space<vmem_shared>>) target_semaphore(%run_scoped3A : memref<!tpu.dma_semaphore, #tpu.memory_space<semaphore_mem>>)
      %dma_wait3A = arith.constant 0 : i32
      %dma_wait3A_91 = tpu.memref_slice %arg9[%mul3A_22, %dma_wait3A] : memref<10008x16xf32, #tpu.memory_space<vmem_shared>> -> memref<80x16xf32, #tpu.memory_space<vmem_shared>>
      tpu.wait_dma2 semaphore(%run_scoped3A : memref<!tpu.dma_semaphore, #tpu.memory_space<semaphore_mem>>) src(%arg3 : memref<80x16xf32, #tpu.memory_space<hbm>>) dst(%dma_wait3A_91 : memref<80x16xf32, #tpu.memory_space<vmem_shared>>)
      tpu.yield
    }) : () -> ()
    %add3A_23 = arith.constant 80 : i32
    %add3A_24 = arith.addi %arg1, %add3A_23 : i32
    %mul3A_25 = arith.constant 80 : i32
    %mul3A_26 = arith.muli %add3A_24, %mul3A_25 : i32
    "tpu.region"() ({
      %run_scoped3A = tpu.sem_alloc : memref<!tpu.dma_semaphore, #tpu.memory_space<semaphore_mem>>
      %dma_start3A = arith.constant 0 : i32
      %dma_start3A_90 = tpu.memref_slice %arg9[%mul3A_26, %dma_start3A] : memref<10008x16xf32, #tpu.memory_space<vmem_shared>> -> memref<80x16xf32, #tpu.memory_space<vmem_shared>>
      tpu.enqueue_dma source(%arg3 : memref<80x16xf32, #tpu.memory_space<hbm>>) target(%dma_start3A_90 : memref<80x16xf32, #tpu.memory_space<vmem_shared>>) target_semaphore(%run_scoped3A : memref<!tpu.dma_semaphore, #tpu.memory_space<semaphore_mem>>)
      %dma_wait3A = arith.constant 0 : i32
      %dma_wait3A_91 = tpu.memref_slice %arg9[%mul3A_26, %dma_wait3A] : memref<10008x16xf32, #tpu.memory_space<vmem_shared>> -> memref<80x16xf32, #tpu.memory_space<vmem_shared>>
      tpu.wait_dma2 semaphore(%run_scoped3A : memref<!tpu.dma_semaphore, #tpu.memory_space<semaphore_mem>>) src(%arg3 : memref<80x16xf32, #tpu.memory_space<hbm>>) dst(%dma_wait3A_91 : memref<80x16xf32, #tpu.memory_space<vmem_shared>>)
      tpu.yield
    }) : () -> ()
    %add3A_27 = arith.constant 96 : i32
    %add3A_28 = arith.addi %arg1, %add3A_27 : i32
    %mul3A_29 = arith.constant 80 : i32
    %mul3A_30 = arith.muli %add3A_28, %mul3A_29 : i32
    "tpu.region"() ({
      %run_scoped3A = tpu.sem_alloc : memref<!tpu.dma_semaphore, #tpu.memory_space<semaphore_mem>>
      %dma_start3A = arith.constant 0 : i32
      %dma_start3A_90 = tpu.memref_slice %arg9[%mul3A_30, %dma_start3A] : memref<10008x16xf32, #tpu.memory_space<vmem_shared>> -> memref<80x16xf32, #tpu.memory_space<vmem_shared>>
      tpu.enqueue_dma source(%arg3 : memref<80x16xf32, #tpu.memory_space<hbm>>) target(%dma_start3A_90 : memref<80x16xf32, #tpu.memory_space<vmem_shared>>) target_semaphore(%run_scoped3A : memref<!tpu.dma_semaphore, #tpu.memory_space<semaphore_mem>>)
      %dma_wait3A = arith.constant 0 : i32
      %dma_wait3A_91 = tpu.memref_slice %arg9[%mul3A_30, %dma_wait3A] : memref<10008x16xf32, #tpu.memory_space<vmem_shared>> -> memref<80x16xf32, #tpu.memory_space<vmem_shared>>
      tpu.wait_dma2 semaphore(%run_scoped3A : memref<!tpu.dma_semaphore, #tpu.memory_space<semaphore_mem>>) src(%arg3 : memref<80x16xf32, #tpu.memory_space<hbm>>) dst(%dma_wait3A_91 : memref<80x16xf32, #tpu.memory_space<vmem_shared>>)
      tpu.yield
    }) : () -> ()
    %add3A_31 = arith.constant 112 : i32
    %add3A_32 = arith.addi %arg1, %add3A_31 : i32
    %lt3A = arith.constant 125 : i32
    %lt3A_33 = arith.cmpi slt, %add3A_32, %lt3A : i32
    %convert_element_type3A = arith.extui %lt3A_33 : i1 to i32
    %cond3A = arith.constant 0 : i32
    %cond3A_34 = arith.cmpi ne, %convert_element_type3A, %cond3A : i32
    scf.if %cond3A_34 {
      %mul3A_90 = arith.constant 80 : i32
      %mul3A_91 = arith.muli %add3A_32, %mul3A_90 : i32
      "tpu.region"() ({
        %run_scoped3A = tpu.sem_alloc : memref<!tpu.dma_semaphore, #tpu.memory_space<semaphore_mem>>
        %dma_start3A = arith.constant 0 : i32
        %dma_start3A_92 = tpu.memref_slice %arg9[%mul3A_91, %dma_start3A] : memref<10008x16xf32, #tpu.memory_space<vmem_shared>> -> memref<80x16xf32, #tpu.memory_space<vmem_shared>>
        tpu.enqueue_dma source(%arg3 : memref<80x16xf32, #tpu.memory_space<hbm>>) target(%dma_start3A_92 : memref<80x16xf32, #tpu.memory_space<vmem_shared>>) target_semaphore(%run_scoped3A : memref<!tpu.dma_semaphore, #tpu.memory_space<semaphore_mem>>)
        %dma_wait3A = arith.constant 0 : i32
        %dma_wait3A_93 = tpu.memref_slice %arg9[%mul3A_91, %dma_wait3A] : memref<10008x16xf32, #tpu.memory_space<vmem_shared>> -> memref<80x16xf32, #tpu.memory_space<vmem_shared>>
        tpu.wait_dma2 semaphore(%run_scoped3A : memref<!tpu.dma_semaphore, #tpu.memory_space<semaphore_mem>>) src(%arg3 : memref<80x16xf32, #tpu.memory_space<hbm>>) dst(%dma_wait3A_93 : memref<80x16xf32, #tpu.memory_space<vmem_shared>>)
        tpu.yield
      }) : () -> ()
    } else {
    }
    "tpu.region"() ({
      %run_scoped3A = tpu.sem_alloc : memref<!tpu.dma_semaphore, #tpu.memory_space<semaphore_mem>>
      tpu.enqueue_dma source(%arg4 : memref<128x16xf32, #tpu.memory_space<hbm>>) target(%arg8 : memref<128x16xf32, #tpu.memory_space<vmem>>) target_semaphore(%run_scoped3A : memref<!tpu.dma_semaphore, #tpu.memory_space<semaphore_mem>>)
      tpu.wait_dma2 semaphore(%run_scoped3A : memref<!tpu.dma_semaphore, #tpu.memory_space<semaphore_mem>>) src(%arg4 : memref<128x16xf32, #tpu.memory_space<hbm>>) dst(%arg8 : memref<128x16xf32, #tpu.memory_space<vmem>>)
      tpu.yield
    }) : () -> ()
    %barrier3A = arith.constant 0 : index
    tpu.barrier barrier_id(%barrier3A)
    "tpu.region"() ({
      %run_scoped3A = tpu.sem_alloc : memref<!tpu.dma_semaphore, #tpu.memory_space<semaphore_mem>>
      %dma_start3A = arith.constant 0 : i32
      %dma_start3A_90 = tpu.memref_slice %arg2[%mul3A_2, %dma_start3A] : memref<1280x128xi32, #tpu.memory_space<hbm>> -> memref<2x128xi32, #tpu.memory_space<hbm>>
      %dma_start3A_91 = arith.constant 0 : i32
      %dma_start3A_92 = tpu.memref_slice %arg2[%mul3A_2, %dma_start3A_91] : memref<1280x128xi32, #tpu.memory_space<hbm>> -> memref<2x128xi32, #tpu.memory_space<hbm>>
      tpu.enqueue_dma source(%dma_start3A_92 : memref<2x128xi32, #tpu.memory_space<hbm>>) target(%arg6 : memref<2x128xi32, #tpu.memory_space<vmem>>) target_semaphore(%run_scoped3A : memref<!tpu.dma_semaphore, #tpu.memory_space<semaphore_mem>>)
      %dma_wait3A = arith.constant 0 : i32
      %dma_wait3A_93 = tpu.memref_slice %arg2[%mul3A_2, %dma_wait3A] : memref<1280x128xi32, #tpu.memory_space<hbm>> -> memref<2x128xi32, #tpu.memory_space<hbm>>
      %dma_wait3A_94 = arith.constant 0 : i32
      %dma_wait3A_95 = tpu.memref_slice %arg2[%mul3A_2, %dma_wait3A_94] : memref<1280x128xi32, #tpu.memory_space<hbm>> -> memref<2x128xi32, #tpu.memory_space<hbm>>
      tpu.wait_dma2 semaphore(%run_scoped3A : memref<!tpu.dma_semaphore, #tpu.memory_space<semaphore_mem>>) src(%dma_wait3A_95 : memref<2x128xi32, #tpu.memory_space<hbm>>) dst(%arg6 : memref<2x128xi32, #tpu.memory_space<vmem>>)
      tpu.yield
    }) : () -> ()
    %scan3A = arith.constant 0 : i32
    %scan3A_35 = arith.constant 0 : i32
    %scan3A_36 = arith.constant 20 : i32
    %scan3A_37 = arith.addi %scan3A_35, %scan3A_36 : i32
    %scan3A_38 = arith.constant 1 : i32
    scf.for %scan3A_90 = %scan3A_35 to %scan3A_37 step %scan3A_38  : i32 {
      %rem3A = arith.constant 2 : i32
      %rem3A_91 = arith.remsi %scan3A_90, %rem3A : i32
      %add3A_92 = arith.constant 1 : i32
      %add3A_93 = arith.addi %scan3A_90, %add3A_92 : i32
      %lt3A_94 = arith.constant 20 : i32
      %lt3A_95 = arith.cmpi slt, %add3A_93, %lt3A_94 : i32
      %convert_element_type3A_96 = arith.extui %lt3A_95 : i1 to i32
      %cond3A_97 = arith.constant 0 : i32
      %cond3A_98 = arith.cmpi ne, %convert_element_type3A_96, %cond3A_97 : i32
      scf.if %cond3A_98 {
        %add3A_108 = arith.constant 1 : i32
        %add3A_109 = arith.addi %scan3A_90, %add3A_108 : i32
        %mul3A_110 = arith.constant 2 : i32
        %mul3A_111 = arith.muli %add3A_109, %mul3A_110 : i32
        %add3A_112 = arith.addi %mul3A_2, %mul3A_111 : i32
        %eq3A_113 = arith.constant 1 : i32
        %eq3A_114 = arith.cmpi eq, %rem3A_91, %eq3A_113 : i32
        %convert_element_type3A_115 = arith.extui %eq3A_114 : i1 to i32
        %cond3A_116 = arith.constant 0 : i32
        %cond3A_117 = arith.cmpi ne, %convert_element_type3A_115, %cond3A_116 : i32
        scf.if %cond3A_117 {
          %dma_start3A = arith.constant 0 : i32
          %dma_start3A_123 = tpu.memref_slice %arg2[%add3A_112, %dma_start3A] : memref<1280x128xi32, #tpu.memory_space<hbm>> -> memref<2x128xi32, #tpu.memory_space<hbm>>
          %dma_start3A_124 = arith.constant 0 : i32
          %dma_start3A_125 = tpu.memref_slice %arg2[%add3A_112, %dma_start3A_124] : memref<1280x128xi32, #tpu.memory_space<hbm>> -> memref<2x128xi32, #tpu.memory_space<hbm>>
          tpu.enqueue_dma source(%dma_start3A_125 : memref<2x128xi32, #tpu.memory_space<hbm>>) target(%arg6 : memref<2x128xi32, #tpu.memory_space<vmem>>) target_semaphore(%arg11 : memref<!tpu.dma_semaphore, #tpu.memory_space<semaphore_mem>>)
        } else {
        }
        %eq3A_118 = arith.constant 0 : i32
        %eq3A_119 = arith.cmpi eq, %rem3A_91, %eq3A_118 : i32
        %convert_element_type3A_120 = arith.extui %eq3A_119 : i1 to i32
        %cond3A_121 = arith.constant 0 : i32
        %cond3A_122 = arith.cmpi ne, %convert_element_type3A_120, %cond3A_121 : i32
        scf.if %cond3A_122 {
          %dma_start3A = arith.constant 0 : i32
          %dma_start3A_123 = tpu.memref_slice %arg2[%add3A_112, %dma_start3A] : memref<1280x128xi32, #tpu.memory_space<hbm>> -> memref<2x128xi32, #tpu.memory_space<hbm>>
          %dma_start3A_124 = arith.constant 0 : i32
          %dma_start3A_125 = tpu.memref_slice %arg2[%add3A_112, %dma_start3A_124] : memref<1280x128xi32, #tpu.memory_space<hbm>> -> memref<2x128xi32, #tpu.memory_space<hbm>>
          tpu.enqueue_dma source(%dma_start3A_125 : memref<2x128xi32, #tpu.memory_space<hbm>>) target(%arg7 : memref<2x128xi32, #tpu.memory_space<vmem>>) target_semaphore(%arg12 : memref<!tpu.dma_semaphore, #tpu.memory_space<semaphore_mem>>)
        } else {
        }
      } else {
      }
      %eq3A = arith.constant 0 : i32
      %eq3A_99 = arith.cmpi eq, %rem3A_91, %eq3A : i32
      %convert_element_type3A_100 = arith.extui %eq3A_99 : i1 to i32
      %cond3A_101 = arith.constant 0 : i32
      %cond3A_102 = arith.cmpi ne, %convert_element_type3A_100, %cond3A_101 : i32
      scf.if %cond3A_102 {
        %dma_start3A = arith.constant 0 : i32
        %dma_start3A_108 = arith.constant 0 : i32
        %dma_start3A_109 = tpu.memref_slice %arg6[%dma_start3A, %dma_start3A_108] : memref<2x128xi32, #tpu.memory_space<vmem>> -> memref<1x128xi32, #tpu.memory_space<vmem>>
        %dma_start3A_110 = tpu.memref_squeeze %dma_start3A_109 : memref<1x128xi32, #tpu.memory_space<vmem>> -> memref<128xi32, #tpu.memory_space<vmem>>
        %dma_start3A_111 = arith.constant 0 : i32
        %dma_start3A_112 = arith.constant 0 : i32
        %dma_start3A_113 = tpu.memref_slice %arg9[%dma_start3A_111, %dma_start3A_112] : memref<10008x16xf32, #tpu.memory_space<vmem_shared>> -> memref<10008x16xf32, #tpu.memory_space<vmem_shared>>
        tpu.enqueue_indirect_dma source(%arg8 : memref<128x16xf32, #tpu.memory_space<vmem>>) target(%dma_start3A_113 : memref<10008x16xf32, #tpu.memory_space<vmem_shared>>) offsets(%dma_start3A_110 : memref<128xi32, #tpu.memory_space<vmem>>) semaphore(%arg10 : memref<!tpu.dma_semaphore, #tpu.memory_space<semaphore_mem>>) {add = true}
        %dma_start3A_114 = arith.constant 1 : i32
        %dma_start3A_115 = arith.constant 0 : i32
        %dma_start3A_116 = tpu.memref_slice %arg6[%dma_start3A_114, %dma_start3A_115] : memref<2x128xi32, #tpu.memory_space<vmem>> -> memref<1x128xi32, #tpu.memory_space<vmem>>
        %dma_start3A_117 = tpu.memref_squeeze %dma_start3A_116 : memref<1x128xi32, #tpu.memory_space<vmem>> -> memref<128xi32, #tpu.memory_space<vmem>>
        %dma_start3A_118 = arith.constant 0 : i32
        %dma_start3A_119 = arith.constant 0 : i32
        %dma_start3A_120 = tpu.memref_slice %arg9[%dma_start3A_118, %dma_start3A_119] : memref<10008x16xf32, #tpu.memory_space<vmem_shared>> -> memref<10008x16xf32, #tpu.memory_space<vmem_shared>>
        tpu.enqueue_indirect_dma source(%arg8 : memref<128x16xf32, #tpu.memory_space<vmem>>) target(%dma_start3A_120 : memref<10008x16xf32, #tpu.memory_space<vmem_shared>>) offsets(%dma_start3A_117 : memref<128xi32, #tpu.memory_space<vmem>>) semaphore(%arg10 : memref<!tpu.dma_semaphore, #tpu.memory_space<semaphore_mem>>) {add = true}
        %dma_wait3A = arith.constant 0 : i32
        %dma_wait3A_121 = arith.constant 0 : i32
        %dma_wait3A_122 = tpu.memref_slice %arg6[%dma_wait3A, %dma_wait3A_121] : memref<2x128xi32, #tpu.memory_space<vmem>> -> memref<1x128xi32, #tpu.memory_space<vmem>>
        %dma_wait3A_123 = tpu.memref_squeeze %dma_wait3A_122 : memref<1x128xi32, #tpu.memory_space<vmem>> -> memref<128xi32, #tpu.memory_space<vmem>>
        %dma_wait3A_124 = arith.constant 0 : i32
        %dma_wait3A_125 = arith.constant 0 : i32
        %dma_wait3A_126 = tpu.memref_slice %arg9[%dma_wait3A_124, %dma_wait3A_125] : memref<10008x16xf32, #tpu.memory_space<vmem_shared>> -> memref<10008x16xf32, #tpu.memory_space<vmem_shared>>
        tpu.wait_indirect_dma semaphore(%arg10 : memref<!tpu.dma_semaphore, #tpu.memory_space<semaphore_mem>>) src(%arg8 : memref<128x16xf32, #tpu.memory_space<vmem>>) dst(%dma_wait3A_126 : memref<10008x16xf32, #tpu.memory_space<vmem_shared>>)
        %dma_wait3A_127 = arith.constant 1 : i32
        %dma_wait3A_128 = arith.constant 0 : i32
        %dma_wait3A_129 = tpu.memref_slice %arg6[%dma_wait3A_127, %dma_wait3A_128] : memref<2x128xi32, #tpu.memory_space<vmem>> -> memref<1x128xi32, #tpu.memory_space<vmem>>
        %dma_wait3A_130 = tpu.memref_squeeze %dma_wait3A_129 : memref<1x128xi32, #tpu.memory_space<vmem>> -> memref<128xi32, #tpu.memory_space<vmem>>
        %dma_wait3A_131 = arith.constant 0 : i32
        %dma_wait3A_132 = arith.constant 0 : i32
        %dma_wait3A_133 = tpu.memref_slice %arg9[%dma_wait3A_131, %dma_wait3A_132] : memref<10008x16xf32, #tpu.memory_space<vmem_shared>> -> memref<10008x16xf32, #tpu.memory_space<vmem_shared>>
        tpu.wait_indirect_dma semaphore(%arg10 : memref<!tpu.dma_semaphore, #tpu.memory_space<semaphore_mem>>) src(%arg8 : memref<128x16xf32, #tpu.memory_space<vmem>>) dst(%dma_wait3A_133 : memref<10008x16xf32, #tpu.memory_space<vmem_shared>>)
        %add3A_134 = arith.constant 1 : i32
        %add3A_135 = arith.addi %scan3A_90, %add3A_134 : i32
        %lt3A_136 = arith.constant 20 : i32
        %lt3A_137 = arith.cmpi slt, %add3A_135, %lt3A_136 : i32
        %convert_element_type3A_138 = arith.extui %lt3A_137 : i1 to i32
        %cond3A_139 = arith.constant 0 : i32
        %cond3A_140 = arith.cmpi ne, %convert_element_type3A_138, %cond3A_139 : i32
        scf.if %cond3A_140 {
          %dma_wait3A_141 = arith.constant 0 : i32
          %dma_wait3A_142 = tpu.memref_slice %arg2[%mul3A_2, %dma_wait3A_141] : memref<1280x128xi32, #tpu.memory_space<hbm>> -> memref<2x128xi32, #tpu.memory_space<hbm>>
          %dma_wait3A_143 = arith.constant 0 : i32
          %dma_wait3A_144 = tpu.memref_slice %arg2[%mul3A_2, %dma_wait3A_143] : memref<1280x128xi32, #tpu.memory_space<hbm>> -> memref<2x128xi32, #tpu.memory_space<hbm>>
          tpu.wait_dma2 semaphore(%arg12 : memref<!tpu.dma_semaphore, #tpu.memory_space<semaphore_mem>>) src(%dma_wait3A_144 : memref<2x128xi32, #tpu.memory_space<hbm>>) dst(%arg7 : memref<2x128xi32, #tpu.memory_space<vmem>>)
        } else {
        }
      } else {
      }
      %eq3A_103 = arith.constant 1 : i32
      %eq3A_104 = arith.cmpi eq, %rem3A_91, %eq3A_103 : i32
      %convert_element_type3A_105 = arith.extui %eq3A_104 : i1 to i32
      %cond3A_106 = arith.constant 0 : i32
      %cond3A_107 = arith.cmpi ne, %convert_element_type3A_105, %cond3A_106 : i32
      scf.if %cond3A_107 {
        %dma_start3A = arith.constant 0 : i32
        %dma_start3A_108 = arith.constant 0 : i32
        %dma_start3A_109 = tpu.memref_slice %arg7[%dma_start3A, %dma_start3A_108] : memref<2x128xi32, #tpu.memory_space<vmem>> -> memref<1x128xi32, #tpu.memory_space<vmem>>
        %dma_start3A_110 = tpu.memref_squeeze %dma_start3A_109 : memref<1x128xi32, #tpu.memory_space<vmem>> -> memref<128xi32, #tpu.memory_space<vmem>>
        %dma_start3A_111 = arith.constant 0 : i32
        %dma_start3A_112 = arith.constant 0 : i32
        %dma_start3A_113 = tpu.memref_slice %arg9[%dma_start3A_111, %dma_start3A_112] : memref<10008x16xf32, #tpu.memory_space<vmem_shared>> -> memref<10008x16xf32, #tpu.memory_space<vmem_shared>>
        tpu.enqueue_indirect_dma source(%arg8 : memref<128x16xf32, #tpu.memory_space<vmem>>) target(%dma_start3A_113 : memref<10008x16xf32, #tpu.memory_space<vmem_shared>>) offsets(%dma_start3A_110 : memref<128xi32, #tpu.memory_space<vmem>>) semaphore(%arg10 : memref<!tpu.dma_semaphore, #tpu.memory_space<semaphore_mem>>) {add = true}
        %dma_start3A_114 = arith.constant 1 : i32
        %dma_start3A_115 = arith.constant 0 : i32
        %dma_start3A_116 = tpu.memref_slice %arg7[%dma_start3A_114, %dma_start3A_115] : memref<2x128xi32, #tpu.memory_space<vmem>> -> memref<1x128xi32, #tpu.memory_space<vmem>>
        %dma_start3A_117 = tpu.memref_squeeze %dma_start3A_116 : memref<1x128xi32, #tpu.memory_space<vmem>> -> memref<128xi32, #tpu.memory_space<vmem>>
        %dma_start3A_118 = arith.constant 0 : i32
        %dma_start3A_119 = arith.constant 0 : i32
        %dma_start3A_120 = tpu.memref_slice %arg9[%dma_start3A_118, %dma_start3A_119] : memref<10008x16xf32, #tpu.memory_space<vmem_shared>> -> memref<10008x16xf32, #tpu.memory_space<vmem_shared>>
        tpu.enqueue_indirect_dma source(%arg8 : memref<128x16xf32, #tpu.memory_space<vmem>>) target(%dma_start3A_120 : memref<10008x16xf32, #tpu.memory_space<vmem_shared>>) offsets(%dma_start3A_117 : memref<128xi32, #tpu.memory_space<vmem>>) semaphore(%arg10 : memref<!tpu.dma_semaphore, #tpu.memory_space<semaphore_mem>>) {add = true}
        %dma_wait3A = arith.constant 0 : i32
        %dma_wait3A_121 = arith.constant 0 : i32
        %dma_wait3A_122 = tpu.memref_slice %arg7[%dma_wait3A, %dma_wait3A_121] : memref<2x128xi32, #tpu.memory_space<vmem>> -> memref<1x128xi32, #tpu.memory_space<vmem>>
        %dma_wait3A_123 = tpu.memref_squeeze %dma_wait3A_122 : memref<1x128xi32, #tpu.memory_space<vmem>> -> memref<128xi32, #tpu.memory_space<vmem>>
        %dma_wait3A_124 = arith.constant 0 : i32
        %dma_wait3A_125 = arith.constant 0 : i32
        %dma_wait3A_126 = tpu.memref_slice %arg9[%dma_wait3A_124, %dma_wait3A_125] : memref<10008x16xf32, #tpu.memory_space<vmem_shared>> -> memref<10008x16xf32, #tpu.memory_space<vmem_shared>>
        tpu.wait_indirect_dma semaphore(%arg10 : memref<!tpu.dma_semaphore, #tpu.memory_space<semaphore_mem>>) src(%arg8 : memref<128x16xf32, #tpu.memory_space<vmem>>) dst(%dma_wait3A_126 : memref<10008x16xf32, #tpu.memory_space<vmem_shared>>)
        %dma_wait3A_127 = arith.constant 1 : i32
        %dma_wait3A_128 = arith.constant 0 : i32
        %dma_wait3A_129 = tpu.memref_slice %arg7[%dma_wait3A_127, %dma_wait3A_128] : memref<2x128xi32, #tpu.memory_space<vmem>> -> memref<1x128xi32, #tpu.memory_space<vmem>>
        %dma_wait3A_130 = tpu.memref_squeeze %dma_wait3A_129 : memref<1x128xi32, #tpu.memory_space<vmem>> -> memref<128xi32, #tpu.memory_space<vmem>>
        %dma_wait3A_131 = arith.constant 0 : i32
        %dma_wait3A_132 = arith.constant 0 : i32
        %dma_wait3A_133 = tpu.memref_slice %arg9[%dma_wait3A_131, %dma_wait3A_132] : memref<10008x16xf32, #tpu.memory_space<vmem_shared>> -> memref<10008x16xf32, #tpu.memory_space<vmem_shared>>
        tpu.wait_indirect_dma semaphore(%arg10 : memref<!tpu.dma_semaphore, #tpu.memory_space<semaphore_mem>>) src(%arg8 : memref<128x16xf32, #tpu.memory_space<vmem>>) dst(%dma_wait3A_133 : memref<10008x16xf32, #tpu.memory_space<vmem_shared>>)
        %add3A_134 = arith.constant 1 : i32
        %add3A_135 = arith.addi %scan3A_90, %add3A_134 : i32
        %lt3A_136 = arith.constant 20 : i32
        %lt3A_137 = arith.cmpi slt, %add3A_135, %lt3A_136 : i32
        %convert_element_type3A_138 = arith.extui %lt3A_137 : i1 to i32
        %cond3A_139 = arith.constant 0 : i32
        %cond3A_140 = arith.cmpi ne, %convert_element_type3A_138, %cond3A_139 : i32
        scf.if %cond3A_140 {
          %dma_wait3A_141 = arith.constant 0 : i32
          %dma_wait3A_142 = tpu.memref_slice %arg2[%mul3A_2, %dma_wait3A_141] : memref<1280x128xi32, #tpu.memory_space<hbm>> -> memref<2x128xi32, #tpu.memory_space<hbm>>
          %dma_wait3A_143 = arith.constant 0 : i32
          %dma_wait3A_144 = tpu.memref_slice %arg2[%mul3A_2, %dma_wait3A_143] : memref<1280x128xi32, #tpu.memory_space<hbm>> -> memref<2x128xi32, #tpu.memory_space<hbm>>
          tpu.wait_dma2 semaphore(%arg11 : memref<!tpu.dma_semaphore, #tpu.memory_space<semaphore_mem>>) src(%dma_wait3A_144 : memref<2x128xi32, #tpu.memory_space<hbm>>) dst(%arg6 : memref<2x128xi32, #tpu.memory_space<vmem>>)
        } else {
        }
      } else {
      }
    }
    %scan3A_39 = arith.constant 20 : i32
    %barrier3A_40 = arith.constant 0 : index
    tpu.barrier barrier_id(%barrier3A_40)
    %add3A_41 = arith.constant 0 : i32
    %add3A_42 = arith.addi %arg1, %add3A_41 : i32
    %mul3A_43 = arith.constant 80 : i32
    %mul3A_44 = arith.muli %add3A_42, %mul3A_43 : i32
    %mul3A_45 = arith.constant 80 : i32
    %mul3A_46 = arith.muli %add3A_42, %mul3A_45 : i32
    "tpu.region"() ({
      %run_scoped3A = tpu.sem_alloc : memref<!tpu.dma_semaphore, #tpu.memory_space<semaphore_mem>>
      %dma_start3A = arith.constant 0 : i32
      %dma_start3A_90 = tpu.memref_slice %arg5[%arg0, %mul3A_46, %dma_start3A] : memref<2x10000x16xf32, #tpu.memory_space<hbm>> -> memref<1x80x16xf32, #tpu.memory_space<hbm>>
      %dma_start3A_91 = tpu.memref_squeeze %dma_start3A_90 : memref<1x80x16xf32, #tpu.memory_space<hbm>> -> memref<80x16xf32, #tpu.memory_space<hbm>>
      %dma_start3A_92 = arith.constant 0 : i32
      %dma_start3A_93 = tpu.memref_slice %arg9[%mul3A_44, %dma_start3A_92] : memref<10008x16xf32, #tpu.memory_space<vmem_shared>> -> memref<80x16xf32, #tpu.memory_space<vmem_shared>>
      tpu.enqueue_dma source(%dma_start3A_93 : memref<80x16xf32, #tpu.memory_space<vmem_shared>>) target(%dma_start3A_91 : memref<80x16xf32, #tpu.memory_space<hbm>>) target_semaphore(%run_scoped3A : memref<!tpu.dma_semaphore, #tpu.memory_space<semaphore_mem>>)
      %dma_wait3A = arith.constant 0 : i32
      %dma_wait3A_94 = tpu.memref_slice %arg5[%arg0, %mul3A_46, %dma_wait3A] : memref<2x10000x16xf32, #tpu.memory_space<hbm>> -> memref<1x80x16xf32, #tpu.memory_space<hbm>>
      %dma_wait3A_95 = tpu.memref_squeeze %dma_wait3A_94 : memref<1x80x16xf32, #tpu.memory_space<hbm>> -> memref<80x16xf32, #tpu.memory_space<hbm>>
      %dma_wait3A_96 = arith.constant 0 : i32
      %dma_wait3A_97 = tpu.memref_slice %arg9[%mul3A_44, %dma_wait3A_96] : memref<10008x16xf32, #tpu.memory_space<vmem_shared>> -> memref<80x16xf32, #tpu.memory_space<vmem_shared>>
      tpu.wait_dma2 semaphore(%run_scoped3A : memref<!tpu.dma_semaphore, #tpu.memory_space<semaphore_mem>>) src(%dma_wait3A_97 : memref<80x16xf32, #tpu.memory_space<vmem_shared>>) dst(%dma_wait3A_95 : memref<80x16xf32, #tpu.memory_space<hbm>>)
      tpu.yield
    }) : () -> ()
    %add3A_47 = arith.constant 16 : i32
    %add3A_48 = arith.addi %arg1, %add3A_47 : i32
    %mul3A_49 = arith.constant 80 : i32
    %mul3A_50 = arith.muli %add3A_48, %mul3A_49 : i32
    %mul3A_51 = arith.constant 80 : i32
    %mul3A_52 = arith.muli %add3A_48, %mul3A_51 : i32
    "tpu.region"() ({
      %run_scoped3A = tpu.sem_alloc : memref<!tpu.dma_semaphore, #tpu.memory_space<semaphore_mem>>
      %dma_start3A = arith.constant 0 : i32
      %dma_start3A_90 = tpu.memref_slice %arg5[%arg0, %mul3A_52, %dma_start3A] : memref<2x10000x16xf32, #tpu.memory_space<hbm>> -> memref<1x80x16xf32, #tpu.memory_space<hbm>>
      %dma_start3A_91 = tpu.memref_squeeze %dma_start3A_90 : memref<1x80x16xf32, #tpu.memory_space<hbm>> -> memref<80x16xf32, #tpu.memory_space<hbm>>
      %dma_start3A_92 = arith.constant 0 : i32
      %dma_start3A_93 = tpu.memref_slice %arg9[%mul3A_50, %dma_start3A_92] : memref<10008x16xf32, #tpu.memory_space<vmem_shared>> -> memref<80x16xf32, #tpu.memory_space<vmem_shared>>
      tpu.enqueue_dma source(%dma_start3A_93 : memref<80x16xf32, #tpu.memory_space<vmem_shared>>) target(%dma_start3A_91 : memref<80x16xf32, #tpu.memory_space<hbm>>) target_semaphore(%run_scoped3A : memref<!tpu.dma_semaphore, #tpu.memory_space<semaphore_mem>>)
      %dma_wait3A = arith.constant 0 : i32
      %dma_wait3A_94 = tpu.memref_slice %arg5[%arg0, %mul3A_52, %dma_wait3A] : memref<2x10000x16xf32, #tpu.memory_space<hbm>> -> memref<1x80x16xf32, #tpu.memory_space<hbm>>
      %dma_wait3A_95 = tpu.memref_squeeze %dma_wait3A_94 : memref<1x80x16xf32, #tpu.memory_space<hbm>> -> memref<80x16xf32, #tpu.memory_space<hbm>>
      %dma_wait3A_96 = arith.constant 0 : i32
      %dma_wait3A_97 = tpu.memref_slice %arg9[%mul3A_50, %dma_wait3A_96] : memref<10008x16xf32, #tpu.memory_space<vmem_shared>> -> memref<80x16xf32, #tpu.memory_space<vmem_shared>>
      tpu.wait_dma2 semaphore(%run_scoped3A : memref<!tpu.dma_semaphore, #tpu.memory_space<semaphore_mem>>) src(%dma_wait3A_97 : memref<80x16xf32, #tpu.memory_space<vmem_shared>>) dst(%dma_wait3A_95 : memref<80x16xf32, #tpu.memory_space<hbm>>)
      tpu.yield
    }) : () -> ()
    %add3A_53 = arith.constant 32 : i32
    %add3A_54 = arith.addi %arg1, %add3A_53 : i32
    %mul3A_55 = arith.constant 80 : i32
    %mul3A_56 = arith.muli %add3A_54, %mul3A_55 : i32
    %mul3A_57 = arith.constant 80 : i32
    %mul3A_58 = arith.muli %add3A_54, %mul3A_57 : i32
    "tpu.region"() ({
      %run_scoped3A = tpu.sem_alloc : memref<!tpu.dma_semaphore, #tpu.memory_space<semaphore_mem>>
      %dma_start3A = arith.constant 0 : i32
      %dma_start3A_90 = tpu.memref_slice %arg5[%arg0, %mul3A_58, %dma_start3A] : memref<2x10000x16xf32, #tpu.memory_space<hbm>> -> memref<1x80x16xf32, #tpu.memory_space<hbm>>
      %dma_start3A_91 = tpu.memref_squeeze %dma_start3A_90 : memref<1x80x16xf32, #tpu.memory_space<hbm>> -> memref<80x16xf32, #tpu.memory_space<hbm>>
      %dma_start3A_92 = arith.constant 0 : i32
      %dma_start3A_93 = tpu.memref_slice %arg9[%mul3A_56, %dma_start3A_92] : memref<10008x16xf32, #tpu.memory_space<vmem_shared>> -> memref<80x16xf32, #tpu.memory_space<vmem_shared>>
      tpu.enqueue_dma source(%dma_start3A_93 : memref<80x16xf32, #tpu.memory_space<vmem_shared>>) target(%dma_start3A_91 : memref<80x16xf32, #tpu.memory_space<hbm>>) target_semaphore(%run_scoped3A : memref<!tpu.dma_semaphore, #tpu.memory_space<semaphore_mem>>)
      %dma_wait3A = arith.constant 0 : i32
      %dma_wait3A_94 = tpu.memref_slice %arg5[%arg0, %mul3A_58, %dma_wait3A] : memref<2x10000x16xf32, #tpu.memory_space<hbm>> -> memref<1x80x16xf32, #tpu.memory_space<hbm>>
      %dma_wait3A_95 = tpu.memref_squeeze %dma_wait3A_94 : memref<1x80x16xf32, #tpu.memory_space<hbm>> -> memref<80x16xf32, #tpu.memory_space<hbm>>
      %dma_wait3A_96 = arith.constant 0 : i32
      %dma_wait3A_97 = tpu.memref_slice %arg9[%mul3A_56, %dma_wait3A_96] : memref<10008x16xf32, #tpu.memory_space<vmem_shared>> -> memref<80x16xf32, #tpu.memory_space<vmem_shared>>
      tpu.wait_dma2 semaphore(%run_scoped3A : memref<!tpu.dma_semaphore, #tpu.memory_space<semaphore_mem>>) src(%dma_wait3A_97 : memref<80x16xf32, #tpu.memory_space<vmem_shared>>) dst(%dma_wait3A_95 : memref<80x16xf32, #tpu.memory_space<hbm>>)
      tpu.yield
    }) : () -> ()
    %add3A_59 = arith.constant 48 : i32
    %add3A_60 = arith.addi %arg1, %add3A_59 : i32
    %mul3A_61 = arith.constant 80 : i32
    %mul3A_62 = arith.muli %add3A_60, %mul3A_61 : i32
    %mul3A_63 = arith.constant 80 : i32
    %mul3A_64 = arith.muli %add3A_60, %mul3A_63 : i32
    "tpu.region"() ({
      %run_scoped3A = tpu.sem_alloc : memref<!tpu.dma_semaphore, #tpu.memory_space<semaphore_mem>>
      %dma_start3A = arith.constant 0 : i32
      %dma_start3A_90 = tpu.memref_slice %arg5[%arg0, %mul3A_64, %dma_start3A] : memref<2x10000x16xf32, #tpu.memory_space<hbm>> -> memref<1x80x16xf32, #tpu.memory_space<hbm>>
      %dma_start3A_91 = tpu.memref_squeeze %dma_start3A_90 : memref<1x80x16xf32, #tpu.memory_space<hbm>> -> memref<80x16xf32, #tpu.memory_space<hbm>>
      %dma_start3A_92 = arith.constant 0 : i32
      %dma_start3A_93 = tpu.memref_slice %arg9[%mul3A_62, %dma_start3A_92] : memref<10008x16xf32, #tpu.memory_space<vmem_shared>> -> memref<80x16xf32, #tpu.memory_space<vmem_shared>>
      tpu.enqueue_dma source(%dma_start3A_93 : memref<80x16xf32, #tpu.memory_space<vmem_shared>>) target(%dma_start3A_91 : memref<80x16xf32, #tpu.memory_space<hbm>>) target_semaphore(%run_scoped3A : memref<!tpu.dma_semaphore, #tpu.memory_space<semaphore_mem>>)
      %dma_wait3A = arith.constant 0 : i32
      %dma_wait3A_94 = tpu.memref_slice %arg5[%arg0, %mul3A_64, %dma_wait3A] : memref<2x10000x16xf32, #tpu.memory_space<hbm>> -> memref<1x80x16xf32, #tpu.memory_space<hbm>>
      %dma_wait3A_95 = tpu.memref_squeeze %dma_wait3A_94 : memref<1x80x16xf32, #tpu.memory_space<hbm>> -> memref<80x16xf32, #tpu.memory_space<hbm>>
      %dma_wait3A_96 = arith.constant 0 : i32
      %dma_wait3A_97 = tpu.memref_slice %arg9[%mul3A_62, %dma_wait3A_96] : memref<10008x16xf32, #tpu.memory_space<vmem_shared>> -> memref<80x16xf32, #tpu.memory_space<vmem_shared>>
      tpu.wait_dma2 semaphore(%run_scoped3A : memref<!tpu.dma_semaphore, #tpu.memory_space<semaphore_mem>>) src(%dma_wait3A_97 : memref<80x16xf32, #tpu.memory_space<vmem_shared>>) dst(%dma_wait3A_95 : memref<80x16xf32, #tpu.memory_space<hbm>>)
      tpu.yield
    }) : () -> ()
    %add3A_65 = arith.constant 64 : i32
    %add3A_66 = arith.addi %arg1, %add3A_65 : i32
    %mul3A_67 = arith.constant 80 : i32
    %mul3A_68 = arith.muli %add3A_66, %mul3A_67 : i32
    %mul3A_69 = arith.constant 80 : i32
    %mul3A_70 = arith.muli %add3A_66, %mul3A_69 : i32
    "tpu.region"() ({
      %run_scoped3A = tpu.sem_alloc : memref<!tpu.dma_semaphore, #tpu.memory_space<semaphore_mem>>
      %dma_start3A = arith.constant 0 : i32
      %dma_start3A_90 = tpu.memref_slice %arg5[%arg0, %mul3A_70, %dma_start3A] : memref<2x10000x16xf32, #tpu.memory_space<hbm>> -> memref<1x80x16xf32, #tpu.memory_space<hbm>>
      %dma_start3A_91 = tpu.memref_squeeze %dma_start3A_90 : memref<1x80x16xf32, #tpu.memory_space<hbm>> -> memref<80x16xf32, #tpu.memory_space<hbm>>
      %dma_start3A_92 = arith.constant 0 : i32
      %dma_start3A_93 = tpu.memref_slice %arg9[%mul3A_68, %dma_start3A_92] : memref<10008x16xf32, #tpu.memory_space<vmem_shared>> -> memref<80x16xf32, #tpu.memory_space<vmem_shared>>
      tpu.enqueue_dma source(%dma_start3A_93 : memref<80x16xf32, #tpu.memory_space<vmem_shared>>) target(%dma_start3A_91 : memref<80x16xf32, #tpu.memory_space<hbm>>) target_semaphore(%run_scoped3A : memref<!tpu.dma_semaphore, #tpu.memory_space<semaphore_mem>>)
      %dma_wait3A = arith.constant 0 : i32
      %dma_wait3A_94 = tpu.memref_slice %arg5[%arg0, %mul3A_70, %dma_wait3A] : memref<2x10000x16xf32, #tpu.memory_space<hbm>> -> memref<1x80x16xf32, #tpu.memory_space<hbm>>
      %dma_wait3A_95 = tpu.memref_squeeze %dma_wait3A_94 : memref<1x80x16xf32, #tpu.memory_space<hbm>> -> memref<80x16xf32, #tpu.memory_space<hbm>>
      %dma_wait3A_96 = arith.constant 0 : i32
      %dma_wait3A_97 = tpu.memref_slice %arg9[%mul3A_68, %dma_wait3A_96] : memref<10008x16xf32, #tpu.memory_space<vmem_shared>> -> memref<80x16xf32, #tpu.memory_space<vmem_shared>>
      tpu.wait_dma2 semaphore(%run_scoped3A : memref<!tpu.dma_semaphore, #tpu.memory_space<semaphore_mem>>) src(%dma_wait3A_97 : memref<80x16xf32, #tpu.memory_space<vmem_shared>>) dst(%dma_wait3A_95 : memref<80x16xf32, #tpu.memory_space<hbm>>)
      tpu.yield
    }) : () -> ()
    %add3A_71 = arith.constant 80 : i32
    %add3A_72 = arith.addi %arg1, %add3A_71 : i32
    %mul3A_73 = arith.constant 80 : i32
    %mul3A_74 = arith.muli %add3A_72, %mul3A_73 : i32
    %mul3A_75 = arith.constant 80 : i32
    %mul3A_76 = arith.muli %add3A_72, %mul3A_75 : i32
    "tpu.region"() ({
      %run_scoped3A = tpu.sem_alloc : memref<!tpu.dma_semaphore, #tpu.memory_space<semaphore_mem>>
      %dma_start3A = arith.constant 0 : i32
      %dma_start3A_90 = tpu.memref_slice %arg5[%arg0, %mul3A_76, %dma_start3A] : memref<2x10000x16xf32, #tpu.memory_space<hbm>> -> memref<1x80x16xf32, #tpu.memory_space<hbm>>
      %dma_start3A_91 = tpu.memref_squeeze %dma_start3A_90 : memref<1x80x16xf32, #tpu.memory_space<hbm>> -> memref<80x16xf32, #tpu.memory_space<hbm>>
      %dma_start3A_92 = arith.constant 0 : i32
      %dma_start3A_93 = tpu.memref_slice %arg9[%mul3A_74, %dma_start3A_92] : memref<10008x16xf32, #tpu.memory_space<vmem_shared>> -> memref<80x16xf32, #tpu.memory_space<vmem_shared>>
      tpu.enqueue_dma source(%dma_start3A_93 : memref<80x16xf32, #tpu.memory_space<vmem_shared>>) target(%dma_start3A_91 : memref<80x16xf32, #tpu.memory_space<hbm>>) target_semaphore(%run_scoped3A : memref<!tpu.dma_semaphore, #tpu.memory_space<semaphore_mem>>)
      %dma_wait3A = arith.constant 0 : i32
      %dma_wait3A_94 = tpu.memref_slice %arg5[%arg0, %mul3A_76, %dma_wait3A] : memref<2x10000x16xf32, #tpu.memory_space<hbm>> -> memref<1x80x16xf32, #tpu.memory_space<hbm>>
      %dma_wait3A_95 = tpu.memref_squeeze %dma_wait3A_94 : memref<1x80x16xf32, #tpu.memory_space<hbm>> -> memref<80x16xf32, #tpu.memory_space<hbm>>
      %dma_wait3A_96 = arith.constant 0 : i32
      %dma_wait3A_97 = tpu.memref_slice %arg9[%mul3A_74, %dma_wait3A_96] : memref<10008x16xf32, #tpu.memory_space<vmem_shared>> -> memref<80x16xf32, #tpu.memory_space<vmem_shared>>
      tpu.wait_dma2 semaphore(%run_scoped3A : memref<!tpu.dma_semaphore, #tpu.memory_space<semaphore_mem>>) src(%dma_wait3A_97 : memref<80x16xf32, #tpu.memory_space<vmem_shared>>) dst(%dma_wait3A_95 : memref<80x16xf32, #tpu.memory_space<hbm>>)
      tpu.yield
    }) : () -> ()
    %add3A_77 = arith.constant 96 : i32
    %add3A_78 = arith.addi %arg1, %add3A_77 : i32
    %mul3A_79 = arith.constant 80 : i32
    %mul3A_80 = arith.muli %add3A_78, %mul3A_79 : i32
    %mul3A_81 = arith.constant 80 : i32
    %mul3A_82 = arith.muli %add3A_78, %mul3A_81 : i32
    "tpu.region"() ({
      %run_scoped3A = tpu.sem_alloc : memref<!tpu.dma_semaphore, #tpu.memory_space<semaphore_mem>>
      %dma_start3A = arith.constant 0 : i32
      %dma_start3A_90 = tpu.memref_slice %arg5[%arg0, %mul3A_82, %dma_start3A] : memref<2x10000x16xf32, #tpu.memory_space<hbm>> -> memref<1x80x16xf32, #tpu.memory_space<hbm>>
      %dma_start3A_91 = tpu.memref_squeeze %dma_start3A_90 : memref<1x80x16xf32, #tpu.memory_space<hbm>> -> memref<80x16xf32, #tpu.memory_space<hbm>>
      %dma_start3A_92 = arith.constant 0 : i32
      %dma_start3A_93 = tpu.memref_slice %arg9[%mul3A_80, %dma_start3A_92] : memref<10008x16xf32, #tpu.memory_space<vmem_shared>> -> memref<80x16xf32, #tpu.memory_space<vmem_shared>>
      tpu.enqueue_dma source(%dma_start3A_93 : memref<80x16xf32, #tpu.memory_space<vmem_shared>>) target(%dma_start3A_91 : memref<80x16xf32, #tpu.memory_space<hbm>>) target_semaphore(%run_scoped3A : memref<!tpu.dma_semaphore, #tpu.memory_space<semaphore_mem>>)
      %dma_wait3A = arith.constant 0 : i32
      %dma_wait3A_94 = tpu.memref_slice %arg5[%arg0, %mul3A_82, %dma_wait3A] : memref<2x10000x16xf32, #tpu.memory_space<hbm>> -> memref<1x80x16xf32, #tpu.memory_space<hbm>>
      %dma_wait3A_95 = tpu.memref_squeeze %dma_wait3A_94 : memref<1x80x16xf32, #tpu.memory_space<hbm>> -> memref<80x16xf32, #tpu.memory_space<hbm>>
      %dma_wait3A_96 = arith.constant 0 : i32
      %dma_wait3A_97 = tpu.memref_slice %arg9[%mul3A_80, %dma_wait3A_96] : memref<10008x16xf32, #tpu.memory_space<vmem_shared>> -> memref<80x16xf32, #tpu.memory_space<vmem_shared>>
      tpu.wait_dma2 semaphore(%run_scoped3A : memref<!tpu.dma_semaphore, #tpu.memory_space<semaphore_mem>>) src(%dma_wait3A_97 : memref<80x16xf32, #tpu.memory_space<vmem_shared>>) dst(%dma_wait3A_95 : memref<80x16xf32, #tpu.memory_space<hbm>>)
      tpu.yield
    }) : () -> ()
    %add3A_83 = arith.constant 112 : i32
    %add3A_84 = arith.addi %arg1, %add3A_83 : i32
    %lt3A_85 = arith.constant 125 : i32
    %lt3A_86 = arith.cmpi slt, %add3A_84, %lt3A_85 : i32
    %convert_element_type3A_87 = arith.extui %lt3A_86 : i1 to i32
    %cond3A_88 = arith.constant 0 : i32
    %cond3A_89 = arith.cmpi ne, %convert_element_type3A_87, %cond3A_88 : i32
    scf.if %cond3A_89 {
      %mul3A_90 = arith.constant 80 : i32
      %mul3A_91 = arith.muli %add3A_84, %mul3A_90 : i32
      %mul3A_92 = arith.constant 80 : i32
      %mul3A_93 = arith.muli %add3A_84, %mul3A_92 : i32
      "tpu.region"() ({
        %run_scoped3A = tpu.sem_alloc : memref<!tpu.dma_semaphore, #tpu.memory_space<semaphore_mem>>
        %dma_start3A = arith.constant 0 : i32
        %dma_start3A_94 = tpu.memref_slice %arg5[%arg0, %mul3A_93, %dma_start3A] : memref<2x10000x16xf32, #tpu.memory_space<hbm>> -> memref<1x80x16xf32, #tpu.memory_space<hbm>>
        %dma_start3A_95 = tpu.memref_squeeze %dma_start3A_94 : memref<1x80x16xf32, #tpu.memory_space<hbm>> -> memref<80x16xf32, #tpu.memory_space<hbm>>
        %dma_start3A_96 = arith.constant 0 : i32
        %dma_start3A_97 = tpu.memref_slice %arg9[%mul3A_91, %dma_start3A_96] : memref<10008x16xf32, #tpu.memory_space<vmem_shared>> -> memref<80x16xf32, #tpu.memory_space<vmem_shared>>
        tpu.enqueue_dma source(%dma_start3A_97 : memref<80x16xf32, #tpu.memory_space<vmem_shared>>) target(%dma_start3A_95 : memref<80x16xf32, #tpu.memory_space<hbm>>) target_semaphore(%run_scoped3A : memref<!tpu.dma_semaphore, #tpu.memory_space<semaphore_mem>>)
        %dma_wait3A = arith.constant 0 : i32
        %dma_wait3A_98 = tpu.memref_slice %arg5[%arg0, %mul3A_93, %dma_wait3A] : memref<2x10000x16xf32, #tpu.memory_space<hbm>> -> memref<1x80x16xf32, #tpu.memory_space<hbm>>
        %dma_wait3A_99 = tpu.memref_squeeze %dma_wait3A_98 : memref<1x80x16xf32, #tpu.memory_space<hbm>> -> memref<80x16xf32, #tpu.memory_space<hbm>>
        %dma_wait3A_100 = arith.constant 0 : i32
        %dma_wait3A_101 = tpu.memref_slice %arg9[%mul3A_91, %dma_wait3A_100] : memref<10008x16xf32, #tpu.memory_space<vmem_shared>> -> memref<80x16xf32, #tpu.memory_space<vmem_shared>>
        tpu.wait_dma2 semaphore(%run_scoped3A : memref<!tpu.dma_semaphore, #tpu.memory_space<semaphore_mem>>) src(%dma_wait3A_101 : memref<80x16xf32, #tpu.memory_space<vmem_shared>>) dst(%dma_wait3A_99 : memref<80x16xf32, #tpu.memory_space<hbm>>)
        tpu.yield
      }) : () -> ()
    } else {
    }
    return
  }
}

#map = affine_map<(d0, d1) -> (0, 0, 0)>
#map1 = affine_map<(d0, d1) -> (0, 0)>
module attributes {stable_mosaic.version = 14 : i64} {
  func.func @agg_kernel(%arg0: i32, %arg1: i32, %arg2: memref<2x10000x32xf32, #tpu.memory_space<hbm>>, %arg3: memref<1280x128xi32, #tpu.memory_space<hbm>>, %arg4: memref<1280x128xi32, #tpu.memory_space<hbm>>, %arg5: memref<2x10000x32xf32, #tpu.memory_space<hbm>>, %arg6: memref<2x128xi32, #tpu.memory_space<vmem>>, %arg7: memref<2x128xi32, #tpu.memory_space<vmem>>, %arg8: memref<2x128xi32, #tpu.memory_space<vmem>>, %arg9: memref<2x128xi32, #tpu.memory_space<vmem>>, %arg10: memref<128x32xf32, #tpu.memory_space<vmem>>, %arg11: memref<128x32xf32, #tpu.memory_space<vmem>>, %arg12: memref<10008x32xf32, #tpu.memory_space<vmem_shared>>, %arg13: memref<!tpu.dma_semaphore, #tpu.memory_space<semaphore_mem>>, %arg14: memref<!tpu.dma_semaphore, #tpu.memory_space<semaphore_mem>>, %arg15: memref<!tpu.dma_semaphore, #tpu.memory_space<semaphore_mem>>, %arg16: memref<!tpu.dma_semaphore, #tpu.memory_space<semaphore_mem>>, %arg17: memref<!tpu.dma_semaphore, #tpu.memory_space<semaphore_mem>>, %arg18: memref<!tpu.dma_semaphore, #tpu.memory_space<semaphore_mem>>, %arg19: memref<!tpu.dma_semaphore, #tpu.memory_space<semaphore_mem>>, %arg20: memref<!tpu.dma_semaphore, #tpu.memory_space<semaphore_mem>>) attributes {dimension_semantics = [#tpu.dimension_semantics<core_parallel>, #tpu.dimension_semantics<subcore_parallel>], iteration_bounds = array<i64: 2, 16>, scalar_prefetch = 0 : i64, scratch_operands = 15 : i64, tpu.core_type = #tpu.core_type<sc_vector_subcore>, window_params = [{transform_indices = #map}, {transform_indices = #map1}, {transform_indices = #map1}, {transform_indices = #map}]} {
    %mul3A = arith.constant 80 : i32
    %mul3A_0 = arith.muli %arg1, %mul3A : i32
    %add3A = arith.constant 0 : i32
    %add3A_1 = arith.addi %arg1, %add3A : i32
    %mul3A_2 = arith.constant 80 : i32
    %mul3A_3 = arith.muli %add3A_1, %mul3A_2 : i32
    %mul3A_4 = arith.constant 80 : i32
    %mul3A_5 = arith.muli %add3A_1, %mul3A_4 : i32
    "tpu.region"() ({
      %run_scoped3A = tpu.sem_alloc : memref<!tpu.dma_semaphore, #tpu.memory_space<semaphore_mem>>
      %dma_start3A_122 = arith.constant 0 : i32
      %dma_start3A_123 = tpu.memref_slice %arg12[%mul3A_5, %dma_start3A_122] : memref<10008x32xf32, #tpu.memory_space<vmem_shared>> -> memref<80x32xf32, #tpu.memory_space<vmem_shared>>
      %dma_start3A_124 = arith.constant 0 : i32
      %dma_start3A_125 = tpu.memref_slice %arg2[%arg0, %mul3A_3, %dma_start3A_124] : memref<2x10000x32xf32, #tpu.memory_space<hbm>> -> memref<1x80x32xf32, #tpu.memory_space<hbm>>
      %dma_start3A_126 = tpu.memref_squeeze %dma_start3A_125 : memref<1x80x32xf32, #tpu.memory_space<hbm>> -> memref<80x32xf32, #tpu.memory_space<hbm>>
      tpu.enqueue_dma source(%dma_start3A_126 : memref<80x32xf32, #tpu.memory_space<hbm>>) target(%dma_start3A_123 : memref<80x32xf32, #tpu.memory_space<vmem_shared>>) target_semaphore(%run_scoped3A : memref<!tpu.dma_semaphore, #tpu.memory_space<semaphore_mem>>)
      %dma_wait3A = arith.constant 0 : i32
      %dma_wait3A_127 = tpu.memref_slice %arg12[%mul3A_5, %dma_wait3A] : memref<10008x32xf32, #tpu.memory_space<vmem_shared>> -> memref<80x32xf32, #tpu.memory_space<vmem_shared>>
      %dma_wait3A_128 = arith.constant 0 : i32
      %dma_wait3A_129 = tpu.memref_slice %arg2[%arg0, %mul3A_3, %dma_wait3A_128] : memref<2x10000x32xf32, #tpu.memory_space<hbm>> -> memref<1x80x32xf32, #tpu.memory_space<hbm>>
      %dma_wait3A_130 = tpu.memref_squeeze %dma_wait3A_129 : memref<1x80x32xf32, #tpu.memory_space<hbm>> -> memref<80x32xf32, #tpu.memory_space<hbm>>
      tpu.wait_dma2 semaphore(%run_scoped3A : memref<!tpu.dma_semaphore, #tpu.memory_space<semaphore_mem>>) src(%dma_wait3A_130 : memref<80x32xf32, #tpu.memory_space<hbm>>) dst(%dma_wait3A_127 : memref<80x32xf32, #tpu.memory_space<vmem_shared>>)
      tpu.yield
    }) : () -> ()
    %add3A_6 = arith.constant 16 : i32
    %add3A_7 = arith.addi %arg1, %add3A_6 : i32
    %mul3A_8 = arith.constant 80 : i32
    %mul3A_9 = arith.muli %add3A_7, %mul3A_8 : i32
    %mul3A_10 = arith.constant 80 : i32
    %mul3A_11 = arith.muli %add3A_7, %mul3A_10 : i32
    "tpu.region"() ({
      %run_scoped3A = tpu.sem_alloc : memref<!tpu.dma_semaphore, #tpu.memory_space<semaphore_mem>>
      %dma_start3A_122 = arith.constant 0 : i32
      %dma_start3A_123 = tpu.memref_slice %arg12[%mul3A_11, %dma_start3A_122] : memref<10008x32xf32, #tpu.memory_space<vmem_shared>> -> memref<80x32xf32, #tpu.memory_space<vmem_shared>>
      %dma_start3A_124 = arith.constant 0 : i32
      %dma_start3A_125 = tpu.memref_slice %arg2[%arg0, %mul3A_9, %dma_start3A_124] : memref<2x10000x32xf32, #tpu.memory_space<hbm>> -> memref<1x80x32xf32, #tpu.memory_space<hbm>>
      %dma_start3A_126 = tpu.memref_squeeze %dma_start3A_125 : memref<1x80x32xf32, #tpu.memory_space<hbm>> -> memref<80x32xf32, #tpu.memory_space<hbm>>
      tpu.enqueue_dma source(%dma_start3A_126 : memref<80x32xf32, #tpu.memory_space<hbm>>) target(%dma_start3A_123 : memref<80x32xf32, #tpu.memory_space<vmem_shared>>) target_semaphore(%run_scoped3A : memref<!tpu.dma_semaphore, #tpu.memory_space<semaphore_mem>>)
      %dma_wait3A = arith.constant 0 : i32
      %dma_wait3A_127 = tpu.memref_slice %arg12[%mul3A_11, %dma_wait3A] : memref<10008x32xf32, #tpu.memory_space<vmem_shared>> -> memref<80x32xf32, #tpu.memory_space<vmem_shared>>
      %dma_wait3A_128 = arith.constant 0 : i32
      %dma_wait3A_129 = tpu.memref_slice %arg2[%arg0, %mul3A_9, %dma_wait3A_128] : memref<2x10000x32xf32, #tpu.memory_space<hbm>> -> memref<1x80x32xf32, #tpu.memory_space<hbm>>
      %dma_wait3A_130 = tpu.memref_squeeze %dma_wait3A_129 : memref<1x80x32xf32, #tpu.memory_space<hbm>> -> memref<80x32xf32, #tpu.memory_space<hbm>>
      tpu.wait_dma2 semaphore(%run_scoped3A : memref<!tpu.dma_semaphore, #tpu.memory_space<semaphore_mem>>) src(%dma_wait3A_130 : memref<80x32xf32, #tpu.memory_space<hbm>>) dst(%dma_wait3A_127 : memref<80x32xf32, #tpu.memory_space<vmem_shared>>)
      tpu.yield
    }) : () -> ()
    %add3A_12 = arith.constant 32 : i32
    %add3A_13 = arith.addi %arg1, %add3A_12 : i32
    %mul3A_14 = arith.constant 80 : i32
    %mul3A_15 = arith.muli %add3A_13, %mul3A_14 : i32
    %mul3A_16 = arith.constant 80 : i32
    %mul3A_17 = arith.muli %add3A_13, %mul3A_16 : i32
    "tpu.region"() ({
      %run_scoped3A = tpu.sem_alloc : memref<!tpu.dma_semaphore, #tpu.memory_space<semaphore_mem>>
      %dma_start3A_122 = arith.constant 0 : i32
      %dma_start3A_123 = tpu.memref_slice %arg12[%mul3A_17, %dma_start3A_122] : memref<10008x32xf32, #tpu.memory_space<vmem_shared>> -> memref<80x32xf32, #tpu.memory_space<vmem_shared>>
      %dma_start3A_124 = arith.constant 0 : i32
      %dma_start3A_125 = tpu.memref_slice %arg2[%arg0, %mul3A_15, %dma_start3A_124] : memref<2x10000x32xf32, #tpu.memory_space<hbm>> -> memref<1x80x32xf32, #tpu.memory_space<hbm>>
      %dma_start3A_126 = tpu.memref_squeeze %dma_start3A_125 : memref<1x80x32xf32, #tpu.memory_space<hbm>> -> memref<80x32xf32, #tpu.memory_space<hbm>>
      tpu.enqueue_dma source(%dma_start3A_126 : memref<80x32xf32, #tpu.memory_space<hbm>>) target(%dma_start3A_123 : memref<80x32xf32, #tpu.memory_space<vmem_shared>>) target_semaphore(%run_scoped3A : memref<!tpu.dma_semaphore, #tpu.memory_space<semaphore_mem>>)
      %dma_wait3A = arith.constant 0 : i32
      %dma_wait3A_127 = tpu.memref_slice %arg12[%mul3A_17, %dma_wait3A] : memref<10008x32xf32, #tpu.memory_space<vmem_shared>> -> memref<80x32xf32, #tpu.memory_space<vmem_shared>>
      %dma_wait3A_128 = arith.constant 0 : i32
      %dma_wait3A_129 = tpu.memref_slice %arg2[%arg0, %mul3A_15, %dma_wait3A_128] : memref<2x10000x32xf32, #tpu.memory_space<hbm>> -> memref<1x80x32xf32, #tpu.memory_space<hbm>>
      %dma_wait3A_130 = tpu.memref_squeeze %dma_wait3A_129 : memref<1x80x32xf32, #tpu.memory_space<hbm>> -> memref<80x32xf32, #tpu.memory_space<hbm>>
      tpu.wait_dma2 semaphore(%run_scoped3A : memref<!tpu.dma_semaphore, #tpu.memory_space<semaphore_mem>>) src(%dma_wait3A_130 : memref<80x32xf32, #tpu.memory_space<hbm>>) dst(%dma_wait3A_127 : memref<80x32xf32, #tpu.memory_space<vmem_shared>>)
      tpu.yield
    }) : () -> ()
    %add3A_18 = arith.constant 48 : i32
    %add3A_19 = arith.addi %arg1, %add3A_18 : i32
    %mul3A_20 = arith.constant 80 : i32
    %mul3A_21 = arith.muli %add3A_19, %mul3A_20 : i32
    %mul3A_22 = arith.constant 80 : i32
    %mul3A_23 = arith.muli %add3A_19, %mul3A_22 : i32
    "tpu.region"() ({
      %run_scoped3A = tpu.sem_alloc : memref<!tpu.dma_semaphore, #tpu.memory_space<semaphore_mem>>
      %dma_start3A_122 = arith.constant 0 : i32
      %dma_start3A_123 = tpu.memref_slice %arg12[%mul3A_23, %dma_start3A_122] : memref<10008x32xf32, #tpu.memory_space<vmem_shared>> -> memref<80x32xf32, #tpu.memory_space<vmem_shared>>
      %dma_start3A_124 = arith.constant 0 : i32
      %dma_start3A_125 = tpu.memref_slice %arg2[%arg0, %mul3A_21, %dma_start3A_124] : memref<2x10000x32xf32, #tpu.memory_space<hbm>> -> memref<1x80x32xf32, #tpu.memory_space<hbm>>
      %dma_start3A_126 = tpu.memref_squeeze %dma_start3A_125 : memref<1x80x32xf32, #tpu.memory_space<hbm>> -> memref<80x32xf32, #tpu.memory_space<hbm>>
      tpu.enqueue_dma source(%dma_start3A_126 : memref<80x32xf32, #tpu.memory_space<hbm>>) target(%dma_start3A_123 : memref<80x32xf32, #tpu.memory_space<vmem_shared>>) target_semaphore(%run_scoped3A : memref<!tpu.dma_semaphore, #tpu.memory_space<semaphore_mem>>)
      %dma_wait3A = arith.constant 0 : i32
      %dma_wait3A_127 = tpu.memref_slice %arg12[%mul3A_23, %dma_wait3A] : memref<10008x32xf32, #tpu.memory_space<vmem_shared>> -> memref<80x32xf32, #tpu.memory_space<vmem_shared>>
      %dma_wait3A_128 = arith.constant 0 : i32
      %dma_wait3A_129 = tpu.memref_slice %arg2[%arg0, %mul3A_21, %dma_wait3A_128] : memref<2x10000x32xf32, #tpu.memory_space<hbm>> -> memref<1x80x32xf32, #tpu.memory_space<hbm>>
      %dma_wait3A_130 = tpu.memref_squeeze %dma_wait3A_129 : memref<1x80x32xf32, #tpu.memory_space<hbm>> -> memref<80x32xf32, #tpu.memory_space<hbm>>
      tpu.wait_dma2 semaphore(%run_scoped3A : memref<!tpu.dma_semaphore, #tpu.memory_space<semaphore_mem>>) src(%dma_wait3A_130 : memref<80x32xf32, #tpu.memory_space<hbm>>) dst(%dma_wait3A_127 : memref<80x32xf32, #tpu.memory_space<vmem_shared>>)
      tpu.yield
    }) : () -> ()
    %add3A_24 = arith.constant 64 : i32
    %add3A_25 = arith.addi %arg1, %add3A_24 : i32
    %mul3A_26 = arith.constant 80 : i32
    %mul3A_27 = arith.muli %add3A_25, %mul3A_26 : i32
    %mul3A_28 = arith.constant 80 : i32
    %mul3A_29 = arith.muli %add3A_25, %mul3A_28 : i32
    "tpu.region"() ({
      %run_scoped3A = tpu.sem_alloc : memref<!tpu.dma_semaphore, #tpu.memory_space<semaphore_mem>>
      %dma_start3A_122 = arith.constant 0 : i32
      %dma_start3A_123 = tpu.memref_slice %arg12[%mul3A_29, %dma_start3A_122] : memref<10008x32xf32, #tpu.memory_space<vmem_shared>> -> memref<80x32xf32, #tpu.memory_space<vmem_shared>>
      %dma_start3A_124 = arith.constant 0 : i32
      %dma_start3A_125 = tpu.memref_slice %arg2[%arg0, %mul3A_27, %dma_start3A_124] : memref<2x10000x32xf32, #tpu.memory_space<hbm>> -> memref<1x80x32xf32, #tpu.memory_space<hbm>>
      %dma_start3A_126 = tpu.memref_squeeze %dma_start3A_125 : memref<1x80x32xf32, #tpu.memory_space<hbm>> -> memref<80x32xf32, #tpu.memory_space<hbm>>
      tpu.enqueue_dma source(%dma_start3A_126 : memref<80x32xf32, #tpu.memory_space<hbm>>) target(%dma_start3A_123 : memref<80x32xf32, #tpu.memory_space<vmem_shared>>) target_semaphore(%run_scoped3A : memref<!tpu.dma_semaphore, #tpu.memory_space<semaphore_mem>>)
      %dma_wait3A = arith.constant 0 : i32
      %dma_wait3A_127 = tpu.memref_slice %arg12[%mul3A_29, %dma_wait3A] : memref<10008x32xf32, #tpu.memory_space<vmem_shared>> -> memref<80x32xf32, #tpu.memory_space<vmem_shared>>
      %dma_wait3A_128 = arith.constant 0 : i32
      %dma_wait3A_129 = tpu.memref_slice %arg2[%arg0, %mul3A_27, %dma_wait3A_128] : memref<2x10000x32xf32, #tpu.memory_space<hbm>> -> memref<1x80x32xf32, #tpu.memory_space<hbm>>
      %dma_wait3A_130 = tpu.memref_squeeze %dma_wait3A_129 : memref<1x80x32xf32, #tpu.memory_space<hbm>> -> memref<80x32xf32, #tpu.memory_space<hbm>>
      tpu.wait_dma2 semaphore(%run_scoped3A : memref<!tpu.dma_semaphore, #tpu.memory_space<semaphore_mem>>) src(%dma_wait3A_130 : memref<80x32xf32, #tpu.memory_space<hbm>>) dst(%dma_wait3A_127 : memref<80x32xf32, #tpu.memory_space<vmem_shared>>)
      tpu.yield
    }) : () -> ()
    %add3A_30 = arith.constant 80 : i32
    %add3A_31 = arith.addi %arg1, %add3A_30 : i32
    %mul3A_32 = arith.constant 80 : i32
    %mul3A_33 = arith.muli %add3A_31, %mul3A_32 : i32
    %mul3A_34 = arith.constant 80 : i32
    %mul3A_35 = arith.muli %add3A_31, %mul3A_34 : i32
    "tpu.region"() ({
      %run_scoped3A = tpu.sem_alloc : memref<!tpu.dma_semaphore, #tpu.memory_space<semaphore_mem>>
      %dma_start3A_122 = arith.constant 0 : i32
      %dma_start3A_123 = tpu.memref_slice %arg12[%mul3A_35, %dma_start3A_122] : memref<10008x32xf32, #tpu.memory_space<vmem_shared>> -> memref<80x32xf32, #tpu.memory_space<vmem_shared>>
      %dma_start3A_124 = arith.constant 0 : i32
      %dma_start3A_125 = tpu.memref_slice %arg2[%arg0, %mul3A_33, %dma_start3A_124] : memref<2x10000x32xf32, #tpu.memory_space<hbm>> -> memref<1x80x32xf32, #tpu.memory_space<hbm>>
      %dma_start3A_126 = tpu.memref_squeeze %dma_start3A_125 : memref<1x80x32xf32, #tpu.memory_space<hbm>> -> memref<80x32xf32, #tpu.memory_space<hbm>>
      tpu.enqueue_dma source(%dma_start3A_126 : memref<80x32xf32, #tpu.memory_space<hbm>>) target(%dma_start3A_123 : memref<80x32xf32, #tpu.memory_space<vmem_shared>>) target_semaphore(%run_scoped3A : memref<!tpu.dma_semaphore, #tpu.memory_space<semaphore_mem>>)
      %dma_wait3A = arith.constant 0 : i32
      %dma_wait3A_127 = tpu.memref_slice %arg12[%mul3A_35, %dma_wait3A] : memref<10008x32xf32, #tpu.memory_space<vmem_shared>> -> memref<80x32xf32, #tpu.memory_space<vmem_shared>>
      %dma_wait3A_128 = arith.constant 0 : i32
      %dma_wait3A_129 = tpu.memref_slice %arg2[%arg0, %mul3A_33, %dma_wait3A_128] : memref<2x10000x32xf32, #tpu.memory_space<hbm>> -> memref<1x80x32xf32, #tpu.memory_space<hbm>>
      %dma_wait3A_130 = tpu.memref_squeeze %dma_wait3A_129 : memref<1x80x32xf32, #tpu.memory_space<hbm>> -> memref<80x32xf32, #tpu.memory_space<hbm>>
      tpu.wait_dma2 semaphore(%run_scoped3A : memref<!tpu.dma_semaphore, #tpu.memory_space<semaphore_mem>>) src(%dma_wait3A_130 : memref<80x32xf32, #tpu.memory_space<hbm>>) dst(%dma_wait3A_127 : memref<80x32xf32, #tpu.memory_space<vmem_shared>>)
      tpu.yield
    }) : () -> ()
    %add3A_36 = arith.constant 96 : i32
    %add3A_37 = arith.addi %arg1, %add3A_36 : i32
    %mul3A_38 = arith.constant 80 : i32
    %mul3A_39 = arith.muli %add3A_37, %mul3A_38 : i32
    %mul3A_40 = arith.constant 80 : i32
    %mul3A_41 = arith.muli %add3A_37, %mul3A_40 : i32
    "tpu.region"() ({
      %run_scoped3A = tpu.sem_alloc : memref<!tpu.dma_semaphore, #tpu.memory_space<semaphore_mem>>
      %dma_start3A_122 = arith.constant 0 : i32
      %dma_start3A_123 = tpu.memref_slice %arg12[%mul3A_41, %dma_start3A_122] : memref<10008x32xf32, #tpu.memory_space<vmem_shared>> -> memref<80x32xf32, #tpu.memory_space<vmem_shared>>
      %dma_start3A_124 = arith.constant 0 : i32
      %dma_start3A_125 = tpu.memref_slice %arg2[%arg0, %mul3A_39, %dma_start3A_124] : memref<2x10000x32xf32, #tpu.memory_space<hbm>> -> memref<1x80x32xf32, #tpu.memory_space<hbm>>
      %dma_start3A_126 = tpu.memref_squeeze %dma_start3A_125 : memref<1x80x32xf32, #tpu.memory_space<hbm>> -> memref<80x32xf32, #tpu.memory_space<hbm>>
      tpu.enqueue_dma source(%dma_start3A_126 : memref<80x32xf32, #tpu.memory_space<hbm>>) target(%dma_start3A_123 : memref<80x32xf32, #tpu.memory_space<vmem_shared>>) target_semaphore(%run_scoped3A : memref<!tpu.dma_semaphore, #tpu.memory_space<semaphore_mem>>)
      %dma_wait3A = arith.constant 0 : i32
      %dma_wait3A_127 = tpu.memref_slice %arg12[%mul3A_41, %dma_wait3A] : memref<10008x32xf32, #tpu.memory_space<vmem_shared>> -> memref<80x32xf32, #tpu.memory_space<vmem_shared>>
      %dma_wait3A_128 = arith.constant 0 : i32
      %dma_wait3A_129 = tpu.memref_slice %arg2[%arg0, %mul3A_39, %dma_wait3A_128] : memref<2x10000x32xf32, #tpu.memory_space<hbm>> -> memref<1x80x32xf32, #tpu.memory_space<hbm>>
      %dma_wait3A_130 = tpu.memref_squeeze %dma_wait3A_129 : memref<1x80x32xf32, #tpu.memory_space<hbm>> -> memref<80x32xf32, #tpu.memory_space<hbm>>
      tpu.wait_dma2 semaphore(%run_scoped3A : memref<!tpu.dma_semaphore, #tpu.memory_space<semaphore_mem>>) src(%dma_wait3A_130 : memref<80x32xf32, #tpu.memory_space<hbm>>) dst(%dma_wait3A_127 : memref<80x32xf32, #tpu.memory_space<vmem_shared>>)
      tpu.yield
    }) : () -> ()
    %add3A_42 = arith.constant 112 : i32
    %add3A_43 = arith.addi %arg1, %add3A_42 : i32
    %lt3A = arith.constant 125 : i32
    %lt3A_44 = arith.cmpi slt, %add3A_43, %lt3A : i32
    %convert_element_type3A = arith.extui %lt3A_44 : i1 to i32
    %cond3A = arith.constant 0 : i32
    %cond3A_45 = arith.cmpi ne, %convert_element_type3A, %cond3A : i32
    scf.if %cond3A_45 {
      %mul3A_122 = arith.constant 80 : i32
      %mul3A_123 = arith.muli %add3A_43, %mul3A_122 : i32
      %mul3A_124 = arith.constant 80 : i32
      %mul3A_125 = arith.muli %add3A_43, %mul3A_124 : i32
      "tpu.region"() ({
        %run_scoped3A = tpu.sem_alloc : memref<!tpu.dma_semaphore, #tpu.memory_space<semaphore_mem>>
        %dma_start3A_126 = arith.constant 0 : i32
        %dma_start3A_127 = tpu.memref_slice %arg12[%mul3A_125, %dma_start3A_126] : memref<10008x32xf32, #tpu.memory_space<vmem_shared>> -> memref<80x32xf32, #tpu.memory_space<vmem_shared>>
        %dma_start3A_128 = arith.constant 0 : i32
        %dma_start3A_129 = tpu.memref_slice %arg2[%arg0, %mul3A_123, %dma_start3A_128] : memref<2x10000x32xf32, #tpu.memory_space<hbm>> -> memref<1x80x32xf32, #tpu.memory_space<hbm>>
        %dma_start3A_130 = tpu.memref_squeeze %dma_start3A_129 : memref<1x80x32xf32, #tpu.memory_space<hbm>> -> memref<80x32xf32, #tpu.memory_space<hbm>>
        tpu.enqueue_dma source(%dma_start3A_130 : memref<80x32xf32, #tpu.memory_space<hbm>>) target(%dma_start3A_127 : memref<80x32xf32, #tpu.memory_space<vmem_shared>>) target_semaphore(%run_scoped3A : memref<!tpu.dma_semaphore, #tpu.memory_space<semaphore_mem>>)
        %dma_wait3A = arith.constant 0 : i32
        %dma_wait3A_131 = tpu.memref_slice %arg12[%mul3A_125, %dma_wait3A] : memref<10008x32xf32, #tpu.memory_space<vmem_shared>> -> memref<80x32xf32, #tpu.memory_space<vmem_shared>>
        %dma_wait3A_132 = arith.constant 0 : i32
        %dma_wait3A_133 = tpu.memref_slice %arg2[%arg0, %mul3A_123, %dma_wait3A_132] : memref<2x10000x32xf32, #tpu.memory_space<hbm>> -> memref<1x80x32xf32, #tpu.memory_space<hbm>>
        %dma_wait3A_134 = tpu.memref_squeeze %dma_wait3A_133 : memref<1x80x32xf32, #tpu.memory_space<hbm>> -> memref<80x32xf32, #tpu.memory_space<hbm>>
        tpu.wait_dma2 semaphore(%run_scoped3A : memref<!tpu.dma_semaphore, #tpu.memory_space<semaphore_mem>>) src(%dma_wait3A_134 : memref<80x32xf32, #tpu.memory_space<hbm>>) dst(%dma_wait3A_131 : memref<80x32xf32, #tpu.memory_space<vmem_shared>>)
        tpu.yield
      }) : () -> ()
    } else {
    }
    %barrier3A = arith.constant 0 : index
    tpu.barrier barrier_id(%barrier3A)
    "tpu.region"() ({
      %run_scoped3A = tpu.sem_alloc : memref<!tpu.dma_semaphore, #tpu.memory_space<semaphore_mem>>
      %dma_start3A_122 = arith.constant 0 : i32
      %dma_start3A_123 = tpu.memref_slice %arg3[%mul3A_0, %dma_start3A_122] : memref<1280x128xi32, #tpu.memory_space<hbm>> -> memref<2x128xi32, #tpu.memory_space<hbm>>
      %dma_start3A_124 = arith.constant 0 : i32
      %dma_start3A_125 = tpu.memref_slice %arg3[%mul3A_0, %dma_start3A_124] : memref<1280x128xi32, #tpu.memory_space<hbm>> -> memref<2x128xi32, #tpu.memory_space<hbm>>
      tpu.enqueue_dma source(%dma_start3A_125 : memref<2x128xi32, #tpu.memory_space<hbm>>) target(%arg6 : memref<2x128xi32, #tpu.memory_space<vmem>>) target_semaphore(%run_scoped3A : memref<!tpu.dma_semaphore, #tpu.memory_space<semaphore_mem>>)
      %dma_wait3A = arith.constant 0 : i32
      %dma_wait3A_126 = tpu.memref_slice %arg3[%mul3A_0, %dma_wait3A] : memref<1280x128xi32, #tpu.memory_space<hbm>> -> memref<2x128xi32, #tpu.memory_space<hbm>>
      %dma_wait3A_127 = arith.constant 0 : i32
      %dma_wait3A_128 = tpu.memref_slice %arg3[%mul3A_0, %dma_wait3A_127] : memref<1280x128xi32, #tpu.memory_space<hbm>> -> memref<2x128xi32, #tpu.memory_space<hbm>>
      tpu.wait_dma2 semaphore(%run_scoped3A : memref<!tpu.dma_semaphore, #tpu.memory_space<semaphore_mem>>) src(%dma_wait3A_128 : memref<2x128xi32, #tpu.memory_space<hbm>>) dst(%arg6 : memref<2x128xi32, #tpu.memory_space<vmem>>)
      tpu.yield
    }) : () -> ()
    "tpu.region"() ({
      %run_scoped3A = tpu.sem_alloc : memref<!tpu.dma_semaphore, #tpu.memory_space<semaphore_mem>>
      %dma_start3A_122 = arith.constant 0 : i32
      %dma_start3A_123 = tpu.memref_slice %arg4[%mul3A_0, %dma_start3A_122] : memref<1280x128xi32, #tpu.memory_space<hbm>> -> memref<2x128xi32, #tpu.memory_space<hbm>>
      %dma_start3A_124 = arith.constant 0 : i32
      %dma_start3A_125 = tpu.memref_slice %arg4[%mul3A_0, %dma_start3A_124] : memref<1280x128xi32, #tpu.memory_space<hbm>> -> memref<2x128xi32, #tpu.memory_space<hbm>>
      tpu.enqueue_dma source(%dma_start3A_125 : memref<2x128xi32, #tpu.memory_space<hbm>>) target(%arg8 : memref<2x128xi32, #tpu.memory_space<vmem>>) target_semaphore(%run_scoped3A : memref<!tpu.dma_semaphore, #tpu.memory_space<semaphore_mem>>)
      %dma_wait3A = arith.constant 0 : i32
      %dma_wait3A_126 = tpu.memref_slice %arg4[%mul3A_0, %dma_wait3A] : memref<1280x128xi32, #tpu.memory_space<hbm>> -> memref<2x128xi32, #tpu.memory_space<hbm>>
      %dma_wait3A_127 = arith.constant 0 : i32
      %dma_wait3A_128 = tpu.memref_slice %arg4[%mul3A_0, %dma_wait3A_127] : memref<1280x128xi32, #tpu.memory_space<hbm>> -> memref<2x128xi32, #tpu.memory_space<hbm>>
      tpu.wait_dma2 semaphore(%run_scoped3A : memref<!tpu.dma_semaphore, #tpu.memory_space<semaphore_mem>>) src(%dma_wait3A_128 : memref<2x128xi32, #tpu.memory_space<hbm>>) dst(%arg8 : memref<2x128xi32, #tpu.memory_space<vmem>>)
      tpu.yield
    }) : () -> ()
    %dma_start3A = arith.constant 0 : i32
    %dma_start3A_46 = arith.constant 0 : i32
    %dma_start3A_47 = tpu.memref_slice %arg6[%dma_start3A, %dma_start3A_46] : memref<2x128xi32, #tpu.memory_space<vmem>> -> memref<1x128xi32, #tpu.memory_space<vmem>>
    %dma_start3A_48 = tpu.memref_squeeze %dma_start3A_47 : memref<1x128xi32, #tpu.memory_space<vmem>> -> memref<128xi32, #tpu.memory_space<vmem>>
    %dma_start3A_49 = arith.constant 0 : i32
    %dma_start3A_50 = arith.constant 0 : i32
    %dma_start3A_51 = tpu.memref_slice %arg2[%arg0, %dma_start3A_49, %dma_start3A_50] : memref<2x10000x32xf32, #tpu.memory_space<hbm>> -> memref<1x10000x32xf32, #tpu.memory_space<hbm>>
    %dma_start3A_52 = tpu.memref_squeeze %dma_start3A_51 : memref<1x10000x32xf32, #tpu.memory_space<hbm>> -> memref<10000x32xf32, #tpu.memory_space<hbm>>
    %dma_start3A_53 = arith.constant 0 : i32
    %dma_start3A_54 = arith.constant 0 : i32
    %dma_start3A_55 = tpu.memref_slice %dma_start3A_52[%dma_start3A_53, %dma_start3A_54] : memref<10000x32xf32, #tpu.memory_space<hbm>> -> memref<10000x32xf32, #tpu.memory_space<hbm>>
    tpu.enqueue_indirect_dma source(%dma_start3A_55 : memref<10000x32xf32, #tpu.memory_space<hbm>>) target(%arg10 : memref<128x32xf32, #tpu.memory_space<vmem>>) offsets(%dma_start3A_48 : memref<128xi32, #tpu.memory_space<vmem>>) semaphore(%arg13 : memref<!tpu.dma_semaphore, #tpu.memory_space<semaphore_mem>>)
    %dma_start3A_56 = arith.constant 1 : i32
    %dma_start3A_57 = arith.constant 0 : i32
    %dma_start3A_58 = tpu.memref_slice %arg6[%dma_start3A_56, %dma_start3A_57] : memref<2x128xi32, #tpu.memory_space<vmem>> -> memref<1x128xi32, #tpu.memory_space<vmem>>
    %dma_start3A_59 = tpu.memref_squeeze %dma_start3A_58 : memref<1x128xi32, #tpu.memory_space<vmem>> -> memref<128xi32, #tpu.memory_space<vmem>>
    %dma_start3A_60 = arith.constant 0 : i32
    %dma_start3A_61 = arith.constant 0 : i32
    %dma_start3A_62 = tpu.memref_slice %arg2[%arg0, %dma_start3A_60, %dma_start3A_61] : memref<2x10000x32xf32, #tpu.memory_space<hbm>> -> memref<1x10000x32xf32, #tpu.memory_space<hbm>>
    %dma_start3A_63 = tpu.memref_squeeze %dma_start3A_62 : memref<1x10000x32xf32, #tpu.memory_space<hbm>> -> memref<10000x32xf32, #tpu.memory_space<hbm>>
    %dma_start3A_64 = arith.constant 0 : i32
    %dma_start3A_65 = arith.constant 0 : i32
    %dma_start3A_66 = tpu.memref_slice %dma_start3A_63[%dma_start3A_64, %dma_start3A_65] : memref<10000x32xf32, #tpu.memory_space<hbm>> -> memref<10000x32xf32, #tpu.memory_space<hbm>>
    tpu.enqueue_indirect_dma source(%dma_start3A_66 : memref<10000x32xf32, #tpu.memory_space<hbm>>) target(%arg11 : memref<128x32xf32, #tpu.memory_space<vmem>>) offsets(%dma_start3A_59 : memref<128xi32, #tpu.memory_space<vmem>>) semaphore(%arg14 : memref<!tpu.dma_semaphore, #tpu.memory_space<semaphore_mem>>)
    %scan3A = arith.constant 0 : i32
    %scan3A_67 = arith.constant 0 : i32
    %scan3A_68 = arith.constant 40 : i32
    %scan3A_69 = arith.addi %scan3A_67, %scan3A_68 : i32
    %scan3A_70 = arith.constant 1 : i32
    scf.for %scan3A_122 = %scan3A_67 to %scan3A_69 step %scan3A_70  : i32 {
      %rem3A = arith.constant 2 : i32
      %rem3A_123 = arith.remsi %scan3A_122, %rem3A : i32
      %add3A_124 = arith.constant 1 : i32
      %add3A_125 = arith.addi %scan3A_122, %add3A_124 : i32
      %lt3A_126 = arith.constant 40 : i32
      %lt3A_127 = arith.cmpi slt, %add3A_125, %lt3A_126 : i32
      %convert_element_type3A_128 = arith.extui %lt3A_127 : i1 to i32
      %cond3A_129 = arith.constant 0 : i32
      %cond3A_130 = arith.cmpi ne, %convert_element_type3A_128, %cond3A_129 : i32
      scf.if %cond3A_130 {
        %add3A_140 = arith.constant 1 : i32
        %add3A_141 = arith.addi %scan3A_122, %add3A_140 : i32
        %mul3A_142 = arith.constant 2 : i32
        %mul3A_143 = arith.muli %add3A_141, %mul3A_142 : i32
        %add3A_144 = arith.addi %mul3A_0, %mul3A_143 : i32
        %eq3A_145 = arith.constant 1 : i32
        %eq3A_146 = arith.cmpi eq, %rem3A_123, %eq3A_145 : i32
        %convert_element_type3A_147 = arith.extui %eq3A_146 : i1 to i32
        %cond3A_148 = arith.constant 0 : i32
        %cond3A_149 = arith.cmpi ne, %convert_element_type3A_147, %cond3A_148 : i32
        scf.if %cond3A_149 {
          %dma_start3A_155 = arith.constant 0 : i32
          %dma_start3A_156 = tpu.memref_slice %arg3[%add3A_144, %dma_start3A_155] : memref<1280x128xi32, #tpu.memory_space<hbm>> -> memref<2x128xi32, #tpu.memory_space<hbm>>
          %dma_start3A_157 = arith.constant 0 : i32
          %dma_start3A_158 = tpu.memref_slice %arg3[%add3A_144, %dma_start3A_157] : memref<1280x128xi32, #tpu.memory_space<hbm>> -> memref<2x128xi32, #tpu.memory_space<hbm>>
          tpu.enqueue_dma source(%dma_start3A_158 : memref<2x128xi32, #tpu.memory_space<hbm>>) target(%arg6 : memref<2x128xi32, #tpu.memory_space<vmem>>) target_semaphore(%arg17 : memref<!tpu.dma_semaphore, #tpu.memory_space<semaphore_mem>>)
          %dma_start3A_159 = arith.constant 0 : i32
          %dma_start3A_160 = tpu.memref_slice %arg4[%add3A_144, %dma_start3A_159] : memref<1280x128xi32, #tpu.memory_space<hbm>> -> memref<2x128xi32, #tpu.memory_space<hbm>>
          %dma_start3A_161 = arith.constant 0 : i32
          %dma_start3A_162 = tpu.memref_slice %arg4[%add3A_144, %dma_start3A_161] : memref<1280x128xi32, #tpu.memory_space<hbm>> -> memref<2x128xi32, #tpu.memory_space<hbm>>
          tpu.enqueue_dma source(%dma_start3A_162 : memref<2x128xi32, #tpu.memory_space<hbm>>) target(%arg8 : memref<2x128xi32, #tpu.memory_space<vmem>>) target_semaphore(%arg19 : memref<!tpu.dma_semaphore, #tpu.memory_space<semaphore_mem>>)
        } else {
        }
        %eq3A_150 = arith.constant 0 : i32
        %eq3A_151 = arith.cmpi eq, %rem3A_123, %eq3A_150 : i32
        %convert_element_type3A_152 = arith.extui %eq3A_151 : i1 to i32
        %cond3A_153 = arith.constant 0 : i32
        %cond3A_154 = arith.cmpi ne, %convert_element_type3A_152, %cond3A_153 : i32
        scf.if %cond3A_154 {
          %dma_start3A_155 = arith.constant 0 : i32
          %dma_start3A_156 = tpu.memref_slice %arg3[%add3A_144, %dma_start3A_155] : memref<1280x128xi32, #tpu.memory_space<hbm>> -> memref<2x128xi32, #tpu.memory_space<hbm>>
          %dma_start3A_157 = arith.constant 0 : i32
          %dma_start3A_158 = tpu.memref_slice %arg3[%add3A_144, %dma_start3A_157] : memref<1280x128xi32, #tpu.memory_space<hbm>> -> memref<2x128xi32, #tpu.memory_space<hbm>>
          tpu.enqueue_dma source(%dma_start3A_158 : memref<2x128xi32, #tpu.memory_space<hbm>>) target(%arg7 : memref<2x128xi32, #tpu.memory_space<vmem>>) target_semaphore(%arg18 : memref<!tpu.dma_semaphore, #tpu.memory_space<semaphore_mem>>)
          %dma_start3A_159 = arith.constant 0 : i32
          %dma_start3A_160 = tpu.memref_slice %arg4[%add3A_144, %dma_start3A_159] : memref<1280x128xi32, #tpu.memory_space<hbm>> -> memref<2x128xi32, #tpu.memory_space<hbm>>
          %dma_start3A_161 = arith.constant 0 : i32
          %dma_start3A_162 = tpu.memref_slice %arg4[%add3A_144, %dma_start3A_161] : memref<1280x128xi32, #tpu.memory_space<hbm>> -> memref<2x128xi32, #tpu.memory_space<hbm>>
          tpu.enqueue_dma source(%dma_start3A_162 : memref<2x128xi32, #tpu.memory_space<hbm>>) target(%arg9 : memref<2x128xi32, #tpu.memory_space<vmem>>) target_semaphore(%arg20 : memref<!tpu.dma_semaphore, #tpu.memory_space<semaphore_mem>>)
        } else {
        }
      } else {
      }
      %eq3A = arith.constant 0 : i32
      %eq3A_131 = arith.cmpi eq, %rem3A_123, %eq3A : i32
      %convert_element_type3A_132 = arith.extui %eq3A_131 : i1 to i32
      %cond3A_133 = arith.constant 0 : i32
      %cond3A_134 = arith.cmpi ne, %convert_element_type3A_132, %cond3A_133 : i32
      scf.if %cond3A_134 {
        %dma_wait3A = arith.constant 0 : i32
        %dma_wait3A_140 = arith.constant 0 : i32
        %dma_wait3A_141 = tpu.memref_slice %arg6[%dma_wait3A, %dma_wait3A_140] : memref<2x128xi32, #tpu.memory_space<vmem>> -> memref<1x128xi32, #tpu.memory_space<vmem>>
        %dma_wait3A_142 = tpu.memref_squeeze %dma_wait3A_141 : memref<1x128xi32, #tpu.memory_space<vmem>> -> memref<128xi32, #tpu.memory_space<vmem>>
        %dma_wait3A_143 = arith.constant 0 : i32
        %dma_wait3A_144 = arith.constant 0 : i32
        %dma_wait3A_145 = tpu.memref_slice %arg2[%arg0, %dma_wait3A_143, %dma_wait3A_144] : memref<2x10000x32xf32, #tpu.memory_space<hbm>> -> memref<1x10000x32xf32, #tpu.memory_space<hbm>>
        %dma_wait3A_146 = tpu.memref_squeeze %dma_wait3A_145 : memref<1x10000x32xf32, #tpu.memory_space<hbm>> -> memref<10000x32xf32, #tpu.memory_space<hbm>>
        %dma_wait3A_147 = arith.constant 0 : i32
        %dma_wait3A_148 = arith.constant 0 : i32
        %dma_wait3A_149 = tpu.memref_slice %dma_wait3A_146[%dma_wait3A_147, %dma_wait3A_148] : memref<10000x32xf32, #tpu.memory_space<hbm>> -> memref<10000x32xf32, #tpu.memory_space<hbm>>
        tpu.wait_indirect_dma semaphore(%arg13 : memref<!tpu.dma_semaphore, #tpu.memory_space<semaphore_mem>>) src(%dma_wait3A_149 : memref<10000x32xf32, #tpu.memory_space<hbm>>) dst(%arg10 : memref<128x32xf32, #tpu.memory_space<vmem>>)
        %dma_start3A_150 = arith.constant 0 : i32
        %dma_start3A_151 = arith.constant 0 : i32
        %dma_start3A_152 = tpu.memref_slice %arg8[%dma_start3A_150, %dma_start3A_151] : memref<2x128xi32, #tpu.memory_space<vmem>> -> memref<1x128xi32, #tpu.memory_space<vmem>>
        %dma_start3A_153 = tpu.memref_squeeze %dma_start3A_152 : memref<1x128xi32, #tpu.memory_space<vmem>> -> memref<128xi32, #tpu.memory_space<vmem>>
        %dma_start3A_154 = arith.constant 0 : i32
        %dma_start3A_155 = arith.constant 0 : i32
        %dma_start3A_156 = tpu.memref_slice %arg12[%dma_start3A_154, %dma_start3A_155] : memref<10008x32xf32, #tpu.memory_space<vmem_shared>> -> memref<10008x32xf32, #tpu.memory_space<vmem_shared>>
        tpu.enqueue_indirect_dma source(%arg10 : memref<128x32xf32, #tpu.memory_space<vmem>>) target(%dma_start3A_156 : memref<10008x32xf32, #tpu.memory_space<vmem_shared>>) offsets(%dma_start3A_153 : memref<128xi32, #tpu.memory_space<vmem>>) semaphore(%arg15 : memref<!tpu.dma_semaphore, #tpu.memory_space<semaphore_mem>>) {add = true}
        %dma_wait3A_157 = arith.constant 1 : i32
        %dma_wait3A_158 = arith.constant 0 : i32
        %dma_wait3A_159 = tpu.memref_slice %arg6[%dma_wait3A_157, %dma_wait3A_158] : memref<2x128xi32, #tpu.memory_space<vmem>> -> memref<1x128xi32, #tpu.memory_space<vmem>>
        %dma_wait3A_160 = tpu.memref_squeeze %dma_wait3A_159 : memref<1x128xi32, #tpu.memory_space<vmem>> -> memref<128xi32, #tpu.memory_space<vmem>>
        %dma_wait3A_161 = arith.constant 0 : i32
        %dma_wait3A_162 = arith.constant 0 : i32
        %dma_wait3A_163 = tpu.memref_slice %arg2[%arg0, %dma_wait3A_161, %dma_wait3A_162] : memref<2x10000x32xf32, #tpu.memory_space<hbm>> -> memref<1x10000x32xf32, #tpu.memory_space<hbm>>
        %dma_wait3A_164 = tpu.memref_squeeze %dma_wait3A_163 : memref<1x10000x32xf32, #tpu.memory_space<hbm>> -> memref<10000x32xf32, #tpu.memory_space<hbm>>
        %dma_wait3A_165 = arith.constant 0 : i32
        %dma_wait3A_166 = arith.constant 0 : i32
        %dma_wait3A_167 = tpu.memref_slice %dma_wait3A_164[%dma_wait3A_165, %dma_wait3A_166] : memref<10000x32xf32, #tpu.memory_space<hbm>> -> memref<10000x32xf32, #tpu.memory_space<hbm>>
        tpu.wait_indirect_dma semaphore(%arg14 : memref<!tpu.dma_semaphore, #tpu.memory_space<semaphore_mem>>) src(%dma_wait3A_167 : memref<10000x32xf32, #tpu.memory_space<hbm>>) dst(%arg11 : memref<128x32xf32, #tpu.memory_space<vmem>>)
        %dma_start3A_168 = arith.constant 1 : i32
        %dma_start3A_169 = arith.constant 0 : i32
        %dma_start3A_170 = tpu.memref_slice %arg8[%dma_start3A_168, %dma_start3A_169] : memref<2x128xi32, #tpu.memory_space<vmem>> -> memref<1x128xi32, #tpu.memory_space<vmem>>
        %dma_start3A_171 = tpu.memref_squeeze %dma_start3A_170 : memref<1x128xi32, #tpu.memory_space<vmem>> -> memref<128xi32, #tpu.memory_space<vmem>>
        %dma_start3A_172 = arith.constant 0 : i32
        %dma_start3A_173 = arith.constant 0 : i32
        %dma_start3A_174 = tpu.memref_slice %arg12[%dma_start3A_172, %dma_start3A_173] : memref<10008x32xf32, #tpu.memory_space<vmem_shared>> -> memref<10008x32xf32, #tpu.memory_space<vmem_shared>>
        tpu.enqueue_indirect_dma source(%arg11 : memref<128x32xf32, #tpu.memory_space<vmem>>) target(%dma_start3A_174 : memref<10008x32xf32, #tpu.memory_space<vmem_shared>>) offsets(%dma_start3A_171 : memref<128xi32, #tpu.memory_space<vmem>>) semaphore(%arg16 : memref<!tpu.dma_semaphore, #tpu.memory_space<semaphore_mem>>) {add = true}
        %dma_wait3A_175 = arith.constant 0 : i32
        %dma_wait3A_176 = arith.constant 0 : i32
        %dma_wait3A_177 = tpu.memref_slice %arg8[%dma_wait3A_175, %dma_wait3A_176] : memref<2x128xi32, #tpu.memory_space<vmem>> -> memref<1x128xi32, #tpu.memory_space<vmem>>
        %dma_wait3A_178 = tpu.memref_squeeze %dma_wait3A_177 : memref<1x128xi32, #tpu.memory_space<vmem>> -> memref<128xi32, #tpu.memory_space<vmem>>
        %dma_wait3A_179 = arith.constant 0 : i32
        %dma_wait3A_180 = arith.constant 0 : i32
        %dma_wait3A_181 = tpu.memref_slice %arg12[%dma_wait3A_179, %dma_wait3A_180] : memref<10008x32xf32, #tpu.memory_space<vmem_shared>> -> memref<10008x32xf32, #tpu.memory_space<vmem_shared>>
        tpu.wait_indirect_dma semaphore(%arg15 : memref<!tpu.dma_semaphore, #tpu.memory_space<semaphore_mem>>) src(%arg10 : memref<128x32xf32, #tpu.memory_space<vmem>>) dst(%dma_wait3A_181 : memref<10008x32xf32, #tpu.memory_space<vmem_shared>>)
        %add3A_182 = arith.constant 1 : i32
        %add3A_183 = arith.addi %scan3A_122, %add3A_182 : i32
        %lt3A_184 = arith.constant 40 : i32
        %lt3A_185 = arith.cmpi slt, %add3A_183, %lt3A_184 : i32
        %convert_element_type3A_186 = arith.extui %lt3A_185 : i1 to i32
        %cond3A_187 = arith.constant 0 : i32
        %cond3A_188 = arith.cmpi ne, %convert_element_type3A_186, %cond3A_187 : i32
        scf.if %cond3A_188 {
          %dma_wait3A_203 = arith.constant 0 : i32
          %dma_wait3A_204 = tpu.memref_slice %arg3[%mul3A_0, %dma_wait3A_203] : memref<1280x128xi32, #tpu.memory_space<hbm>> -> memref<2x128xi32, #tpu.memory_space<hbm>>
          %dma_wait3A_205 = arith.constant 0 : i32
          %dma_wait3A_206 = tpu.memref_slice %arg3[%mul3A_0, %dma_wait3A_205] : memref<1280x128xi32, #tpu.memory_space<hbm>> -> memref<2x128xi32, #tpu.memory_space<hbm>>
          tpu.wait_dma2 semaphore(%arg18 : memref<!tpu.dma_semaphore, #tpu.memory_space<semaphore_mem>>) src(%dma_wait3A_206 : memref<2x128xi32, #tpu.memory_space<hbm>>) dst(%arg7 : memref<2x128xi32, #tpu.memory_space<vmem>>)
          %dma_wait3A_207 = arith.constant 0 : i32
          %dma_wait3A_208 = tpu.memref_slice %arg4[%mul3A_0, %dma_wait3A_207] : memref<1280x128xi32, #tpu.memory_space<hbm>> -> memref<2x128xi32, #tpu.memory_space<hbm>>
          %dma_wait3A_209 = arith.constant 0 : i32
          %dma_wait3A_210 = tpu.memref_slice %arg4[%mul3A_0, %dma_wait3A_209] : memref<1280x128xi32, #tpu.memory_space<hbm>> -> memref<2x128xi32, #tpu.memory_space<hbm>>
          tpu.wait_dma2 semaphore(%arg20 : memref<!tpu.dma_semaphore, #tpu.memory_space<semaphore_mem>>) src(%dma_wait3A_210 : memref<2x128xi32, #tpu.memory_space<hbm>>) dst(%arg9 : memref<2x128xi32, #tpu.memory_space<vmem>>)
          %dma_start3A_211 = arith.constant 0 : i32
          %dma_start3A_212 = arith.constant 0 : i32
          %dma_start3A_213 = tpu.memref_slice %arg7[%dma_start3A_211, %dma_start3A_212] : memref<2x128xi32, #tpu.memory_space<vmem>> -> memref<1x128xi32, #tpu.memory_space<vmem>>
          %dma_start3A_214 = tpu.memref_squeeze %dma_start3A_213 : memref<1x128xi32, #tpu.memory_space<vmem>> -> memref<128xi32, #tpu.memory_space<vmem>>
          %dma_start3A_215 = arith.constant 0 : i32
          %dma_start3A_216 = arith.constant 0 : i32
          %dma_start3A_217 = tpu.memref_slice %arg2[%arg0, %dma_start3A_215, %dma_start3A_216] : memref<2x10000x32xf32, #tpu.memory_space<hbm>> -> memref<1x10000x32xf32, #tpu.memory_space<hbm>>
          %dma_start3A_218 = tpu.memref_squeeze %dma_start3A_217 : memref<1x10000x32xf32, #tpu.memory_space<hbm>> -> memref<10000x32xf32, #tpu.memory_space<hbm>>
          %dma_start3A_219 = arith.constant 0 : i32
          %dma_start3A_220 = arith.constant 0 : i32
          %dma_start3A_221 = tpu.memref_slice %dma_start3A_218[%dma_start3A_219, %dma_start3A_220] : memref<10000x32xf32, #tpu.memory_space<hbm>> -> memref<10000x32xf32, #tpu.memory_space<hbm>>
          tpu.enqueue_indirect_dma source(%dma_start3A_221 : memref<10000x32xf32, #tpu.memory_space<hbm>>) target(%arg10 : memref<128x32xf32, #tpu.memory_space<vmem>>) offsets(%dma_start3A_214 : memref<128xi32, #tpu.memory_space<vmem>>) semaphore(%arg13 : memref<!tpu.dma_semaphore, #tpu.memory_space<semaphore_mem>>)
        } else {
        }
        %dma_wait3A_189 = arith.constant 1 : i32
        %dma_wait3A_190 = arith.constant 0 : i32
        %dma_wait3A_191 = tpu.memref_slice %arg8[%dma_wait3A_189, %dma_wait3A_190] : memref<2x128xi32, #tpu.memory_space<vmem>> -> memref<1x128xi32, #tpu.memory_space<vmem>>
        %dma_wait3A_192 = tpu.memref_squeeze %dma_wait3A_191 : memref<1x128xi32, #tpu.memory_space<vmem>> -> memref<128xi32, #tpu.memory_space<vmem>>
        %dma_wait3A_193 = arith.constant 0 : i32
        %dma_wait3A_194 = arith.constant 0 : i32
        %dma_wait3A_195 = tpu.memref_slice %arg12[%dma_wait3A_193, %dma_wait3A_194] : memref<10008x32xf32, #tpu.memory_space<vmem_shared>> -> memref<10008x32xf32, #tpu.memory_space<vmem_shared>>
        tpu.wait_indirect_dma semaphore(%arg16 : memref<!tpu.dma_semaphore, #tpu.memory_space<semaphore_mem>>) src(%arg11 : memref<128x32xf32, #tpu.memory_space<vmem>>) dst(%dma_wait3A_195 : memref<10008x32xf32, #tpu.memory_space<vmem_shared>>)
        %add3A_196 = arith.constant 1 : i32
        %add3A_197 = arith.addi %scan3A_122, %add3A_196 : i32
        %lt3A_198 = arith.constant 40 : i32
        %lt3A_199 = arith.cmpi slt, %add3A_197, %lt3A_198 : i32
        %convert_element_type3A_200 = arith.extui %lt3A_199 : i1 to i32
        %cond3A_201 = arith.constant 0 : i32
        %cond3A_202 = arith.cmpi ne, %convert_element_type3A_200, %cond3A_201 : i32
        scf.if %cond3A_202 {
          %dma_start3A_203 = arith.constant 1 : i32
          %dma_start3A_204 = arith.constant 0 : i32
          %dma_start3A_205 = tpu.memref_slice %arg7[%dma_start3A_203, %dma_start3A_204] : memref<2x128xi32, #tpu.memory_space<vmem>> -> memref<1x128xi32, #tpu.memory_space<vmem>>
          %dma_start3A_206 = tpu.memref_squeeze %dma_start3A_205 : memref<1x128xi32, #tpu.memory_space<vmem>> -> memref<128xi32, #tpu.memory_space<vmem>>
          %dma_start3A_207 = arith.constant 0 : i32
          %dma_start3A_208 = arith.constant 0 : i32
          %dma_start3A_209 = tpu.memref_slice %arg2[%arg0, %dma_start3A_207, %dma_start3A_208] : memref<2x10000x32xf32, #tpu.memory_space<hbm>> -> memref<1x10000x32xf32, #tpu.memory_space<hbm>>
          %dma_start3A_210 = tpu.memref_squeeze %dma_start3A_209 : memref<1x10000x32xf32, #tpu.memory_space<hbm>> -> memref<10000x32xf32, #tpu.memory_space<hbm>>
          %dma_start3A_211 = arith.constant 0 : i32
          %dma_start3A_212 = arith.constant 0 : i32
          %dma_start3A_213 = tpu.memref_slice %dma_start3A_210[%dma_start3A_211, %dma_start3A_212] : memref<10000x32xf32, #tpu.memory_space<hbm>> -> memref<10000x32xf32, #tpu.memory_space<hbm>>
          tpu.enqueue_indirect_dma source(%dma_start3A_213 : memref<10000x32xf32, #tpu.memory_space<hbm>>) target(%arg11 : memref<128x32xf32, #tpu.memory_space<vmem>>) offsets(%dma_start3A_206 : memref<128xi32, #tpu.memory_space<vmem>>) semaphore(%arg14 : memref<!tpu.dma_semaphore, #tpu.memory_space<semaphore_mem>>)
        } else {
        }
      } else {
      }
      %eq3A_135 = arith.constant 1 : i32
      %eq3A_136 = arith.cmpi eq, %rem3A_123, %eq3A_135 : i32
      %convert_element_type3A_137 = arith.extui %eq3A_136 : i1 to i32
      %cond3A_138 = arith.constant 0 : i32
      %cond3A_139 = arith.cmpi ne, %convert_element_type3A_137, %cond3A_138 : i32
      scf.if %cond3A_139 {
        %dma_wait3A = arith.constant 0 : i32
        %dma_wait3A_140 = arith.constant 0 : i32
        %dma_wait3A_141 = tpu.memref_slice %arg7[%dma_wait3A, %dma_wait3A_140] : memref<2x128xi32, #tpu.memory_space<vmem>> -> memref<1x128xi32, #tpu.memory_space<vmem>>
        %dma_wait3A_142 = tpu.memref_squeeze %dma_wait3A_141 : memref<1x128xi32, #tpu.memory_space<vmem>> -> memref<128xi32, #tpu.memory_space<vmem>>
        %dma_wait3A_143 = arith.constant 0 : i32
        %dma_wait3A_144 = arith.constant 0 : i32
        %dma_wait3A_145 = tpu.memref_slice %arg2[%arg0, %dma_wait3A_143, %dma_wait3A_144] : memref<2x10000x32xf32, #tpu.memory_space<hbm>> -> memref<1x10000x32xf32, #tpu.memory_space<hbm>>
        %dma_wait3A_146 = tpu.memref_squeeze %dma_wait3A_145 : memref<1x10000x32xf32, #tpu.memory_space<hbm>> -> memref<10000x32xf32, #tpu.memory_space<hbm>>
        %dma_wait3A_147 = arith.constant 0 : i32
        %dma_wait3A_148 = arith.constant 0 : i32
        %dma_wait3A_149 = tpu.memref_slice %dma_wait3A_146[%dma_wait3A_147, %dma_wait3A_148] : memref<10000x32xf32, #tpu.memory_space<hbm>> -> memref<10000x32xf32, #tpu.memory_space<hbm>>
        tpu.wait_indirect_dma semaphore(%arg13 : memref<!tpu.dma_semaphore, #tpu.memory_space<semaphore_mem>>) src(%dma_wait3A_149 : memref<10000x32xf32, #tpu.memory_space<hbm>>) dst(%arg10 : memref<128x32xf32, #tpu.memory_space<vmem>>)
        %dma_start3A_150 = arith.constant 0 : i32
        %dma_start3A_151 = arith.constant 0 : i32
        %dma_start3A_152 = tpu.memref_slice %arg9[%dma_start3A_150, %dma_start3A_151] : memref<2x128xi32, #tpu.memory_space<vmem>> -> memref<1x128xi32, #tpu.memory_space<vmem>>
        %dma_start3A_153 = tpu.memref_squeeze %dma_start3A_152 : memref<1x128xi32, #tpu.memory_space<vmem>> -> memref<128xi32, #tpu.memory_space<vmem>>
        %dma_start3A_154 = arith.constant 0 : i32
        %dma_start3A_155 = arith.constant 0 : i32
        %dma_start3A_156 = tpu.memref_slice %arg12[%dma_start3A_154, %dma_start3A_155] : memref<10008x32xf32, #tpu.memory_space<vmem_shared>> -> memref<10008x32xf32, #tpu.memory_space<vmem_shared>>
        tpu.enqueue_indirect_dma source(%arg10 : memref<128x32xf32, #tpu.memory_space<vmem>>) target(%dma_start3A_156 : memref<10008x32xf32, #tpu.memory_space<vmem_shared>>) offsets(%dma_start3A_153 : memref<128xi32, #tpu.memory_space<vmem>>) semaphore(%arg15 : memref<!tpu.dma_semaphore, #tpu.memory_space<semaphore_mem>>) {add = true}
        %dma_wait3A_157 = arith.constant 1 : i32
        %dma_wait3A_158 = arith.constant 0 : i32
        %dma_wait3A_159 = tpu.memref_slice %arg7[%dma_wait3A_157, %dma_wait3A_158] : memref<2x128xi32, #tpu.memory_space<vmem>> -> memref<1x128xi32, #tpu.memory_space<vmem>>
        %dma_wait3A_160 = tpu.memref_squeeze %dma_wait3A_159 : memref<1x128xi32, #tpu.memory_space<vmem>> -> memref<128xi32, #tpu.memory_space<vmem>>
        %dma_wait3A_161 = arith.constant 0 : i32
        %dma_wait3A_162 = arith.constant 0 : i32
        %dma_wait3A_163 = tpu.memref_slice %arg2[%arg0, %dma_wait3A_161, %dma_wait3A_162] : memref<2x10000x32xf32, #tpu.memory_space<hbm>> -> memref<1x10000x32xf32, #tpu.memory_space<hbm>>
        %dma_wait3A_164 = tpu.memref_squeeze %dma_wait3A_163 : memref<1x10000x32xf32, #tpu.memory_space<hbm>> -> memref<10000x32xf32, #tpu.memory_space<hbm>>
        %dma_wait3A_165 = arith.constant 0 : i32
        %dma_wait3A_166 = arith.constant 0 : i32
        %dma_wait3A_167 = tpu.memref_slice %dma_wait3A_164[%dma_wait3A_165, %dma_wait3A_166] : memref<10000x32xf32, #tpu.memory_space<hbm>> -> memref<10000x32xf32, #tpu.memory_space<hbm>>
        tpu.wait_indirect_dma semaphore(%arg14 : memref<!tpu.dma_semaphore, #tpu.memory_space<semaphore_mem>>) src(%dma_wait3A_167 : memref<10000x32xf32, #tpu.memory_space<hbm>>) dst(%arg11 : memref<128x32xf32, #tpu.memory_space<vmem>>)
        %dma_start3A_168 = arith.constant 1 : i32
        %dma_start3A_169 = arith.constant 0 : i32
        %dma_start3A_170 = tpu.memref_slice %arg9[%dma_start3A_168, %dma_start3A_169] : memref<2x128xi32, #tpu.memory_space<vmem>> -> memref<1x128xi32, #tpu.memory_space<vmem>>
        %dma_start3A_171 = tpu.memref_squeeze %dma_start3A_170 : memref<1x128xi32, #tpu.memory_space<vmem>> -> memref<128xi32, #tpu.memory_space<vmem>>
        %dma_start3A_172 = arith.constant 0 : i32
        %dma_start3A_173 = arith.constant 0 : i32
        %dma_start3A_174 = tpu.memref_slice %arg12[%dma_start3A_172, %dma_start3A_173] : memref<10008x32xf32, #tpu.memory_space<vmem_shared>> -> memref<10008x32xf32, #tpu.memory_space<vmem_shared>>
        tpu.enqueue_indirect_dma source(%arg11 : memref<128x32xf32, #tpu.memory_space<vmem>>) target(%dma_start3A_174 : memref<10008x32xf32, #tpu.memory_space<vmem_shared>>) offsets(%dma_start3A_171 : memref<128xi32, #tpu.memory_space<vmem>>) semaphore(%arg16 : memref<!tpu.dma_semaphore, #tpu.memory_space<semaphore_mem>>) {add = true}
        %dma_wait3A_175 = arith.constant 0 : i32
        %dma_wait3A_176 = arith.constant 0 : i32
        %dma_wait3A_177 = tpu.memref_slice %arg9[%dma_wait3A_175, %dma_wait3A_176] : memref<2x128xi32, #tpu.memory_space<vmem>> -> memref<1x128xi32, #tpu.memory_space<vmem>>
        %dma_wait3A_178 = tpu.memref_squeeze %dma_wait3A_177 : memref<1x128xi32, #tpu.memory_space<vmem>> -> memref<128xi32, #tpu.memory_space<vmem>>
        %dma_wait3A_179 = arith.constant 0 : i32
        %dma_wait3A_180 = arith.constant 0 : i32
        %dma_wait3A_181 = tpu.memref_slice %arg12[%dma_wait3A_179, %dma_wait3A_180] : memref<10008x32xf32, #tpu.memory_space<vmem_shared>> -> memref<10008x32xf32, #tpu.memory_space<vmem_shared>>
        tpu.wait_indirect_dma semaphore(%arg15 : memref<!tpu.dma_semaphore, #tpu.memory_space<semaphore_mem>>) src(%arg10 : memref<128x32xf32, #tpu.memory_space<vmem>>) dst(%dma_wait3A_181 : memref<10008x32xf32, #tpu.memory_space<vmem_shared>>)
        %add3A_182 = arith.constant 1 : i32
        %add3A_183 = arith.addi %scan3A_122, %add3A_182 : i32
        %lt3A_184 = arith.constant 40 : i32
        %lt3A_185 = arith.cmpi slt, %add3A_183, %lt3A_184 : i32
        %convert_element_type3A_186 = arith.extui %lt3A_185 : i1 to i32
        %cond3A_187 = arith.constant 0 : i32
        %cond3A_188 = arith.cmpi ne, %convert_element_type3A_186, %cond3A_187 : i32
        scf.if %cond3A_188 {
          %dma_wait3A_203 = arith.constant 0 : i32
          %dma_wait3A_204 = tpu.memref_slice %arg3[%mul3A_0, %dma_wait3A_203] : memref<1280x128xi32, #tpu.memory_space<hbm>> -> memref<2x128xi32, #tpu.memory_space<hbm>>
          %dma_wait3A_205 = arith.constant 0 : i32
          %dma_wait3A_206 = tpu.memref_slice %arg3[%mul3A_0, %dma_wait3A_205] : memref<1280x128xi32, #tpu.memory_space<hbm>> -> memref<2x128xi32, #tpu.memory_space<hbm>>
          tpu.wait_dma2 semaphore(%arg17 : memref<!tpu.dma_semaphore, #tpu.memory_space<semaphore_mem>>) src(%dma_wait3A_206 : memref<2x128xi32, #tpu.memory_space<hbm>>) dst(%arg6 : memref<2x128xi32, #tpu.memory_space<vmem>>)
          %dma_wait3A_207 = arith.constant 0 : i32
          %dma_wait3A_208 = tpu.memref_slice %arg4[%mul3A_0, %dma_wait3A_207] : memref<1280x128xi32, #tpu.memory_space<hbm>> -> memref<2x128xi32, #tpu.memory_space<hbm>>
          %dma_wait3A_209 = arith.constant 0 : i32
          %dma_wait3A_210 = tpu.memref_slice %arg4[%mul3A_0, %dma_wait3A_209] : memref<1280x128xi32, #tpu.memory_space<hbm>> -> memref<2x128xi32, #tpu.memory_space<hbm>>
          tpu.wait_dma2 semaphore(%arg19 : memref<!tpu.dma_semaphore, #tpu.memory_space<semaphore_mem>>) src(%dma_wait3A_210 : memref<2x128xi32, #tpu.memory_space<hbm>>) dst(%arg8 : memref<2x128xi32, #tpu.memory_space<vmem>>)
          %dma_start3A_211 = arith.constant 0 : i32
          %dma_start3A_212 = arith.constant 0 : i32
          %dma_start3A_213 = tpu.memref_slice %arg6[%dma_start3A_211, %dma_start3A_212] : memref<2x128xi32, #tpu.memory_space<vmem>> -> memref<1x128xi32, #tpu.memory_space<vmem>>
          %dma_start3A_214 = tpu.memref_squeeze %dma_start3A_213 : memref<1x128xi32, #tpu.memory_space<vmem>> -> memref<128xi32, #tpu.memory_space<vmem>>
          %dma_start3A_215 = arith.constant 0 : i32
          %dma_start3A_216 = arith.constant 0 : i32
          %dma_start3A_217 = tpu.memref_slice %arg2[%arg0, %dma_start3A_215, %dma_start3A_216] : memref<2x10000x32xf32, #tpu.memory_space<hbm>> -> memref<1x10000x32xf32, #tpu.memory_space<hbm>>
          %dma_start3A_218 = tpu.memref_squeeze %dma_start3A_217 : memref<1x10000x32xf32, #tpu.memory_space<hbm>> -> memref<10000x32xf32, #tpu.memory_space<hbm>>
          %dma_start3A_219 = arith.constant 0 : i32
          %dma_start3A_220 = arith.constant 0 : i32
          %dma_start3A_221 = tpu.memref_slice %dma_start3A_218[%dma_start3A_219, %dma_start3A_220] : memref<10000x32xf32, #tpu.memory_space<hbm>> -> memref<10000x32xf32, #tpu.memory_space<hbm>>
          tpu.enqueue_indirect_dma source(%dma_start3A_221 : memref<10000x32xf32, #tpu.memory_space<hbm>>) target(%arg10 : memref<128x32xf32, #tpu.memory_space<vmem>>) offsets(%dma_start3A_214 : memref<128xi32, #tpu.memory_space<vmem>>) semaphore(%arg13 : memref<!tpu.dma_semaphore, #tpu.memory_space<semaphore_mem>>)
        } else {
        }
        %dma_wait3A_189 = arith.constant 1 : i32
        %dma_wait3A_190 = arith.constant 0 : i32
        %dma_wait3A_191 = tpu.memref_slice %arg9[%dma_wait3A_189, %dma_wait3A_190] : memref<2x128xi32, #tpu.memory_space<vmem>> -> memref<1x128xi32, #tpu.memory_space<vmem>>
        %dma_wait3A_192 = tpu.memref_squeeze %dma_wait3A_191 : memref<1x128xi32, #tpu.memory_space<vmem>> -> memref<128xi32, #tpu.memory_space<vmem>>
        %dma_wait3A_193 = arith.constant 0 : i32
        %dma_wait3A_194 = arith.constant 0 : i32
        %dma_wait3A_195 = tpu.memref_slice %arg12[%dma_wait3A_193, %dma_wait3A_194] : memref<10008x32xf32, #tpu.memory_space<vmem_shared>> -> memref<10008x32xf32, #tpu.memory_space<vmem_shared>>
        tpu.wait_indirect_dma semaphore(%arg16 : memref<!tpu.dma_semaphore, #tpu.memory_space<semaphore_mem>>) src(%arg11 : memref<128x32xf32, #tpu.memory_space<vmem>>) dst(%dma_wait3A_195 : memref<10008x32xf32, #tpu.memory_space<vmem_shared>>)
        %add3A_196 = arith.constant 1 : i32
        %add3A_197 = arith.addi %scan3A_122, %add3A_196 : i32
        %lt3A_198 = arith.constant 40 : i32
        %lt3A_199 = arith.cmpi slt, %add3A_197, %lt3A_198 : i32
        %convert_element_type3A_200 = arith.extui %lt3A_199 : i1 to i32
        %cond3A_201 = arith.constant 0 : i32
        %cond3A_202 = arith.cmpi ne, %convert_element_type3A_200, %cond3A_201 : i32
        scf.if %cond3A_202 {
          %dma_start3A_203 = arith.constant 1 : i32
          %dma_start3A_204 = arith.constant 0 : i32
          %dma_start3A_205 = tpu.memref_slice %arg6[%dma_start3A_203, %dma_start3A_204] : memref<2x128xi32, #tpu.memory_space<vmem>> -> memref<1x128xi32, #tpu.memory_space<vmem>>
          %dma_start3A_206 = tpu.memref_squeeze %dma_start3A_205 : memref<1x128xi32, #tpu.memory_space<vmem>> -> memref<128xi32, #tpu.memory_space<vmem>>
          %dma_start3A_207 = arith.constant 0 : i32
          %dma_start3A_208 = arith.constant 0 : i32
          %dma_start3A_209 = tpu.memref_slice %arg2[%arg0, %dma_start3A_207, %dma_start3A_208] : memref<2x10000x32xf32, #tpu.memory_space<hbm>> -> memref<1x10000x32xf32, #tpu.memory_space<hbm>>
          %dma_start3A_210 = tpu.memref_squeeze %dma_start3A_209 : memref<1x10000x32xf32, #tpu.memory_space<hbm>> -> memref<10000x32xf32, #tpu.memory_space<hbm>>
          %dma_start3A_211 = arith.constant 0 : i32
          %dma_start3A_212 = arith.constant 0 : i32
          %dma_start3A_213 = tpu.memref_slice %dma_start3A_210[%dma_start3A_211, %dma_start3A_212] : memref<10000x32xf32, #tpu.memory_space<hbm>> -> memref<10000x32xf32, #tpu.memory_space<hbm>>
          tpu.enqueue_indirect_dma source(%dma_start3A_213 : memref<10000x32xf32, #tpu.memory_space<hbm>>) target(%arg11 : memref<128x32xf32, #tpu.memory_space<vmem>>) offsets(%dma_start3A_206 : memref<128xi32, #tpu.memory_space<vmem>>) semaphore(%arg14 : memref<!tpu.dma_semaphore, #tpu.memory_space<semaphore_mem>>)
        } else {
        }
      } else {
      }
    }
    %scan3A_71 = arith.constant 40 : i32
    %barrier3A_72 = arith.constant 0 : index
    tpu.barrier barrier_id(%barrier3A_72)
    %add3A_73 = arith.constant 0 : i32
    %add3A_74 = arith.addi %arg1, %add3A_73 : i32
    %mul3A_75 = arith.constant 80 : i32
    %mul3A_76 = arith.muli %add3A_74, %mul3A_75 : i32
    %mul3A_77 = arith.constant 80 : i32
    %mul3A_78 = arith.muli %add3A_74, %mul3A_77 : i32
    "tpu.region"() ({
      %run_scoped3A = tpu.sem_alloc : memref<!tpu.dma_semaphore, #tpu.memory_space<semaphore_mem>>
      %dma_start3A_122 = arith.constant 0 : i32
      %dma_start3A_123 = tpu.memref_slice %arg5[%arg0, %mul3A_78, %dma_start3A_122] : memref<2x10000x32xf32, #tpu.memory_space<hbm>> -> memref<1x80x32xf32, #tpu.memory_space<hbm>>
      %dma_start3A_124 = tpu.memref_squeeze %dma_start3A_123 : memref<1x80x32xf32, #tpu.memory_space<hbm>> -> memref<80x32xf32, #tpu.memory_space<hbm>>
      %dma_start3A_125 = arith.constant 0 : i32
      %dma_start3A_126 = tpu.memref_slice %arg12[%mul3A_76, %dma_start3A_125] : memref<10008x32xf32, #tpu.memory_space<vmem_shared>> -> memref<80x32xf32, #tpu.memory_space<vmem_shared>>
      tpu.enqueue_dma source(%dma_start3A_126 : memref<80x32xf32, #tpu.memory_space<vmem_shared>>) target(%dma_start3A_124 : memref<80x32xf32, #tpu.memory_space<hbm>>) target_semaphore(%run_scoped3A : memref<!tpu.dma_semaphore, #tpu.memory_space<semaphore_mem>>)
      %dma_wait3A = arith.constant 0 : i32
      %dma_wait3A_127 = tpu.memref_slice %arg5[%arg0, %mul3A_78, %dma_wait3A] : memref<2x10000x32xf32, #tpu.memory_space<hbm>> -> memref<1x80x32xf32, #tpu.memory_space<hbm>>
      %dma_wait3A_128 = tpu.memref_squeeze %dma_wait3A_127 : memref<1x80x32xf32, #tpu.memory_space<hbm>> -> memref<80x32xf32, #tpu.memory_space<hbm>>
      %dma_wait3A_129 = arith.constant 0 : i32
      %dma_wait3A_130 = tpu.memref_slice %arg12[%mul3A_76, %dma_wait3A_129] : memref<10008x32xf32, #tpu.memory_space<vmem_shared>> -> memref<80x32xf32, #tpu.memory_space<vmem_shared>>
      tpu.wait_dma2 semaphore(%run_scoped3A : memref<!tpu.dma_semaphore, #tpu.memory_space<semaphore_mem>>) src(%dma_wait3A_130 : memref<80x32xf32, #tpu.memory_space<vmem_shared>>) dst(%dma_wait3A_128 : memref<80x32xf32, #tpu.memory_space<hbm>>)
      tpu.yield
    }) : () -> ()
    %add3A_79 = arith.constant 16 : i32
    %add3A_80 = arith.addi %arg1, %add3A_79 : i32
    %mul3A_81 = arith.constant 80 : i32
    %mul3A_82 = arith.muli %add3A_80, %mul3A_81 : i32
    %mul3A_83 = arith.constant 80 : i32
    %mul3A_84 = arith.muli %add3A_80, %mul3A_83 : i32
    "tpu.region"() ({
      %run_scoped3A = tpu.sem_alloc : memref<!tpu.dma_semaphore, #tpu.memory_space<semaphore_mem>>
      %dma_start3A_122 = arith.constant 0 : i32
      %dma_start3A_123 = tpu.memref_slice %arg5[%arg0, %mul3A_84, %dma_start3A_122] : memref<2x10000x32xf32, #tpu.memory_space<hbm>> -> memref<1x80x32xf32, #tpu.memory_space<hbm>>
      %dma_start3A_124 = tpu.memref_squeeze %dma_start3A_123 : memref<1x80x32xf32, #tpu.memory_space<hbm>> -> memref<80x32xf32, #tpu.memory_space<hbm>>
      %dma_start3A_125 = arith.constant 0 : i32
      %dma_start3A_126 = tpu.memref_slice %arg12[%mul3A_82, %dma_start3A_125] : memref<10008x32xf32, #tpu.memory_space<vmem_shared>> -> memref<80x32xf32, #tpu.memory_space<vmem_shared>>
      tpu.enqueue_dma source(%dma_start3A_126 : memref<80x32xf32, #tpu.memory_space<vmem_shared>>) target(%dma_start3A_124 : memref<80x32xf32, #tpu.memory_space<hbm>>) target_semaphore(%run_scoped3A : memref<!tpu.dma_semaphore, #tpu.memory_space<semaphore_mem>>)
      %dma_wait3A = arith.constant 0 : i32
      %dma_wait3A_127 = tpu.memref_slice %arg5[%arg0, %mul3A_84, %dma_wait3A] : memref<2x10000x32xf32, #tpu.memory_space<hbm>> -> memref<1x80x32xf32, #tpu.memory_space<hbm>>
      %dma_wait3A_128 = tpu.memref_squeeze %dma_wait3A_127 : memref<1x80x32xf32, #tpu.memory_space<hbm>> -> memref<80x32xf32, #tpu.memory_space<hbm>>
      %dma_wait3A_129 = arith.constant 0 : i32
      %dma_wait3A_130 = tpu.memref_slice %arg12[%mul3A_82, %dma_wait3A_129] : memref<10008x32xf32, #tpu.memory_space<vmem_shared>> -> memref<80x32xf32, #tpu.memory_space<vmem_shared>>
      tpu.wait_dma2 semaphore(%run_scoped3A : memref<!tpu.dma_semaphore, #tpu.memory_space<semaphore_mem>>) src(%dma_wait3A_130 : memref<80x32xf32, #tpu.memory_space<vmem_shared>>) dst(%dma_wait3A_128 : memref<80x32xf32, #tpu.memory_space<hbm>>)
      tpu.yield
    }) : () -> ()
    %add3A_85 = arith.constant 32 : i32
    %add3A_86 = arith.addi %arg1, %add3A_85 : i32
    %mul3A_87 = arith.constant 80 : i32
    %mul3A_88 = arith.muli %add3A_86, %mul3A_87 : i32
    %mul3A_89 = arith.constant 80 : i32
    %mul3A_90 = arith.muli %add3A_86, %mul3A_89 : i32
    "tpu.region"() ({
      %run_scoped3A = tpu.sem_alloc : memref<!tpu.dma_semaphore, #tpu.memory_space<semaphore_mem>>
      %dma_start3A_122 = arith.constant 0 : i32
      %dma_start3A_123 = tpu.memref_slice %arg5[%arg0, %mul3A_90, %dma_start3A_122] : memref<2x10000x32xf32, #tpu.memory_space<hbm>> -> memref<1x80x32xf32, #tpu.memory_space<hbm>>
      %dma_start3A_124 = tpu.memref_squeeze %dma_start3A_123 : memref<1x80x32xf32, #tpu.memory_space<hbm>> -> memref<80x32xf32, #tpu.memory_space<hbm>>
      %dma_start3A_125 = arith.constant 0 : i32
      %dma_start3A_126 = tpu.memref_slice %arg12[%mul3A_88, %dma_start3A_125] : memref<10008x32xf32, #tpu.memory_space<vmem_shared>> -> memref<80x32xf32, #tpu.memory_space<vmem_shared>>
      tpu.enqueue_dma source(%dma_start3A_126 : memref<80x32xf32, #tpu.memory_space<vmem_shared>>) target(%dma_start3A_124 : memref<80x32xf32, #tpu.memory_space<hbm>>) target_semaphore(%run_scoped3A : memref<!tpu.dma_semaphore, #tpu.memory_space<semaphore_mem>>)
      %dma_wait3A = arith.constant 0 : i32
      %dma_wait3A_127 = tpu.memref_slice %arg5[%arg0, %mul3A_90, %dma_wait3A] : memref<2x10000x32xf32, #tpu.memory_space<hbm>> -> memref<1x80x32xf32, #tpu.memory_space<hbm>>
      %dma_wait3A_128 = tpu.memref_squeeze %dma_wait3A_127 : memref<1x80x32xf32, #tpu.memory_space<hbm>> -> memref<80x32xf32, #tpu.memory_space<hbm>>
      %dma_wait3A_129 = arith.constant 0 : i32
      %dma_wait3A_130 = tpu.memref_slice %arg12[%mul3A_88, %dma_wait3A_129] : memref<10008x32xf32, #tpu.memory_space<vmem_shared>> -> memref<80x32xf32, #tpu.memory_space<vmem_shared>>
      tpu.wait_dma2 semaphore(%run_scoped3A : memref<!tpu.dma_semaphore, #tpu.memory_space<semaphore_mem>>) src(%dma_wait3A_130 : memref<80x32xf32, #tpu.memory_space<vmem_shared>>) dst(%dma_wait3A_128 : memref<80x32xf32, #tpu.memory_space<hbm>>)
      tpu.yield
    }) : () -> ()
    %add3A_91 = arith.constant 48 : i32
    %add3A_92 = arith.addi %arg1, %add3A_91 : i32
    %mul3A_93 = arith.constant 80 : i32
    %mul3A_94 = arith.muli %add3A_92, %mul3A_93 : i32
    %mul3A_95 = arith.constant 80 : i32
    %mul3A_96 = arith.muli %add3A_92, %mul3A_95 : i32
    "tpu.region"() ({
      %run_scoped3A = tpu.sem_alloc : memref<!tpu.dma_semaphore, #tpu.memory_space<semaphore_mem>>
      %dma_start3A_122 = arith.constant 0 : i32
      %dma_start3A_123 = tpu.memref_slice %arg5[%arg0, %mul3A_96, %dma_start3A_122] : memref<2x10000x32xf32, #tpu.memory_space<hbm>> -> memref<1x80x32xf32, #tpu.memory_space<hbm>>
      %dma_start3A_124 = tpu.memref_squeeze %dma_start3A_123 : memref<1x80x32xf32, #tpu.memory_space<hbm>> -> memref<80x32xf32, #tpu.memory_space<hbm>>
      %dma_start3A_125 = arith.constant 0 : i32
      %dma_start3A_126 = tpu.memref_slice %arg12[%mul3A_94, %dma_start3A_125] : memref<10008x32xf32, #tpu.memory_space<vmem_shared>> -> memref<80x32xf32, #tpu.memory_space<vmem_shared>>
      tpu.enqueue_dma source(%dma_start3A_126 : memref<80x32xf32, #tpu.memory_space<vmem_shared>>) target(%dma_start3A_124 : memref<80x32xf32, #tpu.memory_space<hbm>>) target_semaphore(%run_scoped3A : memref<!tpu.dma_semaphore, #tpu.memory_space<semaphore_mem>>)
      %dma_wait3A = arith.constant 0 : i32
      %dma_wait3A_127 = tpu.memref_slice %arg5[%arg0, %mul3A_96, %dma_wait3A] : memref<2x10000x32xf32, #tpu.memory_space<hbm>> -> memref<1x80x32xf32, #tpu.memory_space<hbm>>
      %dma_wait3A_128 = tpu.memref_squeeze %dma_wait3A_127 : memref<1x80x32xf32, #tpu.memory_space<hbm>> -> memref<80x32xf32, #tpu.memory_space<hbm>>
      %dma_wait3A_129 = arith.constant 0 : i32
      %dma_wait3A_130 = tpu.memref_slice %arg12[%mul3A_94, %dma_wait3A_129] : memref<10008x32xf32, #tpu.memory_space<vmem_shared>> -> memref<80x32xf32, #tpu.memory_space<vmem_shared>>
      tpu.wait_dma2 semaphore(%run_scoped3A : memref<!tpu.dma_semaphore, #tpu.memory_space<semaphore_mem>>) src(%dma_wait3A_130 : memref<80x32xf32, #tpu.memory_space<vmem_shared>>) dst(%dma_wait3A_128 : memref<80x32xf32, #tpu.memory_space<hbm>>)
      tpu.yield
    }) : () -> ()
    %add3A_97 = arith.constant 64 : i32
    %add3A_98 = arith.addi %arg1, %add3A_97 : i32
    %mul3A_99 = arith.constant 80 : i32
    %mul3A_100 = arith.muli %add3A_98, %mul3A_99 : i32
    %mul3A_101 = arith.constant 80 : i32
    %mul3A_102 = arith.muli %add3A_98, %mul3A_101 : i32
    "tpu.region"() ({
      %run_scoped3A = tpu.sem_alloc : memref<!tpu.dma_semaphore, #tpu.memory_space<semaphore_mem>>
      %dma_start3A_122 = arith.constant 0 : i32
      %dma_start3A_123 = tpu.memref_slice %arg5[%arg0, %mul3A_102, %dma_start3A_122] : memref<2x10000x32xf32, #tpu.memory_space<hbm>> -> memref<1x80x32xf32, #tpu.memory_space<hbm>>
      %dma_start3A_124 = tpu.memref_squeeze %dma_start3A_123 : memref<1x80x32xf32, #tpu.memory_space<hbm>> -> memref<80x32xf32, #tpu.memory_space<hbm>>
      %dma_start3A_125 = arith.constant 0 : i32
      %dma_start3A_126 = tpu.memref_slice %arg12[%mul3A_100, %dma_start3A_125] : memref<10008x32xf32, #tpu.memory_space<vmem_shared>> -> memref<80x32xf32, #tpu.memory_space<vmem_shared>>
      tpu.enqueue_dma source(%dma_start3A_126 : memref<80x32xf32, #tpu.memory_space<vmem_shared>>) target(%dma_start3A_124 : memref<80x32xf32, #tpu.memory_space<hbm>>) target_semaphore(%run_scoped3A : memref<!tpu.dma_semaphore, #tpu.memory_space<semaphore_mem>>)
      %dma_wait3A = arith.constant 0 : i32
      %dma_wait3A_127 = tpu.memref_slice %arg5[%arg0, %mul3A_102, %dma_wait3A] : memref<2x10000x32xf32, #tpu.memory_space<hbm>> -> memref<1x80x32xf32, #tpu.memory_space<hbm>>
      %dma_wait3A_128 = tpu.memref_squeeze %dma_wait3A_127 : memref<1x80x32xf32, #tpu.memory_space<hbm>> -> memref<80x32xf32, #tpu.memory_space<hbm>>
      %dma_wait3A_129 = arith.constant 0 : i32
      %dma_wait3A_130 = tpu.memref_slice %arg12[%mul3A_100, %dma_wait3A_129] : memref<10008x32xf32, #tpu.memory_space<vmem_shared>> -> memref<80x32xf32, #tpu.memory_space<vmem_shared>>
      tpu.wait_dma2 semaphore(%run_scoped3A : memref<!tpu.dma_semaphore, #tpu.memory_space<semaphore_mem>>) src(%dma_wait3A_130 : memref<80x32xf32, #tpu.memory_space<vmem_shared>>) dst(%dma_wait3A_128 : memref<80x32xf32, #tpu.memory_space<hbm>>)
      tpu.yield
    }) : () -> ()
    %add3A_103 = arith.constant 80 : i32
    %add3A_104 = arith.addi %arg1, %add3A_103 : i32
    %mul3A_105 = arith.constant 80 : i32
    %mul3A_106 = arith.muli %add3A_104, %mul3A_105 : i32
    %mul3A_107 = arith.constant 80 : i32
    %mul3A_108 = arith.muli %add3A_104, %mul3A_107 : i32
    "tpu.region"() ({
      %run_scoped3A = tpu.sem_alloc : memref<!tpu.dma_semaphore, #tpu.memory_space<semaphore_mem>>
      %dma_start3A_122 = arith.constant 0 : i32
      %dma_start3A_123 = tpu.memref_slice %arg5[%arg0, %mul3A_108, %dma_start3A_122] : memref<2x10000x32xf32, #tpu.memory_space<hbm>> -> memref<1x80x32xf32, #tpu.memory_space<hbm>>
      %dma_start3A_124 = tpu.memref_squeeze %dma_start3A_123 : memref<1x80x32xf32, #tpu.memory_space<hbm>> -> memref<80x32xf32, #tpu.memory_space<hbm>>
      %dma_start3A_125 = arith.constant 0 : i32
      %dma_start3A_126 = tpu.memref_slice %arg12[%mul3A_106, %dma_start3A_125] : memref<10008x32xf32, #tpu.memory_space<vmem_shared>> -> memref<80x32xf32, #tpu.memory_space<vmem_shared>>
      tpu.enqueue_dma source(%dma_start3A_126 : memref<80x32xf32, #tpu.memory_space<vmem_shared>>) target(%dma_start3A_124 : memref<80x32xf32, #tpu.memory_space<hbm>>) target_semaphore(%run_scoped3A : memref<!tpu.dma_semaphore, #tpu.memory_space<semaphore_mem>>)
      %dma_wait3A = arith.constant 0 : i32
      %dma_wait3A_127 = tpu.memref_slice %arg5[%arg0, %mul3A_108, %dma_wait3A] : memref<2x10000x32xf32, #tpu.memory_space<hbm>> -> memref<1x80x32xf32, #tpu.memory_space<hbm>>
      %dma_wait3A_128 = tpu.memref_squeeze %dma_wait3A_127 : memref<1x80x32xf32, #tpu.memory_space<hbm>> -> memref<80x32xf32, #tpu.memory_space<hbm>>
      %dma_wait3A_129 = arith.constant 0 : i32
      %dma_wait3A_130 = tpu.memref_slice %arg12[%mul3A_106, %dma_wait3A_129] : memref<10008x32xf32, #tpu.memory_space<vmem_shared>> -> memref<80x32xf32, #tpu.memory_space<vmem_shared>>
      tpu.wait_dma2 semaphore(%run_scoped3A : memref<!tpu.dma_semaphore, #tpu.memory_space<semaphore_mem>>) src(%dma_wait3A_130 : memref<80x32xf32, #tpu.memory_space<vmem_shared>>) dst(%dma_wait3A_128 : memref<80x32xf32, #tpu.memory_space<hbm>>)
      tpu.yield
    }) : () -> ()
    %add3A_109 = arith.constant 96 : i32
    %add3A_110 = arith.addi %arg1, %add3A_109 : i32
    %mul3A_111 = arith.constant 80 : i32
    %mul3A_112 = arith.muli %add3A_110, %mul3A_111 : i32
    %mul3A_113 = arith.constant 80 : i32
    %mul3A_114 = arith.muli %add3A_110, %mul3A_113 : i32
    "tpu.region"() ({
      %run_scoped3A = tpu.sem_alloc : memref<!tpu.dma_semaphore, #tpu.memory_space<semaphore_mem>>
      %dma_start3A_122 = arith.constant 0 : i32
      %dma_start3A_123 = tpu.memref_slice %arg5[%arg0, %mul3A_114, %dma_start3A_122] : memref<2x10000x32xf32, #tpu.memory_space<hbm>> -> memref<1x80x32xf32, #tpu.memory_space<hbm>>
      %dma_start3A_124 = tpu.memref_squeeze %dma_start3A_123 : memref<1x80x32xf32, #tpu.memory_space<hbm>> -> memref<80x32xf32, #tpu.memory_space<hbm>>
      %dma_start3A_125 = arith.constant 0 : i32
      %dma_start3A_126 = tpu.memref_slice %arg12[%mul3A_112, %dma_start3A_125] : memref<10008x32xf32, #tpu.memory_space<vmem_shared>> -> memref<80x32xf32, #tpu.memory_space<vmem_shared>>
      tpu.enqueue_dma source(%dma_start3A_126 : memref<80x32xf32, #tpu.memory_space<vmem_shared>>) target(%dma_start3A_124 : memref<80x32xf32, #tpu.memory_space<hbm>>) target_semaphore(%run_scoped3A : memref<!tpu.dma_semaphore, #tpu.memory_space<semaphore_mem>>)
      %dma_wait3A = arith.constant 0 : i32
      %dma_wait3A_127 = tpu.memref_slice %arg5[%arg0, %mul3A_114, %dma_wait3A] : memref<2x10000x32xf32, #tpu.memory_space<hbm>> -> memref<1x80x32xf32, #tpu.memory_space<hbm>>
      %dma_wait3A_128 = tpu.memref_squeeze %dma_wait3A_127 : memref<1x80x32xf32, #tpu.memory_space<hbm>> -> memref<80x32xf32, #tpu.memory_space<hbm>>
      %dma_wait3A_129 = arith.constant 0 : i32
      %dma_wait3A_130 = tpu.memref_slice %arg12[%mul3A_112, %dma_wait3A_129] : memref<10008x32xf32, #tpu.memory_space<vmem_shared>> -> memref<80x32xf32, #tpu.memory_space<vmem_shared>>
      tpu.wait_dma2 semaphore(%run_scoped3A : memref<!tpu.dma_semaphore, #tpu.memory_space<semaphore_mem>>) src(%dma_wait3A_130 : memref<80x32xf32, #tpu.memory_space<vmem_shared>>) dst(%dma_wait3A_128 : memref<80x32xf32, #tpu.memory_space<hbm>>)
      tpu.yield
    }) : () -> ()
    %add3A_115 = arith.constant 112 : i32
    %add3A_116 = arith.addi %arg1, %add3A_115 : i32
    %lt3A_117 = arith.constant 125 : i32
    %lt3A_118 = arith.cmpi slt, %add3A_116, %lt3A_117 : i32
    %convert_element_type3A_119 = arith.extui %lt3A_118 : i1 to i32
    %cond3A_120 = arith.constant 0 : i32
    %cond3A_121 = arith.cmpi ne, %convert_element_type3A_119, %cond3A_120 : i32
    scf.if %cond3A_121 {
      %mul3A_122 = arith.constant 80 : i32
      %mul3A_123 = arith.muli %add3A_116, %mul3A_122 : i32
      %mul3A_124 = arith.constant 80 : i32
      %mul3A_125 = arith.muli %add3A_116, %mul3A_124 : i32
      "tpu.region"() ({
        %run_scoped3A = tpu.sem_alloc : memref<!tpu.dma_semaphore, #tpu.memory_space<semaphore_mem>>
        %dma_start3A_126 = arith.constant 0 : i32
        %dma_start3A_127 = tpu.memref_slice %arg5[%arg0, %mul3A_125, %dma_start3A_126] : memref<2x10000x32xf32, #tpu.memory_space<hbm>> -> memref<1x80x32xf32, #tpu.memory_space<hbm>>
        %dma_start3A_128 = tpu.memref_squeeze %dma_start3A_127 : memref<1x80x32xf32, #tpu.memory_space<hbm>> -> memref<80x32xf32, #tpu.memory_space<hbm>>
        %dma_start3A_129 = arith.constant 0 : i32
        %dma_start3A_130 = tpu.memref_slice %arg12[%mul3A_123, %dma_start3A_129] : memref<10008x32xf32, #tpu.memory_space<vmem_shared>> -> memref<80x32xf32, #tpu.memory_space<vmem_shared>>
        tpu.enqueue_dma source(%dma_start3A_130 : memref<80x32xf32, #tpu.memory_space<vmem_shared>>) target(%dma_start3A_128 : memref<80x32xf32, #tpu.memory_space<hbm>>) target_semaphore(%run_scoped3A : memref<!tpu.dma_semaphore, #tpu.memory_space<semaphore_mem>>)
        %dma_wait3A = arith.constant 0 : i32
        %dma_wait3A_131 = tpu.memref_slice %arg5[%arg0, %mul3A_125, %dma_wait3A] : memref<2x10000x32xf32, #tpu.memory_space<hbm>> -> memref<1x80x32xf32, #tpu.memory_space<hbm>>
        %dma_wait3A_132 = tpu.memref_squeeze %dma_wait3A_131 : memref<1x80x32xf32, #tpu.memory_space<hbm>> -> memref<80x32xf32, #tpu.memory_space<hbm>>
        %dma_wait3A_133 = arith.constant 0 : i32
        %dma_wait3A_134 = tpu.memref_slice %arg12[%mul3A_123, %dma_wait3A_133] : memref<10008x32xf32, #tpu.memory_space<vmem_shared>> -> memref<80x32xf32, #tpu.memory_space<vmem_shared>>
        tpu.wait_dma2 semaphore(%run_scoped3A : memref<!tpu.dma_semaphore, #tpu.memory_space<semaphore_mem>>) src(%dma_wait3A_134 : memref<80x32xf32, #tpu.memory_space<vmem_shared>>) dst(%dma_wait3A_132 : memref<80x32xf32, #tpu.memory_space<hbm>>)
        tpu.yield
      }) : () -> ()
    } else {
    }
    return
  }
}

module attributes {stable_mosaic.version = 14 : i64} {
  func.func @_mm_scale_body(%arg0: i32, %arg1: memref<400x256xf32, #tpu.memory_space<vmem>>, %arg2: memref<256x256xf32, #tpu.memory_space<vmem>>, %arg3: memref<2x400x16xf32, #tpu.memory_space<vmem>>, %arg4: memref<2x400x128xf32, #tpu.memory_space<vmem>>) attributes {dimension_semantics = [#tpu.dimension_semantics<arbitrary>], iteration_bounds = array<i64: 25>, scalar_prefetch = 0 : i64, scratch_operands = 0 : i64, tpu.core_type = #tpu.core_type<tc>, window_params = [{transform_indices = @transform_0, window_bounds = array<i64: 400, 256>}, {pipeline_mode = #tpu.pipeline_mode<synchronous>, transform_indices = @transform_1, window_bounds = array<i64: 256, 256>}, {transform_indices = @transform_2, window_bounds = array<i64: 2, 400, 16>}, {transform_indices = @transform_3, window_bounds = array<i64: 2, 400, 128>}]} {
    %get3A = arith.constant 0 : index
    %get3A_0 = arith.constant 0 : index
    %get3A_1 = vector.load %arg1[%get3A, %get3A_0] : memref<400x256xf32, #tpu.memory_space<vmem>>, vector<400x256xf32>
    %get3A_2 = arith.constant 0 : index
    %get3A_3 = arith.constant 0 : index
    %get3A_4 = vector.load %arg2[%get3A_2, %get3A_3] : memref<256x256xf32, #tpu.memory_space<vmem>>, vector<256x256xf32>
    %dot_general3A = arith.constant dense<0.000000e+00> : vector<400x256xf32>
    %dot_general3A_5 = tpu.matmul %get3A_1, %get3A_4, %dot_general3A {dimension_numbers = #tpu.dot_dimension_numbers<[1], [0], [0], [1], [0, 0, 1, 1], [], []>, transpose_lhs_hint = false} : vector<400x256xf32>, vector<256x256xf32>, vector<400x256xf32> -> vector<400x256xf32>
    %get3A_6 = arith.constant 0 : index
    %get3A_7 = arith.constant 0 : index
    %get3A_8 = arith.constant 0 : index
    %get3A_9 = vector.load %arg3[%get3A_6, %get3A_7, %get3A_8] : memref<2x400x16xf32, #tpu.memory_space<vmem>>, vector<2x400x16xf32>
    %slice3A = vector.extract_strided_slice %get3A_9 {offsets = [0, 0, 0], sizes = [1, 400, 1], strides = [1, 1, 1]} : vector<2x400x16xf32> to vector<1x400x1xf32>
    %squeeze3A = vector.shape_cast %slice3A : vector<1x400x1xf32> to vector<400x1xf32>
    %slice3A_10 = vector.extract_strided_slice %get3A_9 {offsets = [1, 0, 0], sizes = [1, 400, 1], strides = [1, 1, 1]} : vector<2x400x16xf32> to vector<1x400x1xf32>
    %squeeze3A_11 = vector.shape_cast %slice3A_10 : vector<1x400x1xf32> to vector<400x1xf32>
    %add3A = arith.addf %squeeze3A, %squeeze3A_11 : vector<400x1xf32>
    %add3A_12 = arith.constant 1.000000e+00 : f32
    %add3A_13 = vector.broadcast %add3A_12 : f32 to vector<400x1xf32>
    %add3A_14 = arith.addf %add3A, %add3A_13 : vector<400x1xf32>
    %rsqrt3A = math.rsqrt %add3A_14 : vector<400x1xf32>
    %mul3A = vector.broadcast %rsqrt3A : vector<400x1xf32> to vector<400x256xf32>
    %mul3A_15 = arith.mulf %dot_general3A_5, %mul3A : vector<400x256xf32>
    %slice3A_16 = vector.extract_strided_slice %mul3A_15 {offsets = [0, 0], sizes = [400, 128], strides = [1, 1]} : vector<400x256xf32> to vector<400x128xf32>
    %swap3A = arith.constant 0 : index
    %swap3A_17 = arith.constant 0 : index
    %swap3A_18 = arith.constant 0 : index
    %swap3A_19 = vector.load %arg4[%swap3A, %swap3A_17, %swap3A_18] : memref<2x400x128xf32, #tpu.memory_space<vmem>>, vector<1x400x128xf32>
    %swap3A_20 = vector.shape_cast %swap3A_19 : vector<1x400x128xf32> to vector<400x128xf32>
    %swap3A_21 = vector.shape_cast %slice3A_16 : vector<400x128xf32> to vector<1x400x128xf32>
    tpu.vector_store %arg4[%swap3A, %swap3A_17, %swap3A_18], %swap3A_21 {strides = array<i32>} : memref<2x400x128xf32, #tpu.memory_space<vmem>>, vector<1x400x128xf32>,
    %slice3A_22 = vector.extract_strided_slice %mul3A_15 {offsets = [0, 128], sizes = [400, 128], strides = [1, 1]} : vector<400x256xf32> to vector<400x128xf32>
    %swap3A_23 = arith.constant 1 : index
    %swap3A_24 = arith.constant 0 : index
    %swap3A_25 = arith.constant 0 : index
    %swap3A_26 = vector.load %arg4[%swap3A_23, %swap3A_24, %swap3A_25] : memref<2x400x128xf32, #tpu.memory_space<vmem>>, vector<1x400x128xf32>
    %swap3A_27 = vector.shape_cast %swap3A_26 : vector<1x400x128xf32> to vector<400x128xf32>
    %swap3A_28 = vector.shape_cast %slice3A_22 : vector<400x128xf32> to vector<1x400x128xf32>
    tpu.vector_store %arg4[%swap3A_23, %swap3A_24, %swap3A_25], %swap3A_28 {strides = array<i32>} : memref<2x400x128xf32, #tpu.memory_space<vmem>>, vector<1x400x128xf32>,
    return
  }
  func.func @transform_0(%arg0: i32) -> (i32, i32) {
    %c0_i32 = arith.constant 0 : i32
    %c0_i32_0 = arith.constant 0 : i32
    return %arg0, %c0_i32 : i32, i32
  }
  func.func @transform_1(%arg0: i32) -> (i32, i32) {
    %c0_i32 = arith.constant 0 : i32
    %c0_i32_0 = arith.constant 0 : i32
    %c0_i32_1 = arith.constant 0 : i32
    return %c0_i32, %c0_i32_0 : i32, i32
  }
  func.func @transform_2(%arg0: i32) -> (i32, i32, i32) {
    %c0_i32 = arith.constant 0 : i32
    %c0_i32_0 = arith.constant 0 : i32
    %c0_i32_1 = arith.constant 0 : i32
    return %c0_i32, %arg0, %c0_i32_0 : i32, i32, i32
  }
  func.func @transform_3(%arg0: i32) -> (i32, i32, i32) {
    %c0_i32 = arith.constant 0 : i32
    %c0_i32_0 = arith.constant 0 : i32
    %c0_i32_1 = arith.constant 0 : i32
    return %c0_i32, %arg0, %c0_i32_0 : i32, i32, i32
  }
}

module attributes {stable_mosaic.version = 14 : i64} {
  func.func @_layer2_body(%arg0: i32, %arg1: memref<2x400x128xf32, #tpu.memory_space<vmem>>, %arg2: memref<2x400x16xf32, #tpu.memory_space<vmem>>, %arg3: memref<1x256xf32, #tpu.memory_space<vmem>>, %arg4: memref<256x64xf32, #tpu.memory_space<vmem>>, %arg5: memref<2x400x32xf32, #tpu.memory_space<vmem>>) attributes {dimension_semantics = [#tpu.dimension_semantics<arbitrary>], iteration_bounds = array<i64: 25>, scalar_prefetch = 0 : i64, scratch_operands = 0 : i64, tpu.core_type = #tpu.core_type<tc>, window_params = [{transform_indices = @transform_0, window_bounds = array<i64: 2, 400, 128>}, {transform_indices = @transform_1, window_bounds = array<i64: 2, 400, 16>}, {pipeline_mode = #tpu.pipeline_mode<synchronous>, transform_indices = @transform_2, window_bounds = array<i64: 1, 256>}, {pipeline_mode = #tpu.pipeline_mode<synchronous>, transform_indices = @transform_3, window_bounds = array<i64: 256, 64>}, {transform_indices = @transform_4, window_bounds = array<i64: 2, 400, 32>}]} {
    %get3A = arith.constant 0 : index
    %get3A_0 = arith.constant 0 : index
    %get3A_1 = arith.constant 0 : index
    %get3A_2 = vector.load %arg2[%get3A, %get3A_0, %get3A_1] : memref<2x400x16xf32, #tpu.memory_space<vmem>>, vector<2x400x16xf32>
    %slice3A = vector.extract_strided_slice %get3A_2 {offsets = [0, 0, 0], sizes = [1, 400, 1], strides = [1, 1, 1]} : vector<2x400x16xf32> to vector<1x400x1xf32>
    %squeeze3A = vector.shape_cast %slice3A : vector<1x400x1xf32> to vector<400x1xf32>
    %slice3A_3 = vector.extract_strided_slice %get3A_2 {offsets = [1, 0, 0], sizes = [1, 400, 1], strides = [1, 1, 1]} : vector<2x400x16xf32> to vector<1x400x1xf32>
    %squeeze3A_4 = vector.shape_cast %slice3A_3 : vector<1x400x1xf32> to vector<400x1xf32>
    %add3A = arith.addf %squeeze3A, %squeeze3A_4 : vector<400x1xf32>
    %add3A_5 = arith.constant 1.000000e+00 : f32
    %add3A_6 = vector.broadcast %add3A_5 : f32 to vector<400x1xf32>
    %add3A_7 = arith.addf %add3A, %add3A_6 : vector<400x1xf32>
    %rsqrt3A = math.rsqrt %add3A_7 : vector<400x1xf32>
    %get3A_8 = arith.constant 0 : index
    %get3A_9 = arith.constant 0 : index
    %get3A_10 = arith.constant 0 : index
    %get3A_11 = vector.load %arg1[%get3A_8, %get3A_9, %get3A_10] : memref<2x400x128xf32, #tpu.memory_space<vmem>>, vector<1x400x128xf32>
    %get3A_12 = vector.shape_cast %get3A_11 : vector<1x400x128xf32> to vector<400x128xf32>
    %get3A_13 = arith.constant 1 : index
    %get3A_14 = arith.constant 0 : index
    %get3A_15 = arith.constant 0 : index
    %get3A_16 = vector.load %arg1[%get3A_13, %get3A_14, %get3A_15] : memref<2x400x128xf32, #tpu.memory_space<vmem>>, vector<1x400x128xf32>
    %get3A_17 = vector.shape_cast %get3A_16 : vector<1x400x128xf32> to vector<400x128xf32>
    %concatenate3A = tpu.concatenate %get3A_12, %get3A_17 in 1 : vector<400x128xf32>, vector<400x128xf32> -> vector<400x256xf32>
    %mul3A = vector.broadcast %rsqrt3A : vector<400x1xf32> to vector<400x256xf32>
    %mul3A_18 = arith.mulf %concatenate3A, %mul3A : vector<400x256xf32>
    %get3A_19 = arith.constant 0 : index
    %get3A_20 = arith.constant 0 : index
    %get3A_21 = vector.load %arg3[%get3A_19, %get3A_20] : memref<1x256xf32, #tpu.memory_space<vmem>>, vector<1x256xf32>
    %add3A_22 = vector.broadcast %get3A_21 : vector<1x256xf32> to vector<400x256xf32>
    %add3A_23 = arith.addf %mul3A_18, %add3A_22 : vector<400x256xf32>
    %max3A = arith.constant 0.000000e+00 : f32
    %max3A_24 = vector.broadcast %max3A : f32 to vector<400x256xf32>
    %max3A_25 = arith.maximumf %add3A_23, %max3A_24 : vector<400x256xf32>
    %get3A_26 = arith.constant 0 : index
    %get3A_27 = arith.constant 0 : index
    %get3A_28 = vector.load %arg4[%get3A_26, %get3A_27] : memref<256x64xf32, #tpu.memory_space<vmem>>, vector<256x64xf32>
    %dot_general3A = arith.constant dense<0.000000e+00> : vector<400x64xf32>
    %dot_general3A_29 = tpu.matmul %max3A_25, %get3A_28, %dot_general3A {dimension_numbers = #tpu.dot_dimension_numbers<[1], [0], [0], [1], [0, 0, 1, 1], [], []>, transpose_lhs_hint = false} : vector<400x256xf32>, vector<256x64xf32>, vector<400x64xf32> -> vector<400x64xf32>
    %mul3A_30 = vector.broadcast %rsqrt3A : vector<400x1xf32> to vector<400x64xf32>
    %mul3A_31 = arith.mulf %dot_general3A_29, %mul3A_30 : vector<400x64xf32>
    %slice3A_32 = vector.extract_strided_slice %mul3A_31 {offsets = [0, 0], sizes = [400, 32], strides = [1, 1]} : vector<400x64xf32> to vector<400x32xf32>
    %swap3A = arith.constant 0 : index
    %swap3A_33 = arith.constant 0 : index
    %swap3A_34 = arith.constant 0 : index
    %swap3A_35 = vector.load %arg5[%swap3A, %swap3A_33, %swap3A_34] : memref<2x400x32xf32, #tpu.memory_space<vmem>>, vector<1x400x32xf32>
    %swap3A_36 = vector.shape_cast %swap3A_35 : vector<1x400x32xf32> to vector<400x32xf32>
    %swap3A_37 = vector.shape_cast %slice3A_32 : vector<400x32xf32> to vector<1x400x32xf32>
    tpu.vector_store %arg5[%swap3A, %swap3A_33, %swap3A_34], %swap3A_37 {strides = array<i32>} : memref<2x400x32xf32, #tpu.memory_space<vmem>>, vector<1x400x32xf32>,
    %slice3A_38 = vector.extract_strided_slice %mul3A_31 {offsets = [0, 32], sizes = [400, 32], strides = [1, 1]} : vector<400x64xf32> to vector<400x32xf32>
    %swap3A_39 = arith.constant 1 : index
    %swap3A_40 = arith.constant 0 : index
    %swap3A_41 = arith.constant 0 : index
    %swap3A_42 = vector.load %arg5[%swap3A_39, %swap3A_40, %swap3A_41] : memref<2x400x32xf32, #tpu.memory_space<vmem>>, vector<1x400x32xf32>
    %swap3A_43 = vector.shape_cast %swap3A_42 : vector<1x400x32xf32> to vector<400x32xf32>
    %swap3A_44 = vector.shape_cast %slice3A_38 : vector<400x32xf32> to vector<1x400x32xf32>
    tpu.vector_store %arg5[%swap3A_39, %swap3A_40, %swap3A_41], %swap3A_44 {strides = array<i32>} : memref<2x400x32xf32, #tpu.memory_space<vmem>>, vector<1x400x32xf32>,
    return
  }
  func.func @transform_0(%arg0: i32) -> (i32, i32, i32) {
    %c0_i32 = arith.constant 0 : i32
    %c0_i32_0 = arith.constant 0 : i32
    %c0_i32_1 = arith.constant 0 : i32
    return %c0_i32, %arg0, %c0_i32_0 : i32, i32, i32
  }
  func.func @transform_1(%arg0: i32) -> (i32, i32, i32) {
    %c0_i32 = arith.constant 0 : i32
    %c0_i32_0 = arith.constant 0 : i32
    %c0_i32_1 = arith.constant 0 : i32
    return %c0_i32, %arg0, %c0_i32_0 : i32, i32, i32
  }
  func.func @transform_2(%arg0: i32) -> (i32, i32) {
    %c0_i32 = arith.constant 0 : i32
    %c0_i32_0 = arith.constant 0 : i32
    %c0_i32_1 = arith.constant 0 : i32
    return %c0_i32, %c0_i32_0 : i32, i32
  }
  func.func @transform_3(%arg0: i32) -> (i32, i32) {
    %c0_i32 = arith.constant 0 : i32
    %c0_i32_0 = arith.constant 0 : i32
    %c0_i32_1 = arith.constant 0 : i32
    return %c0_i32, %c0_i32_0 : i32, i32
  }
  func.func @transform_4(%arg0: i32) -> (i32, i32, i32) {
    %c0_i32 = arith.constant 0 : i32
    %c0_i32_0 = arith.constant 0 : i32
    %c0_i32_1 = arith.constant 0 : i32
    return %c0_i32, %arg0, %c0_i32_0 : i32, i32, i32
  }
}

module attributes {stable_mosaic.version = 14 : i64} {
  func.func @_out_body(%arg0: i32, %arg1: memref<2x400x32xf32, #tpu.memory_space<vmem>>, %arg2: memref<2x400x16xf32, #tpu.memory_space<vmem>>, %arg3: memref<1x64xf32, #tpu.memory_space<vmem>>, %arg4: memref<400x64xf32, #tpu.memory_space<vmem>>) attributes {dimension_semantics = [#tpu.dimension_semantics<arbitrary>], iteration_bounds = array<i64: 25>, scalar_prefetch = 0 : i64, scratch_operands = 0 : i64, tpu.core_type = #tpu.core_type<tc>, window_params = [{transform_indices = @transform_0, window_bounds = array<i64: 2, 400, 32>}, {transform_indices = @transform_1, window_bounds = array<i64: 2, 400, 16>}, {pipeline_mode = #tpu.pipeline_mode<synchronous>, transform_indices = @transform_2, window_bounds = array<i64: 1, 64>}, {transform_indices = @transform_3, window_bounds = array<i64: 400, 64>}]} {
    %get3A = arith.constant 0 : index
    %get3A_0 = arith.constant 0 : index
    %get3A_1 = arith.constant 0 : index
    %get3A_2 = vector.load %arg2[%get3A, %get3A_0, %get3A_1] : memref<2x400x16xf32, #tpu.memory_space<vmem>>, vector<2x400x16xf32>
    %slice3A = vector.extract_strided_slice %get3A_2 {offsets = [0, 0, 0], sizes = [1, 400, 1], strides = [1, 1, 1]} : vector<2x400x16xf32> to vector<1x400x1xf32>
    %squeeze3A = vector.shape_cast %slice3A : vector<1x400x1xf32> to vector<400x1xf32>
    %slice3A_3 = vector.extract_strided_slice %get3A_2 {offsets = [1, 0, 0], sizes = [1, 400, 1], strides = [1, 1, 1]} : vector<2x400x16xf32> to vector<1x400x1xf32>
    %squeeze3A_4 = vector.shape_cast %slice3A_3 : vector<1x400x1xf32> to vector<400x1xf32>
    %add3A = arith.addf %squeeze3A, %squeeze3A_4 : vector<400x1xf32>
    %add3A_5 = arith.constant 1.000000e+00 : f32
    %add3A_6 = vector.broadcast %add3A_5 : f32 to vector<400x1xf32>
    %add3A_7 = arith.addf %add3A, %add3A_6 : vector<400x1xf32>
    %rsqrt3A = math.rsqrt %add3A_7 : vector<400x1xf32>
    %get3A_8 = arith.constant 0 : index
    %get3A_9 = arith.constant 0 : index
    %get3A_10 = arith.constant 0 : index
    %get3A_11 = vector.load %arg1[%get3A_8, %get3A_9, %get3A_10] : memref<2x400x32xf32, #tpu.memory_space<vmem>>, vector<1x400x32xf32>
    %get3A_12 = vector.shape_cast %get3A_11 : vector<1x400x32xf32> to vector<400x32xf32>
    %get3A_13 = arith.constant 1 : index
    %get3A_14 = arith.constant 0 : index
    %get3A_15 = arith.constant 0 : index
    %get3A_16 = vector.load %arg1[%get3A_13, %get3A_14, %get3A_15] : memref<2x400x32xf32, #tpu.memory_space<vmem>>, vector<1x400x32xf32>
    %get3A_17 = vector.shape_cast %get3A_16 : vector<1x400x32xf32> to vector<400x32xf32>
    %concatenate3A = tpu.concatenate %get3A_12, %get3A_17 in 1 : vector<400x32xf32>, vector<400x32xf32> -> vector<400x64xf32>
    %mul3A = vector.broadcast %rsqrt3A : vector<400x1xf32> to vector<400x64xf32>
    %mul3A_18 = arith.mulf %concatenate3A, %mul3A : vector<400x64xf32>
    %get3A_19 = arith.constant 0 : index
    %get3A_20 = arith.constant 0 : index
    %get3A_21 = vector.load %arg3[%get3A_19, %get3A_20] : memref<1x64xf32, #tpu.memory_space<vmem>>, vector<1x64xf32>
    %add3A_22 = vector.broadcast %get3A_21 : vector<1x64xf32> to vector<400x64xf32>
    %add3A_23 = arith.addf %mul3A_18, %add3A_22 : vector<400x64xf32>
    %reduce_max3A = arith.constant dense<0xFF800000> : vector<400xf32>
    %reduce_max3A_24 = vector.multi_reduction <maximumf>, %add3A_23, %reduce_max3A [1] : vector<400x64xf32> to vector<400xf32>
    %broadcast_in_dim3A = vector.shape_cast %reduce_max3A_24 : vector<400xf32> to vector<400x1xf32>
    %sub3A = vector.broadcast %broadcast_in_dim3A : vector<400x1xf32> to vector<400x64xf32>
    %sub3A_25 = arith.subf %add3A_23, %sub3A : vector<400x64xf32>
    %exp3A = math.exp %sub3A_25 : vector<400x64xf32>
    %reduce_sum3A = arith.constant dense<0.000000e+00> : vector<400xf32>
    %reduce_sum3A_26 = vector.multi_reduction <add>, %exp3A, %reduce_sum3A [1] : vector<400x64xf32> to vector<400xf32>
    %broadcast_in_dim3A_27 = vector.shape_cast %reduce_sum3A_26 : vector<400xf32> to vector<400x1xf32>
    %log3A = math.log %broadcast_in_dim3A_27 : vector<400x1xf32>
    %add3A_28 = arith.addf %log3A, %broadcast_in_dim3A : vector<400x1xf32>
    %sub3A_29 = vector.broadcast %add3A_28 : vector<400x1xf32> to vector<400x64xf32>
    %sub3A_30 = arith.subf %add3A_23, %sub3A_29 : vector<400x64xf32>
    %swap3A = arith.constant 0 : index
    %swap3A_31 = arith.constant 0 : index
    %swap3A_32 = vector.load %arg4[%swap3A, %swap3A_31] : memref<400x64xf32, #tpu.memory_space<vmem>>, vector<400x64xf32>
    tpu.vector_store %arg4[%swap3A, %swap3A_31], %sub3A_30 {strides = array<i32>} : memref<400x64xf32, #tpu.memory_space<vmem>>, vector<400x64xf32>,
    return
  }
  func.func @transform_0(%arg0: i32) -> (i32, i32, i32) {
    %c0_i32 = arith.constant 0 : i32
    %c0_i32_0 = arith.constant 0 : i32
    %c0_i32_1 = arith.constant 0 : i32
    return %c0_i32, %arg0, %c0_i32_0 : i32, i32, i32
  }
  func.func @transform_1(%arg0: i32) -> (i32, i32, i32) {
    %c0_i32 = arith.constant 0 : i32
    %c0_i32_0 = arith.constant 0 : i32
    %c0_i32_1 = arith.constant 0 : i32
    return %c0_i32, %arg0, %c0_i32_0 : i32, i32, i32
  }
  func.func @transform_2(%arg0: i32) -> (i32, i32) {
    %c0_i32 = arith.constant 0 : i32
    %c0_i32_0 = arith.constant 0 : i32
    %c0_i32_1 = arith.constant 0 : i32
    return %c0_i32, %c0_i32_0 : i32, i32
  }
  func.func @transform_3(%arg0: i32) -> (i32, i32) {
    %c0_i32 = arith.constant 0 : i32
    %c0_i32_0 = arith.constant 0 : i32
    return %arg0, %c0_i32 : i32, i32
  }
}

</mosaic_0001>

<sc_bundles>
// kernel: kernel.11.cloned.1.call-start
scs
__scs_entry_jumppad:
0x0: {  	(pc) =	sbr.rel $0x88, $3  }
0x1: {  	(tag) =	ssettag $0x0;
	lr =	simm.s32 $0x1  }
0x2: {  	[smem:$0x3F9B] =	sst lr;
	_ =	strace $0xD0000000  }
0x3: {  	_ = 	snop  }
0x4: {  	_ = 	snop  }
0x5: {  	_ = 	snop  }
0x6: {  	_ = 	snop  }
0x7: {  	_ = 	snop  }
__scs_overlays_trampoline_lowered:
0x8: {  	[smem:$0x3FAA] =	sst s0  }
0x9: {  	[smem:$0x3FAB] =	sst s1  }
0xa: {  	[smem:$0x3FAC] =	sst s2  }
0xb: {  	[smem:$0x3FAD] =	sst s3  }
0xc: {  	[smem:$0x3FAE] =	sst s4  }
0xd: {  	[smem:$0x3FAF] =	sst s5  }
0xe: {  	[smem:$0x3FB0] =	sst s6  }
0xf: {  	[smem:$0x3FB1] =	sst s7  }
0x10: {  	[smem:$0x3FB2] =	sst s8  }
0x11: {  	[smem:$0x3FB3] =	sst s9;
	s0 =	simm.s32 @!p0 $0x0  }
0x12: {  	s1 =	sld [smem:$0x3F99];
	s0 =	simm.s32 @p0 $0x1  }
0x13: {  	[smem:$0x3FB4] =	sst s0;
	s0 =	simm.s32 @!p1 $0x0  }
0x14: {  	s2 =	sld [smem:$0x3F98];
	s0 =	simm.s32 @p1 $0x1  }
0x15: {  	[smem:$0x3FB5] =	sst s0;
	s0 =	simm.s32 @!p2 $0x0  }
0x16: {  	s3 =	sld [smem:$0x3FDB];
	s0 =	simm.s32 @p2 $0x1  }
0x17: {  	s4 =	simm.s32 $0x1BF5;
	[smem:$0x3FB7] =	sst s0  }
0x18: {  	s0 =	sld [smem:$0x3F9A];
	_ =	swait.ge [sflag:s4], $0x0  }
0x19: {  	s7 =	sld [smem:$0x3F9B]  }
0x1a: {  	s8 =	sadd.s32 $0xFFFFE003, lr  }
0x1b: {  	s9 =	sadd.s32 $0xFFFFFEF7, lr;
	s5 =	simm.s32 $0xFFFFFFFF;
	p2 =	slt.u32 s8, $0xFFFFF086  }
0x1c: {  	p1 =	slt.u32 s9, $0xF7A;
	s5 =	simm.s32 @!p2 $0x0  }
0x1d: {  	s5 =	simm.s32 @p1 $0x1;
	p0 =	seq.s32 s7, s2  }
0x1e: {  	s7 =	smul.u32 @!p0 $0xF7A, s2;
	p2 =	seq.s32 @!p0 s5, $0x0  }
0x1f: {  	s9 =	smul.u32 $0xF7A, s1;
	s8 =	simm.s32 @!p0 $0x1BF5;
	p2 =	por !p2, p0  }
0x20: {  	[sflag:s8] =	ssyncset.s32 @!p0 $0xFFFFF086;
	s6 =	sadd.s32 @!p0 s3, s7;
	s7 =	simm.s32 @!p0 $0x108  }
0x21: {  	s3 =	sadd.s32 s3, s9;
	s6 =	sadd.s32 @!p0 $0x88, s6;
	s7 =	simm.s32 @p2 $0x1082  }
0x22: {  	[simem:s7], [sflag:s8] =	dma.local @!p0 [hbm:s6], $0xF7A  }
0x23: {  	s9 =	sor.u32 $0xD0000000, s2;
	s6 =	simm.s32 $0x108;
	_ =	swait.ge @!p0 [sflag:s8], $0x0  }
0x24: {  	s3 =	sadd.s32 $0x88, s3;
	s6 =	simm.s32 @!p1 $0x1082;
	[sflag:s4] =	ssyncset.s32 $0xFFFFF086  }
0x25: {  	[simem:s6], [sflag:s4] =	dma.local [hbm:s3], $0xF7A  }
0x26: {  	[smem:$0x3F9B] =	sst s1;
	(tag) =	ssettag s2;
	_ =	strace s9  }
0x27: {  	s1 =	sld [smem:$0x3FAB]  }
0x28: {  	s2 =	sld [smem:$0x3FAC]  }
0x29: {  	s4 =	sld [smem:$0x3FAE]  }
0x2a: {  	p0 =	seq.s32 s5, $0x0;
	s5 =	sld [smem:$0x3FAF]  }
0x2b: {  	s6 =	sld [smem:$0x3FB0]  }
0x2c: {  	s7 =	sld [smem:$0x3FB1]  }
0x2d: {  	s3 =	simm.s32 $0x108;
	s8 =	sld [smem:$0x3FB2]  }
0x2e: {  	s3 =	simm.s32 @!p0 $0x1082;
	s9 =	sld [smem:$0x3FB3]  }
0x2f: {  	lr =	sadd.s32 s0, s3;
	s0 =	sld [smem:$0x3FAA]  }
0x30: {  	s3 =	sld [smem:$0x3FAD]  }
0x31: {  	[smem:$0x3FB6] =	sst s10  }
0x32: {  	s10 =	sld [smem:$0x3FB4];
	_ =	sdelay $0x3  }
0x33: {  	p0 =	seq.s32 s10, $0x1;
	s10 =	sld [smem:$0x3FB6];
	_ =	sdelay $0x3  }
0x34: {  	[smem:$0x3FB6] =	sst s10  }
0x35: {  	s10 =	sld [smem:$0x3FB5];
	_ =	sdelay $0x3  }
0x36: {  	p1 =	seq.s32 s10, $0x1;
	s10 =	sld [smem:$0x3FB6];
	_ =	sdelay $0x3  }
0x37: {  	[smem:$0x3FB6] =	sst s10  }
0x38: {  	s10 =	sld [smem:$0x3FB7]  }
0x39: {  	_ = 	snop;
	(pc) =	sbr.ind lr, $3  }
0x3a: {  	_ = 	snop  }
0x3b: {  	_ = 	snop  }
0x3c: {  	p2 =	seq.s32 s10, $0x1;
	s10 =	sld [smem:$0x3FB6]  }
0x3d: {  	_ =	shalt  }
0x3e: {  	_ =	shalt  }
0x3f: {  	_ =	shalt  }
0x40: {  	_ =	shalt  }
0x41: {  	_ =	shalt  }
0x42: {  	_ =	shalt  }
0x43: {  	_ =	shalt  }
0x44: {  	_ =	shalt  }
0x45: {  	_ =	shalt  }
0x46: {  	_ =	shalt  }
0x47: {  	_ =	shalt  }
0x48: {  	_ =	shalt  }
0x49: {  	_ =	shalt  }
0x4a: {  	_ =	shalt  }
0x4b: {  	_ =	shalt  }
0x4c: {  	_ =	shalt  }
0x4d: {  	_ =	shalt  }
0x4e: {  	_ =	shalt  }
0x4f: {  	_ =	shalt  }
0x50: {  	_ =	shalt  }
0x51: {  	_ =	shalt  }
0x52: {  	_ =	shalt  }
0x53: {  	_ =	shalt  }
0x54: {  	_ =	shalt  }
0x55: {  	_ =	shalt  }
0x56: {  	_ =	shalt  }
0x57: {  	_ =	shalt  }
0x58: {  	_ =	shalt  }
0x59: {  	_ =	shalt  }
0x5a: {  	_ =	shalt  }
0x5b: {  	_ =	shalt  }
0x5c: {  	_ =	shalt  }
0x5d: {  	_ =	shalt  }
0x5e: {  	_ =	shalt  }
0x5f: {  	_ =	shalt  }
0x60: {  	_ =	shalt  }
0x61: {  	_ =	shalt  }
0x62: {  	_ =	shalt  }
0x63: {  	_ =	shalt  }
0x64: {  	_ =	shalt  }
0x65: {  	_ =	shalt  }
0x66: {  	_ =	shalt  }
0x67: {  	_ =	shalt  }
0x68: {  	_ =	shalt  }
0x69: {  	_ =	shalt  }
0x6a: {  	_ =	shalt  }
0x6b: {  	_ =	shalt  }
0x6c: {  	_ =	shalt  }
0x6d: {  	_ =	shalt  }
0x6e: {  	_ =	shalt  }
0x6f: {  	_ =	shalt  }
0x70: {  	_ =	shalt  }
0x71: {  	_ =	shalt  }
0x72: {  	_ =	shalt  }
0x73: {  	_ =	shalt  }
0x74: {  	_ =	shalt  }
0x75: {  	_ =	shalt  }
0x76: {  	_ =	shalt  }
0x77: {  	_ =	shalt  }
0x78: {  	_ =	shalt  }
0x79: {  	_ =	shalt  }
0x7a: {  	_ =	shalt  }
0x7b: {  	_ =	shalt  }
0x7c: {  	_ =	shalt  }
0x7d: {  	_ =	shalt  }
0x7e: {  	_ =	shalt  }
0x7f: {  	_ =	shalt  }
0x80: {  	_ =	shalt  }
0x81: {  	_ =	shalt  }
0x82: {  	_ =	shalt  }
0x83: {  	_ =	shalt  }
0x84: {  	_ =	shalt  }
0x85: {  	_ =	shalt  }
0x86: {  	_ =	shalt  }
0x87: {  	_ =	shalt  }
.Lfunc_end0:
.L_simem_size_0:
called_computation.1_lowered:
.L_overlay_start_0:
0x88: {  	s2 =	sld [smem:$0x3FD9]  }
0x89: {  	s3 =	sld [smem:$0x3FFE];
	_ =	sdelay $0x1  }
0x8a: {  	s1 =	srdreg.scid  }
0x8b: {  	s0 =	sand.u32 $0x1, s1  }
0x8c: {  	s16 =	sshll.u32 s0, $0xA;
	s2 =	sadd.s32 s3, s2  }
0x8d: {  	s2 =	sadd.s32 s2, s16  }
0x8e: {  	[smem:$0x3FC2] =	sst s2  }
0x8f: {  	_ = 	snop  }
0x90: {  	(tm) =	ssettm $0x1  }
0x91: {  	s17 =	sld [smem:$0x3FFB];
	_ =	sdelay $0x3  }
0x92: {  	_ =	strace s17  }
0x93: {  	s2 =	sld [smem:$0x3FFC];
	_ =	sdelay $0x3  }
0x94: {  	_ =	strace s2  }
0x95: {  	s2 =	sld [smem:$0x3FFD];
	_ =	sdelay $0x3  }
0x96: {  	_ =	strace s2  }
0x97: {  	_ =	strace $0x8FFFFFFF  }
0x98: {  	s18 =	sld [smem:$0x3FDB];
	_ =	sdelay $0x1  }
0x99: {  	s19 =	simm.s32 $_scs_section_size  }
0x9a: {  	s4 =	simm.s32 $_size__tile_overlayer_lowered;
	s5 =	simm.s32 $_tile_overlayer_lowered  }
0x9b: {  	s22 =	simm.s32 $0x1BFF;
	s21 =	sshll.u32 s5, $0x1;
	s2 =	sadd.s32 s19, s18  }
0x9c: {  	s6 =	simm.s32 $0x0;
	s20 =	sshll.u32 s4, $0x1;
	s4 =	sadd.s32 s21, s2  }
0x9d: {  	[timem:s6], [sflag:s22] =	dma.local [hbm:s4], s20  }
0x9e: {  	_ =	swait.ge [sflag:s22], s20  }
0x9f: {  	s3 =	ssub.s32 $0x0, s20;
	[sflag:s22] =	ssyncset.done $0x0  }
0xa0: {  	[sflag:s22] =	ssyncadd.s32 s3;
	_ =	sdelay $0x1  }
0xa1: {  	s23 =	simm.s32 $0x1B8B  }
0xa2: {  	_ =	swait.ge [sflag:s23], $0x1  }
0xa3: {  	[sflag:s23] =	ssyncset.done $0x0  }
0xa4: {  	s25 =	simm.s32 $0x1B8E;
	s24 =	sld [smem:$0x3FFE];
	[sflag:s23] =	ssyncadd.s32 $0xFFFFFFFF  }
0xa5: {  	s26 =	simm.s32 $execute0_lowered;
	[smem:$0x3FD2] =	sst s25  }
0xa6: {  	s4 =	sshll.u32 s26, $0x1;
	_ =	strace $0x80000049;
	[dreg:$0x1] =	wrdreg $0xFFFFFFFF  }
0xa7: {  	s28 =	simm.s32 $_size_execute0_lowered;
	s2 =	sadd.s32 s2, s4;
	[dreg:$0x0] =	wrdreg $0x0  }
0xa8: {  	s4 =	sshll.u32 s28, $0x1;
	[dreg:$0x2] =	wrdreg s2  }
0xa9: {  	[dreg:$0x3] =	wrdreg s4  }
0xaa: {  	[dreg:$0x4] =	wrdreg $0xC0  }
0xab: {  	_ =	task [dreg:s6], $0x5FFFF  }
0xac: {  	[dreg:$0x1] =	wrdreg $0xFFFFFFFF  }
0xad: {  	[dreg:$0x0] =	wrdreg $0x60  }
0xae: {  	[dreg:$0x2] =	wrdreg s24  }
0xaf: {  	[dreg:$0x3] =	wrdreg $0x84000  }
0xb0: {  	[dreg:$0x4] =	wrdreg $0x9  }
0xb1: {  	_ =	task.clear_ibuf [dreg:s6], $0x5FFFF;
	_ =	strace $0x90000049  }
0xb2: {  	s29 =	simm.s32 $0x9;
	_ =	strace $0x8000004B  }
0xb3: {  	_ =	swait.ge [sflag:s29], $0x1  }
0xb4: {  	[sflag:s29] =	ssyncadd.s32 $0xFFFFFFFF  }
0xb5: {  	_ =	strace $0x9000004B  }
0xb6: {  	_ =	sfence  }
0xb7: {  	s30 =	sld [smem:$0x0];
	_ =	sdelay $0x2  }
0xb8: {  	s31 =	sshll.u32 s1, $0xD;
	s1 =	sshrl.u32 s1, $0x2  }
0xb9: {  	s3 =	sand.u32 $0x4000, s31;
	s1 =	sadd.s32 s1, s30  }
0xba: {  	s0 =	sor.u32 s3, s0;
	s1 =	sshll.u32 s1, $0x11  }
0xbb: {  	s0 =	sor.u32 s1, s0  }
0xbc: {  	s0 =	sadd.s32 $0x8F2B, s0  }
0xbd: {  	[sflag:s0] =	ssyncadd.remote.s32 $0x1  }
0xbe: {  	_ =	sfence.sel $0xFFFF  }
0xbf: {  	[dreg:$0x0] =	wrdreg $0xFFFFFFFF;
	(pc) =	sbr.abs _section_cstart, $3  }
0xc0: {  	[dreg:$0x1] =	wrdreg $0xFFFFFFFF  }
0xc1: {  	_ =	task.clear_ibuf [dreg:s6], $0x2FFFF;
	_ =	strace $0x9FFFFFFF  }
0xc2: {  	(tm) =	ssettm $0x7FFFFFFF  }
0xc3: {  	_ =	shalt  }
tec
execute0_lowered:
.L_overlay_start_1:
0x0: {  	(tag) =	ssettag $0x1  }
0x1: {  	s0 =	srdreg.scid  }
0x2: {  	s21 =	stileid.u32;
	s2 =	rddreg [dreg:$0x0]  }
0x3: {  	s0 =	sand.u32 $0x1, s0;
	s1 =	smul.u32 $0x2800, s21;
	s4 =	sadd.s32 $0x5F200, s2  }
0x4: {  	p0 =	sgt.u32 s21, $0xC;
	s3 =	smul.u32 $0x138800, s0;
	s0 =	ssub.s32 $0x2, s0  }
0x5: {  	s5 =	sshrl.u32 s0, $0x1;
	s7 =	sadd.s32 $0x28000, s1;
	s9 =	sadd.s32 $0x50000, s1  }
0x6: {  	s10 =	sadd.s32 $0x78000, s1;
	s12 =	sadd.s32 $0xA0000, s1;
	s15 =	sadd.s32 $0xC8000, s1  }
0x7: {  	s16 =	sadd.s32 $0xF0000, s1;
	s19 =	sadd.s32 $0x118000, s1;
	s6 =	sadd.s32 s1, s3  }
0x8: {  	s0 =	ssub.s32 s0, s5;
	s22 =	sadd.s32 s3, s7;
	s23 =	sadd.s32 s3, s9  }
0x9: {  	s24 =	sadd.s32 s3, s10;
	s26 =	sadd.s32 s3, s15;
	s5 =	sshrl.u32 s6, $0x3  }
0xa: {  	s28 =	sadd.s32 s3, s16;
	s11 =	sshrl.u32 s23, $0x3;
	s8 =	sadd.s32 s4, s5  }
0xb: {  	s17 =	sshrl.u32 s26, $0x3;
	s13 =	sadd.s32 s4, s11;
	[dreg:$0x3] =	wrdreg s8  }
0xc: {  	s18 =	sshrl.u32 s28, $0x3;
	s30 =	sadd.s32 s4, s17;
	[dreg:$0x5] =	wrdreg s13  }
0xd: {  	s31 =	sadd.s32 s4, s18;
	s8 =	sshrl.u32 s22, $0x3;
	[dreg:$0x8] =	wrdreg s30  }
0xe: {  	s13 =	sshrl.u32 s24, $0x3;
	[dreg:$0x9] =	wrdreg s31;
	s6 =	sadd.s32 s4, s8  }
0xf: {  	s22 =	sadd.s32 $0xAD400, s2;
	s14 =	sadd.s32 s4, s13;
	[dreg:$0x4] =	wrdreg s6  }
0x10: {  	s25 =	sadd.s32 s3, s12;
	s23 =	sadd.s32 s22, s5;
	[dreg:$0x6] =	wrdreg s14  }
0x11: {  	s29 =	sadd.s32 s3, s19;
	s24 =	sadd.s32 s22, s8;
	[dreg:$0xb] =	wrdreg s23  }
0x12: {  	s3 =	sshrl.u32 s3, $0x3;
	s26 =	sadd.s32 s22, s13;
	[dreg:$0xc] =	wrdreg s24  }
0x13: {  	s20 =	sshrl.u32 s29, $0x3;
	s29 =	sadd.s32 s22, s17;
	[dreg:$0xe] =	wrdreg s26  }
0x14: {  	s31 =	sadd.s32 $0xC000, s2;
	s30 =	sadd.s32 s22, s18;
	[dreg:$0x10] =	wrdreg s29  }
0x15: {  	s18 =	simm.s32 $0x0;
	s5 =	sshrl.u32 s1, $0x3;
	[dreg:$0x11] =	wrdreg s30  }
0x16: {  	s14 =	sshrl.u32 s25, $0x3;
	s25 =	sadd.s32 s22, s11;
	[smem:$0x7FF] =	sst s18  }
0x17: {  	s0 =	smax.u32 s0, $0x1;
	s13 =	sadd.s32 s31, s5;
	[dreg:$0xd] =	wrdreg s25  }
0x18: {  	s2 =	sadd.s32 $0x7000, s2;
	s6 =	sadd.s32 s4, s14;
	[dreg:$0x13] =	wrdreg s13  }
0x19: {  	s8 =	simm.s32 $0x4400;
	s28 =	sadd.s32 s22, s14;
	[dreg:$0x7] =	wrdreg s6  }
0x1a: {  	s11 =	smul.u32 $0x500, s21;
	s6 =	sadd.s32 s4, s3;
	[dreg:$0xf] =	wrdreg s28  }
0x1b: {  	s4 =	sadd.s32 s4, s20;
	s3 =	sadd.s32 s22, s20;
	s22 =	rddreg [dreg:$0x1]  }
0x1c: {  	s14 =	sshll.u32 s21, $0x6;
	s13 =	simm.s32 $0x3;
	[dreg:$0xa] =	wrdreg s4  }
0x1d: {  	s24 =	sor.u32 $0x1C09, s14;
	[dreg:$0x12] =	wrdreg s3;
	s4 =	sadd.s32 s2, s5  }
0x1e: {  	s14 =	simm.s32 $0x4;
	s1 =	sadd.s32 s1, s22;
	[dreg:$0x14] =	wrdreg s4  }
0x1f: {  	s17 =	sadd.s32 s7, s22;
	_ =	strace $0x8000004A;
	[dreg:$0x15] =	wrdreg s1  }
0x20: {  	s3 =	sadd.s32 s11, s31;
	s20 =	sadd.s32 s9, s22;
	[dreg:$0x16] =	wrdreg s17  }
0x21: {  	s2 =	sadd.s32 s11, s2;
	s23 =	sadd.s32 s10, s22;
	[dreg:$0x17] =	wrdreg s20  }
0x22: {  	s25 =	sadd.s32 s12, s22;
	s26 =	sadd.s32 s15, s22;
	[dreg:$0x18] =	wrdreg s23  }
0x23: {  	s28 =	sadd.s32 s16, s22;
	s29 =	sadd.s32 s19, s22;
	[dreg:$0x19] =	wrdreg s25  }
0x24: {  	s5 =	simm.s32 $0x80;
	s7 =	simm.s32 $0x400;
	[dreg:$0x1a] =	wrdreg s26  }
.Ltmp0:
0x25: {  	s9 =	simm.s32 $0x1;
	[dreg:$0x1b] =	wrdreg s28;
	(pc) =	sbr.rel .LBB2_1-.Ltmp0, $4  }
0x26: {  	s10 =	simm.s32 $0x300;
	s11 =	simm.s32 $0x2;
	[dreg:$0x1c] =	wrdreg s29  }
0x27: {  	s12 =	simm.s32 $0x380;
	s30 =	sadd.s32 $0x20, s3;
	[dreg:$0x1d] =	wrdreg s0  }
0x28: {  	s16 =	simm.s32 $0x0;
	s31 =	sadd.s32 $0x20, s2;
	[dreg:$0x1e] =	wrdreg s30  }
0x29: {  	s3 =	simm.s32 $0x9;
	s4 =	simm.s32 $0x200;
	[dreg:$0x1f] =	wrdreg s31  }
.LBB2_7:
0x2a: {  	_ =	swait.ge [sflag:s14], $0x4000  }
0x2b: {  	[sflag:s14] =	ssyncset.done $0x0  }
0x2c: {  	[sflag:s14] =	ssyncadd.s32 $0xFFFFC000  }
.LBB2_10:
0x2d: {  	[bflag:$0x0] =	sbarrier.arrive $0xFFFF  }
0x2e: {  	s0 =	rddreg [dreg:$0xb]  }
0x2f: {  	[hbm:s0], [sflag:s24] =	dma.local [spmem:s17], $0x500  }
0x30: {  	_ =	swait.ge [sflag:s3], $0x500  }
0x31: {  	[sflag:s3] =	ssyncset.done $0x0  }
0x32: {  	s19 =	rddreg [dreg:$0xc];
	[sflag:s3] =	ssyncadd.s32 $0xFFFFFB00  }
0x33: {  	[hbm:s19], [sflag:s24] =	dma.local [spmem:s20], $0x500  }
0x34: {  	_ =	swait.ge [sflag:s3], $0x500  }
0x35: {  	[sflag:s3] =	ssyncset.done $0x0  }
0x36: {  	s20 =	rddreg [dreg:$0xd];
	[sflag:s3] =	ssyncadd.s32 $0xFFFFFB00  }
0x37: {  	[hbm:s20], [sflag:s24] =	dma.local [spmem:s21], $0x500  }
0x38: {  	_ =	swait.ge [sflag:s3], $0x500  }
0x39: {  	[sflag:s3] =	ssyncset.done $0x0  }
0x3a: {  	s21 =	rddreg [dreg:$0xe];
	[sflag:s3] =	ssyncadd.s32 $0xFFFFFB00  }
0x3b: {  	[hbm:s21], [sflag:s24] =	dma.local [spmem:s23], $0x500  }
0x3c: {  	_ =	swait.ge [sflag:s3], $0x500  }
0x3d: {  	[sflag:s3] =	ssyncset.done $0x0  }
0x3e: {  	s23 =	rddreg [dreg:$0xf];
	[sflag:s3] =	ssyncadd.s32 $0xFFFFFB00  }
0x3f: {  	[hbm:s23], [sflag:s24] =	dma.local [spmem:s25], $0x500  }
0x40: {  	_ =	swait.ge [sflag:s3], $0x500  }
0x41: {  	[sflag:s3] =	ssyncset.done $0x0  }
0x42: {  	s30 =	rddreg [dreg:$0x10];
	[sflag:s3] =	ssyncadd.s32 $0xFFFFFB00  }
0x43: {  	[hbm:s30], [sflag:s24] =	dma.local [spmem:s26], $0x500  }
0x44: {  	_ =	swait.ge [sflag:s3], $0x500  }
0x45: {  	[sflag:s3] =	ssyncset.done $0x0  }
0x46: {  	s31 =	rddreg [dreg:$0x11];
	[sflag:s3] =	ssyncadd.s32 $0xFFFFFB00  }
0x47: {  	[hbm:s31], [sflag:s24] =	dma.local [spmem:s28], $0x500  }
0x48: {  	_ =	swait.ge [sflag:s3], $0x500  }
0x49: {  	[sflag:s3] =	ssyncset.done $0x0  }
0x4a: {  	s0 =	rddreg [dreg:$0x12];
	[sflag:s3] =	ssyncadd.s32 $0xFFFFFB00  }
0x4b: {  	[hbm:s0], [sflag:s24] =	dma.local @!p0 [spmem:s29], $0x500  }
0x4c: {  	s0 =	simm.s32 @!p0 $0x9  }
0x4d: {  	_ =	swait.ge @!p0 [sflag:s0], $0x500  }
0x4e: {  	s16 =	sadd.s32 $0x1, s16;
	s1 =	rddreg [dreg:$0x1d]  }
0x4f: {  	p1 =	sne.s32 s16, s1  }
.Ltmp1:
0x50: {  	_ = 	snop;
	(pc) =	sbr.rel @!p1 .LBB2_11-.Ltmp1, $3  }
0x51: {  	_ =	sdelay $0x1  }
0x52: {  	[sflag:s0] =	ssyncset.done @!p0 $0x0  }
0x53: {  	[sflag:s0] =	ssyncadd.s32 @!p0 $0xFFFFFB00  }
.LBB2_1:
0x54: {  	s0 =	rddreg [dreg:$0x15]  }
0x55: {  	s2 =	rddreg [dreg:$0x3];
	s17 =	sshrl.u32 s0, $0x3  }
0x56: {  	[spmem:s17], [sflag:s24] =	dma.local [hbm:s2], $0x500  }
0x57: {  	_ =	swait.ge [sflag:s3], $0x500  }
0x58: {  	[sflag:s3] =	ssyncset.done $0x0;
	s15 =	rddreg [dreg:$0x16]  }
0x59: {  	s19 =	rddreg [dreg:$0x4];
	[sflag:s3] =	ssyncadd.s32 $0xFFFFFB00;
	s20 =	sshrl.u32 s15, $0x3  }
0x5a: {  	[spmem:s20], [sflag:s24] =	dma.local [hbm:s19], $0x500  }
0x5b: {  	_ =	swait.ge [sflag:s3], $0x500  }
0x5c: {  	[sflag:s3] =	ssyncset.done $0x0;
	s21 =	rddreg [dreg:$0x17]  }
0x5d: {  	s23 =	rddreg [dreg:$0x5];
	[sflag:s3] =	ssyncadd.s32 $0xFFFFFB00;
	s21 =	sshrl.u32 s21, $0x3  }
0x5e: {  	[spmem:s21], [sflag:s24] =	dma.local [hbm:s23], $0x500  }
0x5f: {  	_ =	swait.ge [sflag:s3], $0x500  }
0x60: {  	[sflag:s3] =	ssyncset.done $0x0;
	s25 =	rddreg [dreg:$0x18]  }
0x61: {  	s26 =	rddreg [dreg:$0x6];
	[sflag:s3] =	ssyncadd.s32 $0xFFFFFB00;
	s23 =	sshrl.u32 s25, $0x3  }
0x62: {  	[spmem:s23], [sflag:s24] =	dma.local [hbm:s26], $0x500  }
0x63: {  	_ =	swait.ge [sflag:s3], $0x500  }
0x64: {  	[sflag:s3] =	ssyncset.done $0x0;
	s30 =	rddreg [dreg:$0x19]  }
0x65: {  	s31 =	rddreg [dreg:$0x7];
	[sflag:s3] =	ssyncadd.s32 $0xFFFFFB00;
	s25 =	sshrl.u32 s30, $0x3  }
0x66: {  	[spmem:s25], [sflag:s24] =	dma.local [hbm:s31], $0x500  }
0x67: {  	_ =	swait.ge [sflag:s3], $0x500  }
0x68: {  	[sflag:s3] =	ssyncset.done $0x0;
	s1 =	rddreg [dreg:$0x1a]  }
0x69: {  	s2 =	rddreg [dreg:$0x8];
	[sflag:s3] =	ssyncadd.s32 $0xFFFFFB00;
	s26 =	sshrl.u32 s1, $0x3  }
0x6a: {  	[spmem:s26], [sflag:s24] =	dma.local [hbm:s2], $0x500  }
0x6b: {  	_ =	swait.ge [sflag:s3], $0x500  }
0x6c: {  	[sflag:s3] =	ssyncset.done $0x0;
	s15 =	rddreg [dreg:$0x1b]  }
0x6d: {  	s19 =	rddreg [dreg:$0x9];
	[sflag:s3] =	ssyncadd.s32 $0xFFFFFB00;
	s28 =	sshrl.u32 s15, $0x3  }
0x6e: {  	[spmem:s28], [sflag:s24] =	dma.local [hbm:s19], $0x500  }
0x6f: {  	_ =	swait.ge [sflag:s3], $0x500  }
0x70: {  	[sflag:s3] =	ssyncset.done $0x0;
	s0 =	rddreg [dreg:$0x1c]  }
0x71: {  	[sflag:s3] =	ssyncadd.s32 $0xFFFFFB00;
	s29 =	sshrl.u32 @!p0 s0, $0x3;
	s0 =	rddreg [dreg:$0xa]  }
0x72: {  	[spmem:s29], [sflag:s24] =	dma.local @!p0 [hbm:s0], $0x500  }
0x73: {  	s0 =	simm.s32 @!p0 $0x9  }
0x74: {  	_ =	swait.ge @!p0 [sflag:s0], $0x500  }
0x75: {  	[sflag:s0] =	ssyncset.done @!p0 $0x0  }
0x76: {  	[sflag:s0] =	ssyncadd.s32 @!p0 $0xFFFFFB00  }
0x77: {  	[bflag:$0x0] =	sbarrier.arrive $0xFFFF  }
0x78: {  	s30 =	rddreg [dreg:$0x13]  }
0x79: {  	[tilespmem:s18], [sflag:$0x9] =	stream.linear.gather [hbm4b:s30+s18], $0x100, $0x38;
	[tilespmem:$0x1BCC0] =	vst v63  }
0x7a: {  	_ =	swait.ge [sflag:s3], $0x100  }
0x7b: {  	[sflag:s3] =	ssyncset.done $0x0  }
0x7c: {  	s31 =	rddreg [dreg:$0x14];
	[sflag:s3] =	ssyncadd.s32 $0xFFFFFF00  }
0x7d: {  	[tilespmem:s4], [sflag:$0x9] =	stream.linear.gather [hbm4b:s31+s18], $0x100, $0x38;
	[tilespmem:$0x1BCC0] =	vst v63  }
0x7e: {  	_ =	swait.ge [sflag:s3], $0x100  }
.Ltmp2:
0x7f: {  	[sflag:s3] =	ssyncset.done $0x0;
	(pc) =	sbr.rel .LBB2_2-.Ltmp2, $4  }
0x80: {  	s2 =	rddreg [dreg:$0x1f];
	[sflag:s3] =	ssyncadd.s32 $0xFFFFFF00  }
0x81: {  	[tilespmem:s7], [sflag:$0x1] =	stream.indirect.gather [hbm4b:s6+s5], $0x80, s18, s5, $0xb8;
	[tilespmem:$0x1BCC0] =	vst v63  }
0x82: {  	s19 =	simm.s32 $0x0;
	s1 =	rddreg [dreg:$0x1e]  }
0x83: {  	[tilespmem:s8], [sflag:$0x2] =	stream.indirect.gather [hbm4b:s6+s5], $0x80, s5, s5, $0xb8;
	[tilespmem:$0x1BCC0] =	vst v63  }
.LBB2_8:
0x84: {  	s31 =	simm.s32 $0x100  }
0x85: {  	[tilespmem:s31], [sflag:$0x6] =	stream.linear.gather [hbm4b:s1+s18], $0x100, $0x38;
	[tilespmem:$0x1BCC0] =	vst v63  }
0x86: {  	_ = 	snop  }
0x87: {  	[tilespmem:s10], [sflag:$0x8] =	stream.linear.gather [hbm4b:s2+s18], $0x100, $0x38;
	[tilespmem:$0x1BCC0] =	vst v63  }
0x88: {  	_ =	swait.ge [sflag:s9], $0x4000  }
0x89: {  	[sflag:s9] =	ssyncset.done $0x0  }
0x8a: {  	[sflag:s9] =	ssyncadd.s32 $0xFFFFC000  }
0x8b: {  	[spmem:s22] =	stream.indirect.scatter.add.f32 [tilespmem:s7], [sflag:$0x3], $0x80, s4, s5, $0xb8;
	[tilespmem:$0x1BCC0] =	vst v63  }
0x8c: {  	_ =	swait.ge [sflag:s11], $0x4000  }
0x8d: {  	[sflag:s11] =	ssyncset.done $0x0  }
0x8e: {  	s0 =	simm.s32 $0x280;
	[sflag:s11] =	ssyncadd.s32 $0xFFFFC000  }
0x8f: {  	[spmem:s22] =	stream.indirect.scatter.add.f32 [tilespmem:s8], [sflag:$0x4], $0x80, s0, s5, $0xb8;
	[tilespmem:$0x1BCC0] =	vst v63  }
0x90: {  	_ =	swait.ge [sflag:s13], $0x4000  }
0x91: {  	s30 =	simm.s32 $0x8;
	[sflag:s13] =	ssyncset.done $0x0  }
0x92: {  	s15 =	simm.s32 $0x6;
	s0 =	simm.s32 $0x180;
	[sflag:s13] =	ssyncadd.s32 $0xFFFFC000  }
.LBB2_9:
0x93: {  	_ =	swait.ge [sflag:s15], $0x100  }
0x94: {  	[sflag:s15] =	ssyncset.done $0x0  }
0x95: {  	[sflag:s15] =	ssyncadd.s32 $0xFFFFFF00  }
0x96: {  	_ =	swait.ge [sflag:s30], $0x100  }
0x97: {  	s19 =	sadd.s32 $0x1, s19;
	[sflag:s30] =	ssyncset.done $0x0  }
0x98: {  	p1 =	sne.s32 s19, $0x28;
	[sflag:s30] =	ssyncadd.s32 $0xFFFFFF00  }
0x99: {  	[tilespmem:s7], [sflag:$0x1] =	stream.indirect.gather [hbm4b:s6+s5], $0x80, s31, s5, $0xb8;
	[tilespmem:$0x1BCC0] =	vst v63  }
.Ltmp3:
0x9a: {  	_ = 	snop;
	(pc) =	sbr.rel @!p1 .LBB2_10-.Ltmp3, $4  }
0x9b: {  	_ =	swait.ge [sflag:s14], $0x4000  }
0x9c: {  	[sflag:s14] =	ssyncset.done $0x0  }
0x9d: {  	s1 =	sadd.s32 $0x20, s1;
	s2 =	sadd.s32 $0x20, s2;
	[sflag:s14] =	ssyncadd.s32 $0xFFFFC000  }
0x9e: {  	[tilespmem:s8], [sflag:$0x2] =	stream.indirect.gather [hbm4b:s6+s5], $0x80, s0, s5, $0xb8;
	[tilespmem:$0x1BCC0] =	vst v63  }
.LBB2_2:
0x9f: {  	p1 =	seq.s32 s19, $0x27  }
.Ltmp4:
0xa0: {  	_ = 	snop;
	(pc) =	sbr.rel @p1 .LBB2_5-.Ltmp4, $1  }
0xa1: {  	_ =	sdelay $0x3  }
0xa2: {  	s0 =	sand.u32 $0x1, s19  }
0xa3: {  	p1 =	seq.s32 s0, $0x0  }
.Ltmp5:
0xa4: {  	_ = 	snop;
	(pc) =	sbr.rel @p1 .LBB2_8-.Ltmp5, $1  }
0xa5: {  	_ =	sdelay $0x3  }
0xa6: {  	[tilespmem:s18], [sflag:$0x5] =	stream.linear.gather [hbm4b:s1+s18], $0x100, $0x38;
	[tilespmem:$0x1BCC0] =	vst v63  }
0xa7: {  	_ = 	snop  }
0xa8: {  	[tilespmem:s4], [sflag:$0x7] =	stream.linear.gather [hbm4b:s2+s18], $0x100, $0x38;
	[tilespmem:$0x1BCC0] =	vst v63  }
.LBB2_5:
0xa9: {  	_ =	swait.ge [sflag:s9], $0x4000  }
0xaa: {  	[sflag:s9] =	ssyncset.done $0x0  }
0xab: {  	s0 =	simm.s32 $0x80;
	[sflag:s9] =	ssyncadd.s32 $0xFFFFC000  }
0xac: {  	[spmem:s22] =	stream.indirect.scatter.add.f32 [tilespmem:s7], [sflag:$0x3], $0x80, s10, s0, $0xb8;
	[tilespmem:$0x1BCC0] =	vst v63  }
0xad: {  	_ =	swait.ge [sflag:s11], $0x4000  }
0xae: {  	p1 =	sne.s32 s19, $0x27;
	[sflag:s11] =	ssyncset.done $0x0  }
.Ltmp6:
0xaf: {  	[sflag:s11] =	ssyncadd.s32 $0xFFFFC000;
	(pc) =	sbr.rel @!p1 .LBB2_7-.Ltmp6, $4  }
0xb0: {  	[spmem:s22] =	stream.indirect.scatter.add.f32 [tilespmem:s8], [sflag:$0x4], $0x80, s12, s0, $0xb8;
	[tilespmem:$0x1BCC0] =	vst v63  }
0xb1: {  	_ =	swait.ge [sflag:s13], $0x4000  }
0xb2: {  	[sflag:s13] =	ssyncset.done $0x0  }
0xb3: {  	[sflag:s13] =	ssyncadd.s32 $0xFFFFC000  }
.Ltmp7:
0xb4: {  	(pc) =	sbr.rel .LBB2_9-.Ltmp7, $2  }
0xb5: {  	_ =	sdelay $0x2  }
0xb6: {  	s31 =	simm.s32 $0x0;
	s30 =	simm.s32 $0x7;
	s15 =	simm.s32 $0x5  }
.LBB2_11:
0xb7: {  	_ =	sfence.sel $0x180000  }
0xb8: {  	[bflag:$0x0] =	sbarrier.arrive $0xFFFF  }
0xb9: {  	_ =	strace $0x9000004A  }
0xba: {  	s0 =	stileid.u32;
	[bflag:$0x2] =	sbarrier.arrive $0xFFFF  }
0xbb: {  	p0 =	sne.s32 s0, $0x0;
	s0 =	rddreg [dreg:$0x2]  }
0xbc: {  	s0 =	sadd.s32 @!p0 $0x100000, s0  }
0xbd: {  	[sflag:s0] =	ssyncadd.tile.s32 @!p0 $0x1;
	_ =	shalt  }
.Lfunc_end2:
_tile_overlayer_lowered:
.L_overlay_start_2:
0xbe: {  	(tag) =	ssettag $0x2  }
0xbf: {  	s0 =	rddreg [dreg:$0x0];
	s2 =	stileid.u32  }
0xc0: {  	s1 =	rddreg [dreg:$0x1];
	p0 =	sne.s32 s2, $0x0  }
0xc1: {  	s3 =	rddreg [dreg:$0x2];
	[bflag:$0x3] =	sbarrier.arrive $0xFFFF;
	s2 =	simm.s32 @!p0 $0x1C09  }
0xc2: {  	[timem:s3], [sflag:s2] =	dma.local @!p0 [hbm:s0], s1  }
0xc3: {  	s0 =	simm.s32 @!p0 $0x9  }
0xc4: {  	_ =	swait.ge @!p0 [sflag:s0], s1  }
0xc5: {  	s1 =	ssub.s32 @!p0 $0x0, s1;
	[sflag:s0] =	ssyncset.done @!p0 $0x0  }
0xc6: {  	[sflag:s0] =	ssyncadd.s32 @!p0 s1  }
0xc7: {  	[bflag:$0x3] =	sbarrier.arrive $0xFFFF  }
0xc8: {  	_ =	shalt  }

// kernel: kernel.14.cloned.1.call-start
scs
__scs_entry_jumppad:
0x0: {  	(pc) =	sbr.rel $0x88, $3  }
0x1: {  	(tag) =	ssettag $0x0;
	lr =	simm.s32 $0x1  }
0x2: {  	[smem:$0x3F9B] =	sst lr;
	_ =	strace $0xD0000000  }
0x3: {  	_ = 	snop  }
0x4: {  	_ = 	snop  }
0x5: {  	_ = 	snop  }
0x6: {  	_ = 	snop  }
0x7: {  	_ = 	snop  }
__scs_overlays_trampoline_lowered:
0x8: {  	[smem:$0x3FAA] =	sst s0  }
0x9: {  	[smem:$0x3FAB] =	sst s1  }
0xa: {  	[smem:$0x3FAC] =	sst s2  }
0xb: {  	[smem:$0x3FAD] =	sst s3  }
0xc: {  	[smem:$0x3FAE] =	sst s4  }
0xd: {  	[smem:$0x3FAF] =	sst s5  }
0xe: {  	[smem:$0x3FB0] =	sst s6  }
0xf: {  	[smem:$0x3FB1] =	sst s7  }
0x10: {  	[smem:$0x3FB2] =	sst s8  }
0x11: {  	[smem:$0x3FB3] =	sst s9;
	s0 =	simm.s32 @!p0 $0x0  }
0x12: {  	s1 =	sld [smem:$0x3F99];
	s0 =	simm.s32 @p0 $0x1  }
0x13: {  	[smem:$0x3FB4] =	sst s0;
	s0 =	simm.s32 @!p1 $0x0  }
0x14: {  	s2 =	sld [smem:$0x3F98];
	s0 =	simm.s32 @p1 $0x1  }
0x15: {  	[smem:$0x3FB5] =	sst s0;
	s0 =	simm.s32 @!p2 $0x0  }
0x16: {  	s3 =	sld [smem:$0x3FDB];
	s0 =	simm.s32 @p2 $0x1  }
0x17: {  	s4 =	simm.s32 $0x1BF5;
	[smem:$0x3FB7] =	sst s0  }
0x18: {  	s0 =	sld [smem:$0x3F9A];
	_ =	swait.ge [sflag:s4], $0x0  }
0x19: {  	s7 =	sld [smem:$0x3F9B]  }
0x1a: {  	s8 =	sadd.s32 $0xFFFFE003, lr  }
0x1b: {  	s9 =	sadd.s32 $0xFFFFFEF7, lr;
	s5 =	simm.s32 $0xFFFFFFFF;
	p2 =	slt.u32 s8, $0xFFFFF086  }
0x1c: {  	p1 =	slt.u32 s9, $0xF7A;
	s5 =	simm.s32 @!p2 $0x0  }
0x1d: {  	s5 =	simm.s32 @p1 $0x1;
	p0 =	seq.s32 s7, s2  }
0x1e: {  	s7 =	smul.u32 @!p0 $0xF7A, s2;
	p2 =	seq.s32 @!p0 s5, $0x0  }
0x1f: {  	s9 =	smul.u32 $0xF7A, s1;
	s8 =	simm.s32 @!p0 $0x1BF5;
	p2 =	por !p2, p0  }
0x20: {  	[sflag:s8] =	ssyncset.s32 @!p0 $0xFFFFF086;
	s6 =	sadd.s32 @!p0 s3, s7;
	s7 =	simm.s32 @!p0 $0x108  }
0x21: {  	s3 =	sadd.s32 s3, s9;
	s6 =	sadd.s32 @!p0 $0x88, s6;
	s7 =	simm.s32 @p2 $0x1082  }
0x22: {  	[simem:s7], [sflag:s8] =	dma.local @!p0 [hbm:s6], $0xF7A  }
0x23: {  	s9 =	sor.u32 $0xD0000000, s2;
	s6 =	simm.s32 $0x108;
	_ =	swait.ge @!p0 [sflag:s8], $0x0  }
0x24: {  	s3 =	sadd.s32 $0x88, s3;
	s6 =	simm.s32 @!p1 $0x1082;
	[sflag:s4] =	ssyncset.s32 $0xFFFFF086  }
0x25: {  	[simem:s6], [sflag:s4] =	dma.local [hbm:s3], $0xF7A  }
0x26: {  	[smem:$0x3F9B] =	sst s1;
	(tag) =	ssettag s2;
	_ =	strace s9  }
0x27: {  	s1 =	sld [smem:$0x3FAB]  }
0x28: {  	s2 =	sld [smem:$0x3FAC]  }
0x29: {  	s4 =	sld [smem:$0x3FAE]  }
0x2a: {  	p0 =	seq.s32 s5, $0x0;
	s5 =	sld [smem:$0x3FAF]  }
0x2b: {  	s6 =	sld [smem:$0x3FB0]  }
0x2c: {  	s7 =	sld [smem:$0x3FB1]  }
0x2d: {  	s3 =	simm.s32 $0x108;
	s8 =	sld [smem:$0x3FB2]  }
0x2e: {  	s3 =	simm.s32 @!p0 $0x1082;
	s9 =	sld [smem:$0x3FB3]  }
0x2f: {  	lr =	sadd.s32 s0, s3;
	s0 =	sld [smem:$0x3FAA]  }
0x30: {  	s3 =	sld [smem:$0x3FAD]  }
0x31: {  	[smem:$0x3FB6] =	sst s10  }
0x32: {  	s10 =	sld [smem:$0x3FB4];
	_ =	sdelay $0x3  }
0x33: {  	p0 =	seq.s32 s10, $0x1;
	s10 =	sld [smem:$0x3FB6];
	_ =	sdelay $0x3  }
0x34: {  	[smem:$0x3FB6] =	sst s10  }
0x35: {  	s10 =	sld [smem:$0x3FB5];
	_ =	sdelay $0x3  }
0x36: {  	p1 =	seq.s32 s10, $0x1;
	s10 =	sld [smem:$0x3FB6];
	_ =	sdelay $0x3  }
0x37: {  	[smem:$0x3FB6] =	sst s10  }
0x38: {  	s10 =	sld [smem:$0x3FB7]  }
0x39: {  	_ = 	snop;
	(pc) =	sbr.ind lr, $3  }
0x3a: {  	_ = 	snop  }
0x3b: {  	_ = 	snop  }
0x3c: {  	p2 =	seq.s32 s10, $0x1;
	s10 =	sld [smem:$0x3FB6]  }
0x3d: {  	_ =	shalt  }
0x3e: {  	_ =	shalt  }
0x3f: {  	_ =	shalt  }
0x40: {  	_ =	shalt  }
0x41: {  	_ =	shalt  }
0x42: {  	_ =	shalt  }
0x43: {  	_ =	shalt  }
0x44: {  	_ =	shalt  }
0x45: {  	_ =	shalt  }
0x46: {  	_ =	shalt  }
0x47: {  	_ =	shalt  }
0x48: {  	_ =	shalt  }
0x49: {  	_ =	shalt  }
0x4a: {  	_ =	shalt  }
0x4b: {  	_ =	shalt  }
0x4c: {  	_ =	shalt  }
0x4d: {  	_ =	shalt  }
0x4e: {  	_ =	shalt  }
0x4f: {  	_ =	shalt  }
0x50: {  	_ =	shalt  }
0x51: {  	_ =	shalt  }
0x52: {  	_ =	shalt  }
0x53: {  	_ =	shalt  }
0x54: {  	_ =	shalt  }
0x55: {  	_ =	shalt  }
0x56: {  	_ =	shalt  }
0x57: {  	_ =	shalt  }
0x58: {  	_ =	shalt  }
0x59: {  	_ =	shalt  }
0x5a: {  	_ =	shalt  }
0x5b: {  	_ =	shalt  }
0x5c: {  	_ =	shalt  }
0x5d: {  	_ =	shalt  }
0x5e: {  	_ =	shalt  }
0x5f: {  	_ =	shalt  }
0x60: {  	_ =	shalt  }
0x61: {  	_ =	shalt  }
0x62: {  	_ =	shalt  }
0x63: {  	_ =	shalt  }
0x64: {  	_ =	shalt  }
0x65: {  	_ =	shalt  }
0x66: {  	_ =	shalt  }
0x67: {  	_ =	shalt  }
0x68: {  	_ =	shalt  }
0x69: {  	_ =	shalt  }
0x6a: {  	_ =	shalt  }
0x6b: {  	_ =	shalt  }
0x6c: {  	_ =	shalt  }
0x6d: {  	_ =	shalt  }
0x6e: {  	_ =	shalt  }
0x6f: {  	_ =	shalt  }
0x70: {  	_ =	shalt  }
0x71: {  	_ =	shalt  }
0x72: {  	_ =	shalt  }
0x73: {  	_ =	shalt  }
0x74: {  	_ =	shalt  }
0x75: {  	_ =	shalt  }
0x76: {  	_ =	shalt  }
0x77: {  	_ =	shalt  }
0x78: {  	_ =	shalt  }
0x79: {  	_ =	shalt  }
0x7a: {  	_ =	shalt  }
0x7b: {  	_ =	shalt  }
0x7c: {  	_ =	shalt  }
0x7d: {  	_ =	shalt  }
0x7e: {  	_ =	shalt  }
0x7f: {  	_ =	shalt  }
0x80: {  	_ =	shalt  }
0x81: {  	_ =	shalt  }
0x82: {  	_ =	shalt  }
0x83: {  	_ =	shalt  }
0x84: {  	_ =	shalt  }
0x85: {  	_ =	shalt  }
0x86: {  	_ =	shalt  }
0x87: {  	_ =	shalt  }
.Lfunc_end0:
.L_simem_size_0:
called_computation.2_lowered:
.L_overlay_start_0:
0x88: {  	s2 =	sld [smem:$0x3FD9]  }
0x89: {  	s3 =	sld [smem:$0x3FFE];
	_ =	sdelay $0x1  }
0x8a: {  	s1 =	srdreg.scid  }
0x8b: {  	s0 =	sand.u32 $0x1, s1  }
0x8c: {  	s17 =	sshll.u32 s0, $0xA;
	s2 =	sadd.s32 s3, s2  }
0x8d: {  	s2 =	sadd.s32 s2, s17  }
0x8e: {  	[smem:$0x3FC2] =	sst s2  }
0x8f: {  	_ = 	snop  }
0x90: {  	s2 =	sld [smem:$0x3FD0];
	(tm) =	ssettm $0x1  }
0x91: {  	s18 =	sld [smem:$0x3FFB];
	_ =	sdelay $0x3  }
0x92: {  	_ =	strace s18  }
0x93: {  	s3 =	sld [smem:$0x3FFC];
	_ =	sdelay $0x3  }
0x94: {  	_ =	strace s3  }
0x95: {  	s3 =	sld [smem:$0x3FFD];
	_ =	sdelay $0x3  }
0x96: {  	_ =	strace s3  }
0x97: {  	_ =	strace $0x8FFFFFFF  }
0x98: {  	s19 =	sld [smem:$0x3FDB];
	_ =	sdelay $0x1  }
0x99: {  	s4 =	simm.s32 $_scs_section_size  }
0x9a: {  	s5 =	simm.s32 $_size__tile_overlayer_lowered;
	s6 =	simm.s32 $_tile_overlayer_lowered  }
0x9b: {  	s22 =	simm.s32 $0x1BFF;
	s21 =	sshll.u32 s6, $0x1;
	s3 =	sadd.s32 s4, s19  }
0x9c: {  	s7 =	simm.s32 $0x0;
	s20 =	sshll.u32 s5, $0x1;
	s5 =	sadd.s32 s21, s3  }
0x9d: {  	[timem:s7], [sflag:s22] =	dma.local [hbm:s5], s20  }
0x9e: {  	_ =	swait.ge [sflag:s22], s20  }
0x9f: {  	s4 =	ssub.s32 $0x0, s20;
	[sflag:s22] =	ssyncset.done $0x0  }
0xa0: {  	[sflag:s22] =	ssyncadd.s32 s4;
	_ =	sdelay $0x1  }
0xa1: {  	s23 =	simm.s32 $0x1B8B  }
0xa2: {  	_ =	swait.ge [sflag:s23], $0x1  }
0xa3: {  	[sflag:s23] =	ssyncset.done $0x0  }
0xa4: {  	s25 =	simm.s32 $0x1B8E;
	s24 =	sld [smem:$0x3FFE];
	[sflag:s23] =	ssyncadd.s32 $0xFFFFFFFF  }
0xa5: {  	s26 =	simm.s32 $execute0_lowered;
	[smem:$0x3FD2] =	sst s25  }
0xa6: {  	s5 =	sshll.u32 s26, $0x1;
	_ =	strace $0x8000004C;
	[dreg:$0x1] =	wrdreg $0xFFFFFFFF  }
0xa7: {  	s28 =	simm.s32 $_size_execute0_lowered;
	s3 =	sadd.s32 s3, s5;
	[dreg:$0x0] =	wrdreg $0x0  }
0xa8: {  	s5 =	sshll.u32 s28, $0x1;
	[dreg:$0x2] =	wrdreg s3  }
0xa9: {  	[dreg:$0x3] =	wrdreg s5  }
0xaa: {  	[dreg:$0x4] =	wrdreg $0xC0  }
0xab: {  	_ =	task [dreg:s7], $0x5FFFF  }
0xac: {  	[dreg:$0x1] =	wrdreg $0xFFFFFFFF  }
0xad: {  	[dreg:$0x0] =	wrdreg $0x60  }
0xae: {  	[dreg:$0x2] =	wrdreg s2  }
0xaf: {  	[dreg:$0x3] =	wrdreg s24  }
0xb0: {  	[dreg:$0x4] =	wrdreg $0x24000  }
0xb1: {  	[dreg:$0x5] =	wrdreg $0x9  }
0xb2: {  	_ =	task.clear_ibuf [dreg:s7], $0x6FFFF;
	_ =	strace $0x9000004C  }
0xb3: {  	s29 =	simm.s32 $0x9;
	_ =	strace $0x8000004E  }
0xb4: {  	_ =	swait.ge [sflag:s29], $0x1  }
0xb5: {  	[sflag:s29] =	ssyncadd.s32 $0xFFFFFFFF  }
0xb6: {  	_ =	strace $0x9000004E  }
0xb7: {  	_ =	sfence  }
0xb8: {  	s30 =	sld [smem:$0x0];
	_ =	sdelay $0x2  }
0xb9: {  	s31 =	sshll.u32 s1, $0xD;
	s1 =	sshrl.u32 s1, $0x2  }
0xba: {  	s3 =	sand.u32 $0x4000, s31;
	s1 =	sadd.s32 s1, s30  }
0xbb: {  	s0 =	sor.u32 s3, s0;
	s1 =	sshll.u32 s1, $0x11  }
0xbc: {  	s0 =	sor.u32 s1, s0  }
0xbd: {  	s0 =	sadd.s32 $0x8F2B, s0  }
0xbe: {  	[sflag:s0] =	ssyncadd.remote.s32 $0x1  }
0xbf: {  	_ =	sfence.sel $0xFFFF  }
0xc0: {  	[dreg:$0x0] =	wrdreg $0xFFFFFFFF;
	(pc) =	sbr.abs _section_cstart, $3  }
0xc1: {  	[dreg:$0x1] =	wrdreg $0xFFFFFFFF  }
0xc2: {  	_ =	task.clear_ibuf [dreg:s7], $0x2FFFF;
	_ =	strace $0x9FFFFFFF  }
0xc3: {  	(tm) =	ssettm $0x7FFFFFFF  }
tec
execute0_lowered:
.L_overlay_start_1:
0x0: {  	(tag) =	ssettag $0x1  }
0x1: {  	s0 =	rddreg [dreg:$0x0]  }
0x2: {  	s3 =	rddreg [dreg:$0x1];
	s23 =	stileid.u32  }
0x3: {  	s2 =	srdreg.scid;
	s4 =	smul.u32 $0x500, s23  }
0x4: {  	s1 =	simm.s32 $0x0;
	s5 =	sand.u32 $0x1, s2;
	s7 =	smul.u32 $0xA00, s23  }
0x5: {  	[smem:$0x7FF] =	sst s1;
	s6 =	ssub.s32 $0x2, s5;
	s5 =	smul.u32 $0x4E200, s5  }
0x6: {  	s2 =	sadd.s32 s4, s3;
	s24 =	sshrl.u32 s6, $0x1;
	s3 =	sadd.s32 $0x5F200, s3  }
0x7: {  	s10 =	sadd.s32 $0x14000, s7;
	s13 =	sadd.s32 $0x28000, s7;
	s16 =	sadd.s32 $0x32000, s7  }
0x8: {  	s19 =	sadd.s32 $0x3C000, s7;
	s4 =	ssub.s32 s6, s24;
	s8 =	sadd.s32 s7, s5  }
0x9: {  	s11 =	sadd.s32 s5, s10;
	s15 =	sadd.s32 s5, s13;
	s17 =	sadd.s32 s5, s16  }
0xa: {  	s18 =	sadd.s32 s5, s19;
	s8 =	sshrl.u32 s8, $0x3;
	s11 =	sshrl.u32 s11, $0x3  }
0xb: {  	s22 =	sshrl.u32 s18, $0x3;
	s18 =	rddreg [dreg:$0x2];
	s12 =	sadd.s32 s0, s8  }
0xc: {  	s15 =	sshrl.u32 s15, $0x3;
	s26 =	sadd.s32 s0, s11;
	[dreg:$0x4] =	wrdreg s12  }
0xd: {  	s17 =	sshrl.u32 s17, $0x3;
	s29 =	sadd.s32 s0, s15;
	[dreg:$0x6] =	wrdreg s26  }
0xe: {  	s6 =	sadd.s32 $0xA000, s7;
	s30 =	sadd.s32 s0, s17;
	[dreg:$0x8] =	wrdreg s29  }
0xf: {  	s9 =	sadd.s32 s5, s6;
	s31 =	sadd.s32 s0, s22;
	[dreg:$0x9] =	wrdreg s30  }
0x10: {  	s9 =	sshrl.u32 s9, $0x3;
	s24 =	sadd.s32 s3, s8;
	[dreg:$0xa] =	wrdreg s31  }
0x11: {  	s20 =	sadd.s32 $0x46000, s7;
	s25 =	sadd.s32 s0, s9;
	[dreg:$0xc] =	wrdreg s24  }
0x12: {  	s21 =	sadd.s32 s5, s20;
	s26 =	sadd.s32 s3, s11;
	[dreg:$0x5] =	wrdreg s25  }
0x13: {  	s21 =	sshrl.u32 s21, $0x3;
	s29 =	sadd.s32 s3, s15;
	[dreg:$0xe] =	wrdreg s26  }
0x14: {  	s12 =	sadd.s32 $0x1E000, s7;
	s30 =	sadd.s32 s3, s17;
	[dreg:$0x10] =	wrdreg s29  }
0x15: {  	s31 =	sadd.s32 s3, s22;
	s14 =	sadd.s32 s5, s12;
	[dreg:$0x11] =	wrdreg s30  }
0x16: {  	s25 =	sadd.s32 s3, s9;
	[dreg:$0x12] =	wrdreg s31;
	s14 =	sshrl.u32 s14, $0x3  }
0x17: {  	s5 =	sshrl.u32 s5, $0x3;
	[dreg:$0xd] =	wrdreg s25;
	s28 =	sadd.s32 s0, s14  }
0x18: {  	s5 =	sadd.s32 s0, s5;
	s0 =	sadd.s32 s0, s21;
	[dreg:$0x7] =	wrdreg s28  }
0x19: {  	[dreg:$0xb] =	wrdreg s0;
	s28 =	sadd.s32 s3, s14  }
0x1a: {  	s3 =	sadd.s32 s3, s21;
	[dreg:$0xf] =	wrdreg s28  }
0x1b: {  	s8 =	sadd.s32 s7, s18;
	[dreg:$0x13] =	wrdreg s3  }
0x1c: {  	s11 =	sadd.s32 s6, s18;
	_ =	strace $0x8000004D;
	[dreg:$0x14] =	wrdreg s8  }
0x1d: {  	p0 =	sgt.u32 s23, $0xC;
	s14 =	sadd.s32 s10, s18;
	[dreg:$0x15] =	wrdreg s11  }
0x1e: {  	s17 =	sadd.s32 s13, s18;
	s15 =	sadd.s32 s12, s18;
	[dreg:$0x16] =	wrdreg s14  }
0x1f: {  	s24 =	sadd.s32 s19, s18;
	s6 =	simm.s32 $0x200;
	[dreg:$0x17] =	wrdreg s15  }
0x20: {  	s7 =	simm.s32 $0x80;
	s21 =	sadd.s32 s16, s18;
	[dreg:$0x18] =	wrdreg s17  }
0x21: {  	s13 =	simm.s32 $0x380;
	s19 =	simm.s32 $0x0;
	[dreg:$0x19] =	wrdreg s21  }
0x22: {  	s9 =	sshll.u32 s23, $0x6;
	s25 =	sadd.s32 s20, s18;
	[dreg:$0x1a] =	wrdreg s24  }
0x23: {  	s26 =	smax.u32 s4, $0x1;
	s29 =	sadd.s32 $0x7000, s2;
	[dreg:$0x1b] =	wrdreg s25  }
0x24: {  	s30 =	sadd.s32 $0xC020, s2;
	s28 =	sadd.s32 $0xC000, s2;
	[dreg:$0x1c] =	wrdreg s26  }
.Ltmp0:
0x25: {  	s31 =	sadd.s32 $0x7020, s2;
	[dreg:$0x1d] =	wrdreg s28;
	(pc) =	sbr.rel .LBB2_1-.Ltmp0, $4  }
0x26: {  	s4 =	simm.s32 $0x9;
	s12 =	simm.s32 $0x2;
	[dreg:$0x1e] =	wrdreg s29  }
0x27: {  	s22 =	sor.u32 $0x1C09, s9;
	s9 =	simm.s32 $0x1400;
	[dreg:$0x1f] =	wrdreg s30  }
0x28: {  	s10 =	simm.s32 $0x1;
	s16 =	simm.s32 $0x4;
	[smem:$0x7FD] =	sst s31  }
0x29: {  	s8 =	simm.s32 $0x400;
	s11 =	simm.s32 $0x300;
	s15 =	simm.s32 $0x3  }
.LBB2_7:
0x2a: {  	_ =	swait.ge [sflag:s16], $0x1000  }
0x2b: {  	[sflag:s16] =	ssyncset.done $0x0  }
0x2c: {  	[sflag:s16] =	ssyncadd.s32 $0xFFFFF000  }
.LBB2_10:
0x2d: {  	[bflag:$0x0] =	sbarrier.arrive $0xFFFF  }
0x2e: {  	s0 =	rddreg [dreg:$0xc]  }
0x2f: {  	[hbm:s0], [sflag:s22] =	dma.local [spmem:s20], $0x140  }
0x30: {  	_ =	swait.ge [sflag:s4], $0x140  }
0x31: {  	[sflag:s4] =	ssyncset.done $0x0  }
0x32: {  	s20 =	rddreg [dreg:$0xd];
	[sflag:s4] =	ssyncadd.s32 $0xFFFFFEC0  }
0x33: {  	[hbm:s20], [sflag:s22] =	dma.local [spmem:s21], $0x140  }
0x34: {  	_ =	swait.ge [sflag:s4], $0x140  }
0x35: {  	[sflag:s4] =	ssyncset.done $0x0  }
0x36: {  	s21 =	rddreg [dreg:$0xe];
	[sflag:s4] =	ssyncadd.s32 $0xFFFFFEC0  }
0x37: {  	[hbm:s21], [sflag:s22] =	dma.local [spmem:s23], $0x140  }
0x38: {  	_ =	swait.ge [sflag:s4], $0x140  }
0x39: {  	[sflag:s4] =	ssyncset.done $0x0  }
0x3a: {  	s23 =	rddreg [dreg:$0xf];
	[sflag:s4] =	ssyncadd.s32 $0xFFFFFEC0  }
0x3b: {  	[hbm:s23], [sflag:s22] =	dma.local [spmem:s24], $0x140  }
0x3c: {  	_ =	swait.ge [sflag:s4], $0x140  }
0x3d: {  	[sflag:s4] =	ssyncset.done $0x0  }
0x3e: {  	s24 =	rddreg [dreg:$0x10];
	[sflag:s4] =	ssyncadd.s32 $0xFFFFFEC0  }
0x3f: {  	[hbm:s24], [sflag:s22] =	dma.local [spmem:s25], $0x140  }
0x40: {  	_ =	swait.ge [sflag:s4], $0x140  }
0x41: {  	[sflag:s4] =	ssyncset.done $0x0  }
0x42: {  	s30 =	rddreg [dreg:$0x11];
	[sflag:s4] =	ssyncadd.s32 $0xFFFFFEC0  }
0x43: {  	[hbm:s30], [sflag:s22] =	dma.local [spmem:s26], $0x140  }
0x44: {  	_ =	swait.ge [sflag:s4], $0x140  }
0x45: {  	[sflag:s4] =	ssyncset.done $0x0  }
0x46: {  	s31 =	rddreg [dreg:$0x12];
	[sflag:s4] =	ssyncadd.s32 $0xFFFFFEC0  }
0x47: {  	[hbm:s31], [sflag:s22] =	dma.local [spmem:s28], $0x140  }
0x48: {  	_ =	swait.ge [sflag:s4], $0x140  }
0x49: {  	[sflag:s4] =	ssyncset.done $0x0  }
0x4a: {  	s0 =	rddreg [dreg:$0x13];
	[sflag:s4] =	ssyncadd.s32 $0xFFFFFEC0  }
0x4b: {  	[hbm:s0], [sflag:s22] =	dma.local @!p0 [spmem:s29], $0x140  }
0x4c: {  	s0 =	simm.s32 @!p0 $0x9  }
0x4d: {  	_ =	swait.ge @!p0 [sflag:s0], $0x140  }
0x4e: {  	s19 =	sadd.s32 $0x1, s19;
	s2 =	rddreg [dreg:$0x1c]  }
0x4f: {  	p1 =	sne.s32 s19, s2  }
.Ltmp1:
0x50: {  	_ = 	snop;
	(pc) =	sbr.rel @!p1 .LBB2_11-.Ltmp1, $3  }
0x51: {  	_ =	sdelay $0x1  }
0x52: {  	[sflag:s0] =	ssyncset.done @!p0 $0x0  }
0x53: {  	[sflag:s0] =	ssyncadd.s32 @!p0 $0xFFFFFEC0  }
.LBB2_1:
0x54: {  	s0 =	rddreg [dreg:$0x14]  }
0x55: {  	s3 =	rddreg [dreg:$0x4];
	s20 =	sshrl.u32 s0, $0x3  }
0x56: {  	[spmem:s20], [sflag:s22] =	dma.local [hbm:s3], $0x140  }
0x57: {  	_ =	swait.ge [sflag:s4], $0x140  }
0x58: {  	[sflag:s4] =	ssyncset.done $0x0;
	s14 =	rddreg [dreg:$0x15]  }
0x59: {  	s17 =	rddreg [dreg:$0x5];
	[sflag:s4] =	ssyncadd.s32 $0xFFFFFEC0;
	s21 =	sshrl.u32 s14, $0x3  }
0x5a: {  	[spmem:s21], [sflag:s22] =	dma.local [hbm:s17], $0x140  }
0x5b: {  	_ =	swait.ge [sflag:s4], $0x140  }
0x5c: {  	[sflag:s4] =	ssyncset.done $0x0;
	s23 =	rddreg [dreg:$0x16]  }
0x5d: {  	s24 =	rddreg [dreg:$0x6];
	[sflag:s4] =	ssyncadd.s32 $0xFFFFFEC0;
	s23 =	sshrl.u32 s23, $0x3  }
0x5e: {  	[spmem:s23], [sflag:s22] =	dma.local [hbm:s24], $0x140  }
0x5f: {  	_ =	swait.ge [sflag:s4], $0x140  }
0x60: {  	[sflag:s4] =	ssyncset.done $0x0;
	s25 =	rddreg [dreg:$0x17]  }
0x61: {  	s26 =	rddreg [dreg:$0x7];
	[sflag:s4] =	ssyncadd.s32 $0xFFFFFEC0;
	s24 =	sshrl.u32 s25, $0x3  }
0x62: {  	[spmem:s24], [sflag:s22] =	dma.local [hbm:s26], $0x140  }
0x63: {  	_ =	swait.ge [sflag:s4], $0x140  }
0x64: {  	[sflag:s4] =	ssyncset.done $0x0;
	s30 =	rddreg [dreg:$0x18]  }
0x65: {  	s31 =	rddreg [dreg:$0x8];
	[sflag:s4] =	ssyncadd.s32 $0xFFFFFEC0;
	s25 =	sshrl.u32 s30, $0x3  }
0x66: {  	[spmem:s25], [sflag:s22] =	dma.local [hbm:s31], $0x140  }
0x67: {  	_ =	swait.ge [sflag:s4], $0x140  }
0x68: {  	[sflag:s4] =	ssyncset.done $0x0;
	s2 =	rddreg [dreg:$0x19]  }
0x69: {  	s3 =	rddreg [dreg:$0x9];
	[sflag:s4] =	ssyncadd.s32 $0xFFFFFEC0;
	s26 =	sshrl.u32 s2, $0x3  }
0x6a: {  	[spmem:s26], [sflag:s22] =	dma.local [hbm:s3], $0x140  }
0x6b: {  	_ =	swait.ge [sflag:s4], $0x140  }
0x6c: {  	[sflag:s4] =	ssyncset.done $0x0;
	s14 =	rddreg [dreg:$0x1a]  }
0x6d: {  	s17 =	rddreg [dreg:$0xa];
	[sflag:s4] =	ssyncadd.s32 $0xFFFFFEC0;
	s28 =	sshrl.u32 s14, $0x3  }
0x6e: {  	[spmem:s28], [sflag:s22] =	dma.local [hbm:s17], $0x140  }
0x6f: {  	_ =	swait.ge [sflag:s4], $0x140  }
0x70: {  	[sflag:s4] =	ssyncset.done $0x0;
	s0 =	rddreg [dreg:$0x1b]  }
0x71: {  	[sflag:s4] =	ssyncadd.s32 $0xFFFFFEC0;
	s29 =	sshrl.u32 @!p0 s0, $0x3;
	s0 =	rddreg [dreg:$0xb]  }
0x72: {  	[spmem:s29], [sflag:s22] =	dma.local @!p0 [hbm:s0], $0x140  }
0x73: {  	s0 =	simm.s32 @!p0 $0x9  }
0x74: {  	_ =	swait.ge @!p0 [sflag:s0], $0x140  }
0x75: {  	[sflag:s0] =	ssyncset.done @!p0 $0x0  }
0x76: {  	[sflag:s0] =	ssyncadd.s32 @!p0 $0xFFFFFEC0  }
0x77: {  	[bflag:$0x0] =	sbarrier.arrive $0xFFFF  }
0x78: {  	s30 =	rddreg [dreg:$0x1d]  }
0x79: {  	[tilespmem:s1], [sflag:$0x9] =	stream.linear.gather [hbm4b:s30+s1], $0x100, $0x38;
	[tilespmem:$0x7230] =	vst v63  }
0x7a: {  	_ =	swait.ge [sflag:s4], $0x100  }
0x7b: {  	[sflag:s4] =	ssyncset.done $0x0  }
0x7c: {  	s31 =	rddreg [dreg:$0x1e];
	[sflag:s4] =	ssyncadd.s32 $0xFFFFFF00  }
0x7d: {  	[tilespmem:s6], [sflag:$0x9] =	stream.linear.gather [hbm4b:s31+s1], $0x100, $0x38;
	[tilespmem:$0x7230] =	vst v63  }
0x7e: {  	_ =	swait.ge [sflag:s4], $0x100  }
.Ltmp2:
0x7f: {  	[sflag:s4] =	ssyncset.done $0x0;
	(pc) =	sbr.rel .LBB2_2-.Ltmp2, $4  }
0x80: {  	s3 =	sld [smem:$0x7FD];
	[sflag:s4] =	ssyncadd.s32 $0xFFFFFF00  }
0x81: {  	[tilespmem:s8], [sflag:$0x1] =	stream.indirect.gather [hbm4b:s5+s7], $0x20, s1, s7, $0xb8;
	[tilespmem:$0x7230] =	vst v63  }
0x82: {  	s14 =	simm.s32 $0x0;
	s2 =	rddreg [dreg:$0x1f]  }
0x83: {  	[tilespmem:s9], [sflag:$0x2] =	stream.indirect.gather [hbm4b:s5+s7], $0x20, s7, s7, $0xb8;
	[tilespmem:$0x7230] =	vst v63  }
.LBB2_8:
0x84: {  	s31 =	simm.s32 $0x100  }
0x85: {  	[tilespmem:s31], [sflag:$0x6] =	stream.linear.gather [hbm4b:s2+s1], $0x100, $0x38;
	[tilespmem:$0x7230] =	vst v63  }
0x86: {  	_ = 	snop  }
0x87: {  	[tilespmem:s11], [sflag:$0x8] =	stream.linear.gather [hbm4b:s3+s1], $0x100, $0x38;
	[tilespmem:$0x7230] =	vst v63  }
0x88: {  	_ =	swait.ge [sflag:s10], $0x1000  }
0x89: {  	[sflag:s10] =	ssyncset.done $0x0  }
0x8a: {  	[sflag:s10] =	ssyncadd.s32 $0xFFFFF000  }
0x8b: {  	[spmem:s18] =	stream.indirect.scatter.add.f32 [tilespmem:s8], [sflag:$0x3], $0x20, s6, s7, $0xb8;
	[tilespmem:$0x7230] =	vst v63  }
0x8c: {  	_ =	swait.ge [sflag:s12], $0x1000  }
0x8d: {  	[sflag:s12] =	ssyncset.done $0x0  }
0x8e: {  	s0 =	simm.s32 $0x280;
	[sflag:s12] =	ssyncadd.s32 $0xFFFFF000  }
0x8f: {  	[spmem:s18] =	stream.indirect.scatter.add.f32 [tilespmem:s9], [sflag:$0x4], $0x20, s0, s7, $0xb8;
	[tilespmem:$0x7230] =	vst v63  }
0x90: {  	_ =	swait.ge [sflag:s15], $0x1000  }
0x91: {  	s30 =	simm.s32 $0x8;
	[sflag:s15] =	ssyncset.done $0x0  }
0x92: {  	s17 =	simm.s32 $0x6;
	s0 =	simm.s32 $0x180;
	[sflag:s15] =	ssyncadd.s32 $0xFFFFF000  }
.LBB2_9:
0x93: {  	_ =	swait.ge [sflag:s17], $0x100  }
0x94: {  	[sflag:s17] =	ssyncset.done $0x0  }
0x95: {  	[sflag:s17] =	ssyncadd.s32 $0xFFFFFF00  }
0x96: {  	_ =	swait.ge [sflag:s30], $0x100  }
0x97: {  	s14 =	sadd.s32 $0x1, s14;
	[sflag:s30] =	ssyncset.done $0x0  }
0x98: {  	p1 =	sne.s32 s14, $0x28;
	[sflag:s30] =	ssyncadd.s32 $0xFFFFFF00  }
0x99: {  	[tilespmem:s8], [sflag:$0x1] =	stream.indirect.gather [hbm4b:s5+s7], $0x20, s31, s7, $0xb8;
	[tilespmem:$0x7230] =	vst v63  }
.Ltmp3:
0x9a: {  	_ = 	snop;
	(pc) =	sbr.rel @!p1 .LBB2_10-.Ltmp3, $4  }
0x9b: {  	_ =	swait.ge [sflag:s16], $0x1000  }
0x9c: {  	[sflag:s16] =	ssyncset.done $0x0  }
0x9d: {  	s2 =	sadd.s32 $0x20, s2;
	s3 =	sadd.s32 $0x20, s3;
	[sflag:s16] =	ssyncadd.s32 $0xFFFFF000  }
0x9e: {  	[tilespmem:s9], [sflag:$0x2] =	stream.indirect.gather [hbm4b:s5+s7], $0x20, s0, s7, $0xb8;
	[tilespmem:$0x7230] =	vst v63  }
.LBB2_2:
0x9f: {  	p1 =	seq.s32 s14, $0x27  }
.Ltmp4:
0xa0: {  	_ = 	snop;
	(pc) =	sbr.rel @p1 .LBB2_5-.Ltmp4, $1  }
0xa1: {  	_ =	sdelay $0x3  }
0xa2: {  	s0 =	sand.u32 $0x1, s14  }
0xa3: {  	p1 =	seq.s32 s0, $0x0  }
.Ltmp5:
0xa4: {  	_ = 	snop;
	(pc) =	sbr.rel @p1 .LBB2_8-.Ltmp5, $1  }
0xa5: {  	_ =	sdelay $0x3  }
0xa6: {  	[tilespmem:s1], [sflag:$0x5] =	stream.linear.gather [hbm4b:s2+s1], $0x100, $0x38;
	[tilespmem:$0x7230] =	vst v63  }
0xa7: {  	_ = 	snop  }
0xa8: {  	[tilespmem:s6], [sflag:$0x7] =	stream.linear.gather [hbm4b:s3+s1], $0x100, $0x38;
	[tilespmem:$0x7230] =	vst v63  }
.LBB2_5:
0xa9: {  	_ =	swait.ge [sflag:s10], $0x1000  }
0xaa: {  	[sflag:s10] =	ssyncset.done $0x0  }
0xab: {  	s0 =	simm.s32 $0x80;
	[sflag:s10] =	ssyncadd.s32 $0xFFFFF000  }
0xac: {  	[spmem:s18] =	stream.indirect.scatter.add.f32 [tilespmem:s8], [sflag:$0x3], $0x20, s11, s0, $0xb8;
	[tilespmem:$0x7230] =	vst v63  }
0xad: {  	_ =	swait.ge [sflag:s12], $0x1000  }
0xae: {  	p1 =	sne.s32 s14, $0x27;
	[sflag:s12] =	ssyncset.done $0x0  }
.Ltmp6:
0xaf: {  	[sflag:s12] =	ssyncadd.s32 $0xFFFFF000;
	(pc) =	sbr.rel @!p1 .LBB2_7-.Ltmp6, $4  }
0xb0: {  	[spmem:s18] =	stream.indirect.scatter.add.f32 [tilespmem:s9], [sflag:$0x4], $0x20, s13, s0, $0xb8;
	[tilespmem:$0x7230] =	vst v63  }
0xb1: {  	_ =	swait.ge [sflag:s15], $0x1000  }
0xb2: {  	[sflag:s15] =	ssyncset.done $0x0  }
0xb3: {  	[sflag:s15] =	ssyncadd.s32 $0xFFFFF000  }
.Ltmp7:
0xb4: {  	(pc) =	sbr.rel .LBB2_9-.Ltmp7, $2  }
0xb5: {  	_ =	sdelay $0x2  }
0xb6: {  	s31 =	simm.s32 $0x0;
	s30 =	simm.s32 $0x7;
	s17 =	simm.s32 $0x5  }
.LBB2_11:
0xb7: {  	_ =	sfence.sel $0x180000  }
0xb8: {  	[bflag:$0x0] =	sbarrier.arrive $0xFFFF  }
0xb9: {  	_ =	strace $0x9000004D  }
0xba: {  	s0 =	stileid.u32;
	[bflag:$0x2] =	sbarrier.arrive $0xFFFF  }
0xbb: {  	p0 =	sne.s32 s0, $0x0;
	s0 =	rddreg [dreg:$0x3]  }
0xbc: {  	s0 =	sadd.s32 @!p0 $0x100000, s0  }
0xbd: {  	[sflag:s0] =	ssyncadd.tile.s32 @!p0 $0x1;
	_ =	shalt  }
.Lfunc_end2:
_tile_overlayer_lowered:
.L_overlay_start_2:
0xbe: {  	(tag) =	ssettag $0x2  }
0xbf: {  	s0 =	rddreg [dreg:$0x0];
	s2 =	stileid.u32  }
0xc0: {  	s1 =	rddreg [dreg:$0x1];
	p0 =	sne.s32 s2, $0x0  }
0xc1: {  	s3 =	rddreg [dreg:$0x2];
	[bflag:$0x3] =	sbarrier.arrive $0xFFFF;
	s2 =	simm.s32 @!p0 $0x1C09  }
0xc2: {  	[timem:s3], [sflag:s2] =	dma.local @!p0 [hbm:s0], s1  }
0xc3: {  	s0 =	simm.s32 @!p0 $0x9  }
0xc4: {  	_ =	swait.ge @!p0 [sflag:s0], s1  }
0xc5: {  	s1 =	ssub.s32 @!p0 $0x0, s1;
	[sflag:s0] =	ssyncset.done @!p0 $0x0  }
0xc6: {  	[sflag:s0] =	ssyncadd.s32 @!p0 s1  }
0xc7: {  	[bflag:$0x3] =	sbarrier.arrive $0xFFFF  }
0xc8: {  	_ =	shalt  }

// kernel: kernel.8.cloned.1.call-start
scs
__scs_entry_jumppad:
0x0: {  	(pc) =	sbr.rel $0x88, $3  }
0x1: {  	(tag) =	ssettag $0x0;
	lr =	simm.s32 $0x1  }
0x2: {  	[smem:$0x3F9B] =	sst lr;
	_ =	strace $0xD0000000  }
0x3: {  	_ = 	snop  }
0x4: {  	_ = 	snop  }
0x5: {  	_ = 	snop  }
0x6: {  	_ = 	snop  }
0x7: {  	_ = 	snop  }
__scs_overlays_trampoline_lowered:
0x8: {  	[smem:$0x3FAA] =	sst s0  }
0x9: {  	[smem:$0x3FAB] =	sst s1  }
0xa: {  	[smem:$0x3FAC] =	sst s2  }
0xb: {  	[smem:$0x3FAD] =	sst s3  }
0xc: {  	[smem:$0x3FAE] =	sst s4  }
0xd: {  	[smem:$0x3FAF] =	sst s5  }
0xe: {  	[smem:$0x3FB0] =	sst s6  }
0xf: {  	[smem:$0x3FB1] =	sst s7  }
0x10: {  	[smem:$0x3FB2] =	sst s8  }
0x11: {  	[smem:$0x3FB3] =	sst s9;
	s0 =	simm.s32 @!p0 $0x0  }
0x12: {  	s1 =	sld [smem:$0x3F99];
	s0 =	simm.s32 @p0 $0x1  }
0x13: {  	[smem:$0x3FB4] =	sst s0;
	s0 =	simm.s32 @!p1 $0x0  }
0x14: {  	s2 =	sld [smem:$0x3F98];
	s0 =	simm.s32 @p1 $0x1  }
0x15: {  	[smem:$0x3FB5] =	sst s0;
	s0 =	simm.s32 @!p2 $0x0  }
0x16: {  	s3 =	sld [smem:$0x3FDB];
	s0 =	simm.s32 @p2 $0x1  }
0x17: {  	s4 =	simm.s32 $0x1BF5;
	[smem:$0x3FB7] =	sst s0  }
0x18: {  	s0 =	sld [smem:$0x3F9A];
	_ =	swait.ge [sflag:s4], $0x0  }
0x19: {  	s7 =	sld [smem:$0x3F9B]  }
0x1a: {  	s8 =	sadd.s32 $0xFFFFE003, lr  }
0x1b: {  	s9 =	sadd.s32 $0xFFFFFEF7, lr;
	s5 =	simm.s32 $0xFFFFFFFF;
	p2 =	slt.u32 s8, $0xFFFFF086  }
0x1c: {  	p1 =	slt.u32 s9, $0xF7A;
	s5 =	simm.s32 @!p2 $0x0  }
0x1d: {  	s5 =	simm.s32 @p1 $0x1;
	p0 =	seq.s32 s7, s2  }
0x1e: {  	s7 =	smul.u32 @!p0 $0xF7A, s2;
	p2 =	seq.s32 @!p0 s5, $0x0  }
0x1f: {  	s9 =	smul.u32 $0xF7A, s1;
	s8 =	simm.s32 @!p0 $0x1BF5;
	p2 =	por !p2, p0  }
0x20: {  	[sflag:s8] =	ssyncset.s32 @!p0 $0xFFFFF086;
	s6 =	sadd.s32 @!p0 s3, s7;
	s7 =	simm.s32 @!p0 $0x108  }
0x21: {  	s3 =	sadd.s32 s3, s9;
	s6 =	sadd.s32 @!p0 $0x88, s6;
	s7 =	simm.s32 @p2 $0x1082  }
0x22: {  	[simem:s7], [sflag:s8] =	dma.local @!p0 [hbm:s6], $0xF7A  }
0x23: {  	s9 =	sor.u32 $0xD0000000, s2;
	s6 =	simm.s32 $0x108;
	_ =	swait.ge @!p0 [sflag:s8], $0x0  }
0x24: {  	s3 =	sadd.s32 $0x88, s3;
	s6 =	simm.s32 @!p1 $0x1082;
	[sflag:s4] =	ssyncset.s32 $0xFFFFF086  }
0x25: {  	[simem:s6], [sflag:s4] =	dma.local [hbm:s3], $0xF7A  }
0x26: {  	[smem:$0x3F9B] =	sst s1;
	(tag) =	ssettag s2;
	_ =	strace s9  }
0x27: {  	s1 =	sld [smem:$0x3FAB]  }
0x28: {  	s2 =	sld [smem:$0x3FAC]  }
0x29: {  	s4 =	sld [smem:$0x3FAE]  }
0x2a: {  	p0 =	seq.s32 s5, $0x0;
	s5 =	sld [smem:$0x3FAF]  }
0x2b: {  	s6 =	sld [smem:$0x3FB0]  }
0x2c: {  	s7 =	sld [smem:$0x3FB1]  }
0x2d: {  	s3 =	simm.s32 $0x108;
	s8 =	sld [smem:$0x3FB2]  }
0x2e: {  	s3 =	simm.s32 @!p0 $0x1082;
	s9 =	sld [smem:$0x3FB3]  }
0x2f: {  	lr =	sadd.s32 s0, s3;
	s0 =	sld [smem:$0x3FAA]  }
0x30: {  	s3 =	sld [smem:$0x3FAD]  }
0x31: {  	[smem:$0x3FB6] =	sst s10  }
0x32: {  	s10 =	sld [smem:$0x3FB4];
	_ =	sdelay $0x3  }
0x33: {  	p0 =	seq.s32 s10, $0x1;
	s10 =	sld [smem:$0x3FB6];
	_ =	sdelay $0x3  }
0x34: {  	[smem:$0x3FB6] =	sst s10  }
0x35: {  	s10 =	sld [smem:$0x3FB5];
	_ =	sdelay $0x3  }
0x36: {  	p1 =	seq.s32 s10, $0x1;
	s10 =	sld [smem:$0x3FB6];
	_ =	sdelay $0x3  }
0x37: {  	[smem:$0x3FB6] =	sst s10  }
0x38: {  	s10 =	sld [smem:$0x3FB7]  }
0x39: {  	_ = 	snop;
	(pc) =	sbr.ind lr, $3  }
0x3a: {  	_ = 	snop  }
0x3b: {  	_ = 	snop  }
0x3c: {  	p2 =	seq.s32 s10, $0x1;
	s10 =	sld [smem:$0x3FB6]  }
0x3d: {  	_ =	shalt  }
0x3e: {  	_ =	shalt  }
0x3f: {  	_ =	shalt  }
0x40: {  	_ =	shalt  }
0x41: {  	_ =	shalt  }
0x42: {  	_ =	shalt  }
0x43: {  	_ =	shalt  }
0x44: {  	_ =	shalt  }
0x45: {  	_ =	shalt  }
0x46: {  	_ =	shalt  }
0x47: {  	_ =	shalt  }
0x48: {  	_ =	shalt  }
0x49: {  	_ =	shalt  }
0x4a: {  	_ =	shalt  }
0x4b: {  	_ =	shalt  }
0x4c: {  	_ =	shalt  }
0x4d: {  	_ =	shalt  }
0x4e: {  	_ =	shalt  }
0x4f: {  	_ =	shalt  }
0x50: {  	_ =	shalt  }
0x51: {  	_ =	shalt  }
0x52: {  	_ =	shalt  }
0x53: {  	_ =	shalt  }
0x54: {  	_ =	shalt  }
0x55: {  	_ =	shalt  }
0x56: {  	_ =	shalt  }
0x57: {  	_ =	shalt  }
0x58: {  	_ =	shalt  }
0x59: {  	_ =	shalt  }
0x5a: {  	_ =	shalt  }
0x5b: {  	_ =	shalt  }
0x5c: {  	_ =	shalt  }
0x5d: {  	_ =	shalt  }
0x5e: {  	_ =	shalt  }
0x5f: {  	_ =	shalt  }
0x60: {  	_ =	shalt  }
0x61: {  	_ =	shalt  }
0x62: {  	_ =	shalt  }
0x63: {  	_ =	shalt  }
0x64: {  	_ =	shalt  }
0x65: {  	_ =	shalt  }
0x66: {  	_ =	shalt  }
0x67: {  	_ =	shalt  }
0x68: {  	_ =	shalt  }
0x69: {  	_ =	shalt  }
0x6a: {  	_ =	shalt  }
0x6b: {  	_ =	shalt  }
0x6c: {  	_ =	shalt  }
0x6d: {  	_ =	shalt  }
0x6e: {  	_ =	shalt  }
0x6f: {  	_ =	shalt  }
0x70: {  	_ =	shalt  }
0x71: {  	_ =	shalt  }
0x72: {  	_ =	shalt  }
0x73: {  	_ =	shalt  }
0x74: {  	_ =	shalt  }
0x75: {  	_ =	shalt  }
0x76: {  	_ =	shalt  }
0x77: {  	_ =	shalt  }
0x78: {  	_ =	shalt  }
0x79: {  	_ =	shalt  }
0x7a: {  	_ =	shalt  }
0x7b: {  	_ =	shalt  }
0x7c: {  	_ =	shalt  }
0x7d: {  	_ =	shalt  }
0x7e: {  	_ =	shalt  }
0x7f: {  	_ =	shalt  }
0x80: {  	_ =	shalt  }
0x81: {  	_ =	shalt  }
0x82: {  	_ =	shalt  }
0x83: {  	_ =	shalt  }
0x84: {  	_ =	shalt  }
0x85: {  	_ =	shalt  }
0x86: {  	_ =	shalt  }
0x87: {  	_ =	shalt  }
.Lfunc_end0:
.L_simem_size_0:
called_computation_lowered:
.L_overlay_start_0:
0x88: {  	s2 =	sld [smem:$0x3FD9]  }
0x89: {  	s3 =	sld [smem:$0x3FFE];
	_ =	sdelay $0x1  }
0x8a: {  	s1 =	srdreg.scid  }
0x8b: {  	s0 =	sand.u32 $0x1, s1  }
0x8c: {  	s17 =	sshll.u32 s0, $0xA;
	s2 =	sadd.s32 s3, s2  }
0x8d: {  	s2 =	sadd.s32 s2, s17  }
0x8e: {  	[smem:$0x3FC2] =	sst s2  }
0x8f: {  	_ = 	snop  }
0x90: {  	s2 =	sld [smem:$0x3FD0];
	(tm) =	ssettm $0x1  }
0x91: {  	s18 =	sld [smem:$0x3FFB];
	_ =	sdelay $0x3  }
0x92: {  	_ =	strace s18  }
0x93: {  	s3 =	sld [smem:$0x3FFC];
	_ =	sdelay $0x3  }
0x94: {  	_ =	strace s3  }
0x95: {  	s3 =	sld [smem:$0x3FFD];
	_ =	sdelay $0x3  }
0x96: {  	_ =	strace s3  }
0x97: {  	_ =	strace $0x8FFFFFFF  }
0x98: {  	s19 =	sld [smem:$0x3FDB];
	_ =	sdelay $0x1  }
0x99: {  	s4 =	simm.s32 $_scs_section_size  }
0x9a: {  	s5 =	simm.s32 $_size__tile_overlayer_lowered;
	s6 =	simm.s32 $_tile_overlayer_lowered  }
0x9b: {  	s22 =	simm.s32 $0x1BFF;
	s21 =	sshll.u32 s6, $0x1;
	s3 =	sadd.s32 s4, s19  }
0x9c: {  	s7 =	simm.s32 $0x0;
	s20 =	sshll.u32 s5, $0x1;
	s5 =	sadd.s32 s21, s3  }
0x9d: {  	[timem:s7], [sflag:s22] =	dma.local [hbm:s5], s20  }
0x9e: {  	_ =	swait.ge [sflag:s22], s20  }
0x9f: {  	s4 =	ssub.s32 $0x0, s20;
	[sflag:s22] =	ssyncset.done $0x0  }
0xa0: {  	[sflag:s22] =	ssyncadd.s32 s4;
	_ =	sdelay $0x1  }
0xa1: {  	s23 =	simm.s32 $0x1B8B  }
0xa2: {  	_ =	swait.ge [sflag:s23], $0x1  }
0xa3: {  	[sflag:s23] =	ssyncset.done $0x0  }
0xa4: {  	s25 =	simm.s32 $0x1B8E;
	s24 =	sld [smem:$0x3FFE];
	[sflag:s23] =	ssyncadd.s32 $0xFFFFFFFF  }
0xa5: {  	s26 =	simm.s32 $execute0_lowered;
	[smem:$0x3FD2] =	sst s25  }
0xa6: {  	s5 =	sshll.u32 s26, $0x1;
	_ =	strace $0x80000046;
	[dreg:$0x1] =	wrdreg $0xFFFFFFFF  }
0xa7: {  	s28 =	simm.s32 $_size_execute0_lowered;
	s3 =	sadd.s32 s3, s5;
	[dreg:$0x0] =	wrdreg $0x0  }
0xa8: {  	s5 =	sshll.u32 s28, $0x1;
	[dreg:$0x2] =	wrdreg s3  }
0xa9: {  	[dreg:$0x3] =	wrdreg s5  }
0xaa: {  	[dreg:$0x4] =	wrdreg $0xC0  }
0xab: {  	_ =	task [dreg:s7], $0x5FFFF  }
0xac: {  	[dreg:$0x1] =	wrdreg $0xFFFFFFFF  }
0xad: {  	[dreg:$0x0] =	wrdreg $0x60  }
0xae: {  	[dreg:$0x2] =	wrdreg s24  }
0xaf: {  	[dreg:$0x3] =	wrdreg s2  }
0xb0: {  	[dreg:$0x4] =	wrdreg $0xA000  }
0xb1: {  	[dreg:$0x5] =	wrdreg $0x9  }
0xb2: {  	_ =	task.clear_ibuf [dreg:s7], $0x6FFFF;
	_ =	strace $0x90000046  }
0xb3: {  	s29 =	simm.s32 $0x9;
	_ =	strace $0x80000048  }
0xb4: {  	_ =	swait.ge [sflag:s29], $0x1  }
0xb5: {  	[sflag:s29] =	ssyncadd.s32 $0xFFFFFFFF  }
0xb6: {  	_ =	strace $0x90000048  }
0xb7: {  	_ =	sfence  }
0xb8: {  	s30 =	sld [smem:$0x0];
	_ =	sdelay $0x2  }
0xb9: {  	s31 =	sshll.u32 s1, $0xD;
	s1 =	sshrl.u32 s1, $0x2  }
0xba: {  	s3 =	sand.u32 $0x4000, s31;
	s1 =	sadd.s32 s1, s30  }
0xbb: {  	s0 =	sor.u32 s3, s0;
	s1 =	sshll.u32 s1, $0x11  }
0xbc: {  	s0 =	sor.u32 s1, s0  }
0xbd: {  	s0 =	sadd.s32 $0x8F2B, s0  }
0xbe: {  	[sflag:s0] =	ssyncadd.remote.s32 $0x1  }
0xbf: {  	_ =	sfence.sel $0xFFFF  }
0xc0: {  	[dreg:$0x0] =	wrdreg $0xFFFFFFFF;
	(pc) =	sbr.abs _section_cstart, $3  }
0xc1: {  	[dreg:$0x1] =	wrdreg $0xFFFFFFFF  }
0xc2: {  	_ =	task.clear_ibuf [dreg:s7], $0x2FFFF;
	_ =	strace $0x9FFFFFFF  }
0xc3: {  	(tm) =	ssettm $0x7FFFFFFF  }
tec
execute0_lowered:
.L_overlay_start_1:
0x0: {  	(tag) =	ssettag $0x1  }
0x1: {  	s0 =	rddreg [dreg:$0x0]  }
0x2: {  	s2 =	rddreg [dreg:$0x1]  }
0x3: {  	s1 =	rddreg [dreg:$0x2]  }
0x4: {  	s3 =	srdreg.scid;
	s17 =	stileid.u32;
	s29 =	simm.s32 $0x4  }
0x5: {  	s30 =	simm.s32 $0x200;
	s31 =	simm.s32 $0x80;
	s4 =	sand.u32 $0x1, s3  }
0x6: {  	s3 =	simm.s32 $0x0;
	s7 =	smul.u32 $0x500, s17;
	s19 =	sor.u32 $0x70, s17  }
0x7: {  	p0 =	sgt.u32 s17, $0xC;
	s5 =	ssub.s32 $0x2, s4;
	[smem:$0x7FF] =	sst s3  }
0x8: {  	s10 =	smul.u32 $0x27100, s4;
	s6 =	sshrl.u32 s5, $0x1;
	_ =	strace $0x80000047  }
0x9: {  	s8 =	sadd.s32 $0x5000, s7;
	s9 =	sadd.s32 $0xA000, s7;
	s11 =	sadd.s32 $0xF000, s7  }
0xa: {  	s14 =	sadd.s32 $0x14000, s7;
	s15 =	sadd.s32 $0x19000, s7;
	s22 =	sadd.s32 $0x1E000, s7  }
0xb: {  	s5 =	ssub.s32 s5, s6;
	s6 =	sshll.u32 s17, $0x1;
	s12 =	sadd.s32 s7, s10  }
0xc: {  	s13 =	sadd.s32 s10, s8;
	s25 =	sadd.s32 s10, s9;
	s26 =	sadd.s32 s10, s11  }
0xd: {  	s16 =	sadd.s32 s10, s14;
	s21 =	sadd.s32 s10, s15;
	s23 =	sadd.s32 s10, s22  }
0xe: {  	s22 =	sadd.s32 s22, s1;
	s12 =	sshrl.u32 s12, $0x3;
	s13 =	sshrl.u32 s13, $0x3  }
0xf: {  	s16 =	sshrl.u32 s16, $0x3;
	s12 =	sadd.s32 s2, s12;
	s24 =	sadd.s32 s2, s13  }
0x10: {  	s13 =	sshrl.u32 s26, $0x3;
	s20 =	sadd.s32 s2, s16;
	[dreg:$0x4] =	wrdreg s12  }
0x11: {  	s26 =	sor.u32 s4, s6;
	s4 =	smul.u32 $0x280, s4;
	[dreg:$0x5] =	wrdreg s24  }
0x12: {  	s16 =	sadd.s32 s7, s1;
	s12 =	sshrl.u32 s25, $0x3;
	[dreg:$0x8] =	wrdreg s20  }
0x13: {  	s24 =	smul.u32 $0x500, s19;
	s18 =	sadd.s32 s2, s13;
	[dreg:$0xd] =	wrdreg s16  }
0x14: {  	s13 =	sshrl.u32 s23, $0x3;
	s20 =	sadd.s32 s9, s1;
	[dreg:$0x7] =	wrdreg s18  }
0x15: {  	s23 =	sadd.s32 s11, s1;
	s12 =	sadd.s32 s2, s12;
	[dreg:$0xf] =	wrdreg s20  }
0x16: {  	s25 =	sadd.s32 s2, s13;
	s13 =	sadd.s32 $0x6E00, s0;
	[dreg:$0x10] =	wrdreg s23  }
0x17: {  	s4 =	sadd.s32 s4, s7;
	s18 =	sadd.s32 s8, s1;
	[dreg:$0x6] =	wrdreg s12  }
0x18: {  	s10 =	sadd.s32 s10, s24;
	s12 =	sshrl.u32 s21, $0x3;
	[dreg:$0xa] =	wrdreg s25  }
0x19: {  	[dreg:$0xe] =	wrdreg s18;
	s21 =	smul.u32 $0x1400, s19;
	s25 =	sadd.s32 s14, s1  }
0x1a: {  	s10 =	sshrl.u32 s10, $0x3;
	s12 =	sadd.s32 s2, s12;
	[dreg:$0x11] =	wrdreg s25  }
0x1b: {  	s25 =	sor.u32 $0x20, s4;
	[dreg:$0x9] =	wrdreg s12;
	s2 =	sadd.s32 s2, s10  }
0x1c: {  	s12 =	sadd.s32 $0x1C00, s0;
	s0 =	sadd.s32 $0x6C00, s0;
	[dreg:$0xb] =	wrdreg s2  }
0x1d: {  	s10 =	sshll.u32 s17, $0x6;
	[dreg:$0xc] =	wrdreg s0;
	s2 =	smul.u32 $0x280, s26  }
0x1e: {  	s16 =	sor.u32 $0x1C04, s10;
	s26 =	sadd.s32 s15, s1;
	s0 =	sshrl.u32 s21, $0x2  }
0x1f: {  	[dreg:$0x12] =	wrdreg s26;
	s0 =	sadd.s32 s0, s1;
	s23 =	sadd.s32 s12, s2  }
0x20: {  	s2 =	sadd.s32 s24, s1;
	s24 =	smax.u32 s5, $0x1;
	s26 =	sshrl.u32 @!p0 s0, $0x3  }
0x21: {  	s0 =	simm.s32 $0x1;
	s28 =	sshrl.u32 @!p0 s2, $0x3;
	s2 =	simm.s32 $0x0  }
.LBB2_1:
0x22: {  	s4 =	rddreg [dreg:$0xd]  }
0x23: {  	s4 =	sshrl.u32 s4, $0x3  }
0x24: {  	[spmem:s4], [sflag:s16] =	dma.local [hbm:s13], $0xA0  }
0x25: {  	_ =	swait.ge [sflag:s29], $0xA0  }
0x26: {  	[sflag:s29] =	ssyncset.done $0x0;
	s5 =	rddreg [dreg:$0xe]  }
0x27: {  	[sflag:s29] =	ssyncadd.s32 $0xFFFFFF60;
	s5 =	sshrl.u32 s5, $0x3  }
0x28: {  	[spmem:s5], [sflag:s16] =	dma.local [hbm:s13], $0xA0  }
0x29: {  	_ =	swait.ge [sflag:s29], $0xA0  }
0x2a: {  	[sflag:s29] =	ssyncset.done $0x0;
	s6 =	rddreg [dreg:$0xf]  }
0x2b: {  	[sflag:s29] =	ssyncadd.s32 $0xFFFFFF60;
	s6 =	sshrl.u32 s6, $0x3  }
0x2c: {  	[spmem:s6], [sflag:s16] =	dma.local [hbm:s13], $0xA0  }
0x2d: {  	_ =	swait.ge [sflag:s29], $0xA0  }
0x2e: {  	[sflag:s29] =	ssyncset.done $0x0;
	s7 =	rddreg [dreg:$0x10]  }
0x2f: {  	[sflag:s29] =	ssyncadd.s32 $0xFFFFFF60;
	s7 =	sshrl.u32 s7, $0x3  }
0x30: {  	[spmem:s7], [sflag:s16] =	dma.local [hbm:s13], $0xA0  }
0x31: {  	_ =	swait.ge [sflag:s29], $0xA0  }
0x32: {  	[sflag:s29] =	ssyncset.done $0x0;
	s8 =	rddreg [dreg:$0x11]  }
0x33: {  	[sflag:s29] =	ssyncadd.s32 $0xFFFFFF60;
	s8 =	sshrl.u32 s8, $0x3  }
0x34: {  	[spmem:s8], [sflag:s16] =	dma.local [hbm:s13], $0xA0  }
0x35: {  	_ =	swait.ge [sflag:s29], $0xA0  }
0x36: {  	[sflag:s29] =	ssyncset.done $0x0;
	s9 =	rddreg [dreg:$0x12]  }
0x37: {  	[sflag:s29] =	ssyncadd.s32 $0xFFFFFF60;
	s9 =	sshrl.u32 s9, $0x3  }
0x38: {  	[spmem:s9], [sflag:s16] =	dma.local [hbm:s13], $0xA0  }
0x39: {  	_ =	swait.ge [sflag:s29], $0xA0  }
0x3a: {  	[sflag:s29] =	ssyncset.done $0x0  }
0x3b: {  	s10 =	sshrl.u32 s22, $0x3;
	[sflag:s29] =	ssyncadd.s32 $0xFFFFFF60  }
0x3c: {  	[spmem:s10], [sflag:s16] =	dma.local [hbm:s13], $0xA0  }
0x3d: {  	_ =	swait.ge [sflag:s29], $0xA0  }
0x3e: {  	[sflag:s29] =	ssyncset.done $0x0  }
0x3f: {  	s11 =	simm.s32 @!p0 $0x4;
	[sflag:s29] =	ssyncadd.s32 $0xFFFFFF60  }
0x40: {  	[spmem:s26], [sflag:s16] =	dma.local @!p0 [hbm:s13], $0xA0  }
0x41: {  	_ =	swait.ge @!p0 [sflag:s11], $0xA0  }
0x42: {  	[sflag:s11] =	ssyncset.done @!p0 $0x0  }
0x43: {  	s19 =	rddreg [dreg:$0xc];
	[sflag:s11] =	ssyncadd.s32 @!p0 $0xFFFFFF60  }
0x44: {  	[tilespmem:s30], [sflag:$0x4] =	stream.linear.gather [hbm4b:s19+s3], $0x800, $0x38;
	[tilespmem:$0x3118] =	vst v63  }
0x45: {  	_ =	swait.ge [sflag:s29], $0x800  }
0x46: {  	[sflag:s29] =	ssyncset.done $0x0  }
0x47: {  	[sflag:s29] =	ssyncadd.s32 $0xFFFFF800  }
0x48: {  	s20 =	sand.u32 $0x1, s3;
	[bflag:$0x0] =	sbarrier.arrive $0xFFFF  }
0x49: {  	[tilespmem:s3], [sflag:$0x4] =	stream.linear.gather [hbm4b:s23+s3], $0x100, $0x38;
	[tilespmem:$0x3118] =	vst v63  }
0x4a: {  	p1 =	seq.s32 s20, $0x0;
	_ =	swait.ge [sflag:s29], $0x100  }
0x4b: {  	s14 =	simm.s32 @p1 $0x0;
	[sflag:s29] =	ssyncset.done $0x0  }
0x4c: {  	s15 =	simm.s32 @p1 $0x100;
	s11 =	sadd.s32 @p1 s25, s12;
	[sflag:s29] =	ssyncadd.s32 $0xFFFFFF00  }
0x4d: {  	[tilespmem:s15], [sflag:$0x3] =	stream.linear.gather @p1 [hbm4b:s11+s14], $0x100, $0x38;
	[tilespmem:$0x3118] =	vst v63  }
0x4e: {  	s11 =	sand.u32 @!p1 $0x1FFFFFC0, s25  }
0x4f: {  	s14 =	simm.s32 @!p1 $0x0;
	s15 =	simm.s32 @!p1 $0x100;
	s11 =	sadd.s32 @!p1 s12, s11  }
0x50: {  	[tilespmem:s14], [sflag:$0x2] =	stream.linear.gather @!p1 [hbm4b:s11+s14], $0x100, $0x38;
	[tilespmem:$0x3118] =	vst v63  }
0x51: {  	s15 =	simm.s32 @p1 $0x0;
	s11 =	simm.s32 @!p1 $0x180  }
0x52: {  	[spmem:s1] =	stream.indirect.scatter.add.f32 [tilespmem:s30], [sflag:$0x1], $0x10, s15, s31, $0xb8;
	[tilespmem:$0x3118] =	vst v63  }
0x53: {  	s11 =	simm.s32 @p1 $0x80  }
0x54: {  	[spmem:s1] =	stream.indirect.scatter.add.f32 [tilespmem:s30], [sflag:$0x1], $0x10, s11, s31, $0xb8;
	[tilespmem:$0x3118] =	vst v63  }
0x55: {  	_ =	swait.ge [sflag:s0], $0x800  }
0x56: {  	[sflag:s0] =	ssyncset.done $0x0  }
0x57: {  	[sflag:s0] =	ssyncadd.s32 $0xFFFFF800  }
0x58: {  	s21 =	simm.s32 $0x1;
	_ =	swait.ge [sflag:s0], $0x800  }
0x59: {  	s14 =	sand.u32 $0x1, s21;
	s15 =	simm.s32 @!p1 $0x2;
	[sflag:s0] =	ssyncset.done $0x0  }
0x5a: {  	s15 =	simm.s32 @p1 $0x3;
	p1 =	seq.s32 s14, $0x0;
	[sflag:s0] =	ssyncadd.s32 $0xFFFFF800  }
0x5b: {  	s14 =	sadd.s32 $0x20, s25;
	s11 =	simm.s32 $0x2;
	_ =	swait.ge [sflag:s15], $0x100  }
.LBB2_2:
0x5c: {  	s17 =	sadd.s32 @p1 s14, s12  }
0x5d: {  	s18 =	simm.s32 @p1 $0x0;
	[sflag:s15] =	ssyncset.done $0x0;
	s19 =	smov.u32 s11  }
0x5e: {  	s20 =	simm.s32 @p1 $0x100;
	s21 =	sand.u32 @!p1 $0x1FFFFFC0, s14;
	[sflag:s15] =	ssyncadd.s32 $0xFFFFFF00  }
0x5f: {  	[tilespmem:s20], [sflag:$0x3] =	stream.linear.gather @p1 [hbm4b:s17+s18], $0x100, $0x38;
	[tilespmem:$0x3118] =	vst v63  }
0x60: {  	s15 =	sadd.s32 @!p1 s12, s21;
	s17 =	simm.s32 @!p1 $0x0;
	s18 =	simm.s32 @!p1 $0x100  }
0x61: {  	[tilespmem:s17], [sflag:$0x2] =	stream.linear.gather @!p1 [hbm4b:s15+s17], $0x100, $0x38;
	[tilespmem:$0x3118] =	vst v63  }
0x62: {  	s11 =	sadd.s32 $0x1, s11;
	s18 =	simm.s32 @p1 $0x0;
	s15 =	simm.s32 @!p1 $0x180  }
0x63: {  	[spmem:s1] =	stream.indirect.scatter.add.f32 [tilespmem:s30], [sflag:$0x1], $0x10, s18, s31, $0xb8;
	[tilespmem:$0x3118] =	vst v63  }
0x64: {  	p2 =	sne.s32 s11, $0x13;
	s15 =	simm.s32 @p1 $0x80  }
0x65: {  	[spmem:s1] =	stream.indirect.scatter.add.f32 [tilespmem:s30], [sflag:$0x1], $0x10, s15, s31, $0xb8;
	[tilespmem:$0x3118] =	vst v63  }
0x66: {  	_ =	swait.ge [sflag:s0], $0x800  }
0x67: {  	[sflag:s0] =	ssyncset.done $0x0  }
.Ltmp0:
0x68: {  	[sflag:s0] =	ssyncadd.s32 $0xFFFFF800;
	(pc) =	sbr.rel @p2 .LBB2_2-.Ltmp0, $4  }
0x69: {  	_ =	swait.ge [sflag:s0], $0x800  }
0x6a: {  	s15 =	simm.s32 @!p1 $0x2;
	[sflag:s0] =	ssyncset.done $0x0  }
0x6b: {  	s17 =	sand.u32 $0x1, s19;
	s15 =	simm.s32 @p1 $0x3;
	[sflag:s0] =	ssyncadd.s32 $0xFFFFF800  }
0x6c: {  	s14 =	sadd.s32 $0x20, s14;
	p1 =	seq.s32 s17, $0x0;
	_ =	swait.ge [sflag:s15], $0x100  }
0x6d: {  	s11 =	sadd.s32 @p1 s14, s12;
	[sflag:s15] =	ssyncset.done $0x0  }
0x6e: {  	s17 =	simm.s32 @p1 $0x0;
	[sflag:s15] =	ssyncadd.s32 $0xFFFFFF00;
	s15 =	simm.s32 @p1 $0x100  }
0x6f: {  	[tilespmem:s15], [sflag:$0x3] =	stream.linear.gather @p1 [hbm4b:s11+s17], $0x100, $0x38;
	[tilespmem:$0x3118] =	vst v63  }
0x70: {  	s11 =	sand.u32 @!p1 $0x1FFFFFC0, s14  }
0x71: {  	s14 =	simm.s32 @!p1 $0x0;
	s11 =	sadd.s32 @!p1 s12, s11  }
0x72: {  	[tilespmem:s14], [sflag:$0x2] =	stream.linear.gather @!p1 [hbm4b:s11+s14], $0x100, $0x38;
	[tilespmem:$0x3118] =	vst v63  }
0x73: {  	s11 =	simm.s32 @!p1 $0x100  }
0x74: {  	s11 =	simm.s32 @p1 $0x0  }
0x75: {  	[spmem:s1] =	stream.indirect.scatter.add.f32 [tilespmem:s30], [sflag:$0x1], $0x10, s11, s31, $0xb8;
	[tilespmem:$0x3118] =	vst v63  }
0x76: {  	s11 =	simm.s32 @!p1 $0x180  }
0x77: {  	s11 =	simm.s32 @p1 $0x80  }
0x78: {  	[spmem:s1] =	stream.indirect.scatter.add.f32 [tilespmem:s30], [sflag:$0x1], $0x10, s11, s31, $0xb8;
	[tilespmem:$0x3118] =	vst v63  }
0x79: {  	_ =	swait.ge [sflag:s0], $0x800  }
0x7a: {  	[sflag:s0] =	ssyncset.done $0x0  }
0x7b: {  	[sflag:s0] =	ssyncadd.s32 $0xFFFFF800  }
0x7c: {  	_ =	swait.ge [sflag:s0], $0x800  }
0x7d: {  	s11 =	simm.s32 @!p1 $0x2;
	[sflag:s0] =	ssyncset.done $0x0  }
0x7e: {  	s11 =	simm.s32 @p1 $0x3;
	[sflag:s0] =	ssyncadd.s32 $0xFFFFF800  }
0x7f: {  	_ =	swait.ge [sflag:s11], $0x100  }
0x80: {  	[sflag:s11] =	ssyncset.done $0x0  }
0x81: {  	s20 =	simm.s32 $0x100;
	[sflag:s11] =	ssyncadd.s32 $0xFFFFFF00  }
0x82: {  	[spmem:s1] =	stream.indirect.scatter.add.f32 [tilespmem:s30], [sflag:$0x1], $0x10, s20, s31, $0xb8;
	[tilespmem:$0x3118] =	vst v63  }
0x83: {  	s21 =	simm.s32 $0x180  }
0x84: {  	[spmem:s1] =	stream.indirect.scatter.add.f32 [tilespmem:s30], [sflag:$0x1], $0x10, s21, s31, $0xb8;
	[tilespmem:$0x3118] =	vst v63  }
0x85: {  	_ =	swait.ge [sflag:s0], $0x800  }
0x86: {  	[sflag:s0] =	ssyncset.done $0x0  }
0x87: {  	[sflag:s0] =	ssyncadd.s32 $0xFFFFF800  }
0x88: {  	_ =	swait.ge [sflag:s0], $0x800  }
0x89: {  	[sflag:s0] =	ssyncset.done $0x0  }
0x8a: {  	[sflag:s0] =	ssyncadd.s32 $0xFFFFF800  }
0x8b: {  	[bflag:$0x0] =	sbarrier.arrive $0xFFFF  }
0x8c: {  	s14 =	rddreg [dreg:$0x4]  }
0x8d: {  	[hbm:s14], [sflag:s16] =	dma.local [spmem:s4], $0xA0  }
0x8e: {  	_ =	swait.ge [sflag:s29], $0xA0  }
0x8f: {  	[sflag:s29] =	ssyncset.done $0x0  }
0x90: {  	s15 =	rddreg [dreg:$0x5];
	[sflag:s29] =	ssyncadd.s32 $0xFFFFFF60  }
0x91: {  	[hbm:s15], [sflag:s16] =	dma.local [spmem:s5], $0xA0  }
0x92: {  	_ =	swait.ge [sflag:s29], $0xA0  }
0x93: {  	[sflag:s29] =	ssyncset.done $0x0  }
0x94: {  	s17 =	rddreg [dreg:$0x6];
	[sflag:s29] =	ssyncadd.s32 $0xFFFFFF60  }
0x95: {  	[hbm:s17], [sflag:s16] =	dma.local [spmem:s6], $0xA0  }
0x96: {  	_ =	swait.ge [sflag:s29], $0xA0  }
0x97: {  	[sflag:s29] =	ssyncset.done $0x0  }
0x98: {  	s18 =	rddreg [dreg:$0x7];
	[sflag:s29] =	ssyncadd.s32 $0xFFFFFF60  }
0x99: {  	[hbm:s18], [sflag:s16] =	dma.local [spmem:s7], $0xA0  }
0x9a: {  	_ =	swait.ge [sflag:s29], $0xA0  }
0x9b: {  	[sflag:s29] =	ssyncset.done $0x0  }
0x9c: {  	s19 =	rddreg [dreg:$0x8];
	[sflag:s29] =	ssyncadd.s32 $0xFFFFFF60  }
0x9d: {  	[hbm:s19], [sflag:s16] =	dma.local [spmem:s8], $0xA0  }
0x9e: {  	_ =	swait.ge [sflag:s29], $0xA0  }
0x9f: {  	[sflag:s29] =	ssyncset.done $0x0  }
0xa0: {  	s20 =	rddreg [dreg:$0x9];
	[sflag:s29] =	ssyncadd.s32 $0xFFFFFF60  }
0xa1: {  	[hbm:s20], [sflag:s16] =	dma.local [spmem:s9], $0xA0  }
0xa2: {  	_ =	swait.ge [sflag:s29], $0xA0  }
0xa3: {  	[sflag:s29] =	ssyncset.done $0x0  }
0xa4: {  	s21 =	rddreg [dreg:$0xa];
	[sflag:s29] =	ssyncadd.s32 $0xFFFFFF60  }
0xa5: {  	[hbm:s21], [sflag:s16] =	dma.local [spmem:s10], $0xA0  }
0xa6: {  	_ =	swait.ge [sflag:s29], $0xA0  }
0xa7: {  	s2 =	sadd.s32 $0x1, s2;
	[sflag:s29] =	ssyncset.done $0x0  }
0xa8: {  	p1 =	sne.s32 s2, s24;
	s4 =	rddreg [dreg:$0xb];
	[sflag:s29] =	ssyncadd.s32 $0xFFFFFF60  }
0xa9: {  	[hbm:s4], [sflag:s16] =	dma.local @!p0 [spmem:s28], $0xA0  }
.Ltmp1:
0xaa: {  	_ = 	snop;
	(pc) =	sbr.rel @p1 .LBB2_1-.Ltmp1, $4  }
0xab: {  	s4 =	simm.s32 @!p0 $0x4  }
0xac: {  	_ =	swait.ge @!p0 [sflag:s4], $0xA0  }
0xad: {  	[sflag:s4] =	ssyncset.done @!p0 $0x0  }
0xae: {  	[sflag:s4] =	ssyncadd.s32 @!p0 $0xFFFFFF60  }
0xaf: {  	_ =	sfence.sel $0x180000  }
0xb0: {  	[bflag:$0x0] =	sbarrier.arrive $0xFFFF  }
0xb1: {  	_ =	strace $0x90000047  }
0xb2: {  	s0 =	stileid.u32;
	[bflag:$0x2] =	sbarrier.arrive $0xFFFF  }
0xb3: {  	p0 =	sne.s32 s0, $0x0;
	s0 =	rddreg [dreg:$0x3]  }
0xb4: {  	s0 =	sadd.s32 @!p0 $0x100000, s0  }
0xb5: {  	[sflag:s0] =	ssyncadd.tile.s32 @!p0 $0x1;
	_ =	shalt  }
.Lfunc_end2:
_tile_overlayer_lowered:
.L_overlay_start_2:
0xb6: {  	(tag) =	ssettag $0x2  }
0xb7: {  	s0 =	rddreg [dreg:$0x0];
	s2 =	stileid.u32  }
0xb8: {  	s1 =	rddreg [dreg:$0x1];
	p0 =	sne.s32 s2, $0x0  }
0xb9: {  	s3 =	rddreg [dreg:$0x2];
	[bflag:$0x3] =	sbarrier.arrive $0xFFFF;
	s2 =	simm.s32 @!p0 $0x1C04  }
0xba: {  	[timem:s3], [sflag:s2] =	dma.local @!p0 [hbm:s0], s1  }
0xbb: {  	s0 =	simm.s32 @!p0 $0x4  }
0xbc: {  	_ =	swait.ge @!p0 [sflag:s0], s1  }
0xbd: {  	s1 =	ssub.s32 @!p0 $0x0, s1;
	[sflag:s0] =	ssyncset.done @!p0 $0x0  }
0xbe: {  	[sflag:s0] =	ssyncadd.s32 @!p0 s1  }
0xbf: {  	[bflag:$0x3] =	sbarrier.arrive $0xFFFF  }
0xc0: {  	_ =	shalt  }

</sc_bundles>
